<compile_context>
chip_gen: v7x
topology: tpu7x:2x2x1
jax: 0.10.2.dev20260603
libtpu: 0.0.44.dev20260713+nightly
codegen_flags: <defaults>
</compile_context>

<pallas_src>
import functools

import jax
import jax.numpy as jnp
from jax import lax
from jax.experimental import pallas as pl
from jax.experimental.pallas import tpu as pltpu
from jax.experimental.pallas import tpu_sc as plsc

_B = 2
_R = 131072
_N = _B * _R
_NC = 2
_NS = 16
_NW = _NC * _NS
_RPW = _N // _NW
_CH = 2048
_NCHUNK = _RPW // _CH
_L = 16

_LN2 = 0.6931471805599453


def _sl1(x):
    ax = jnp.abs(x)
    return jnp.where(ax < 1.0, 0.5 * x * x, ax - 0.5)


def _log_f32(x):
    xb = plsc.bitcast(x, jnp.int32)
    eb = xb - 0x3F3504F3
    e = lax.shift_right_arithmetic(eb, 23)
    mb = xb - lax.shift_left(e, 23)
    m = plsc.bitcast(mb, jnp.float32)
    ef = e.astype(jnp.float32)
    r = m - 1.0
    s = r / (2.0 + r)
    z = s * s
    p = ((z * (1.0 / 9.0) + (1.0 / 7.0)) * z + (1.0 / 5.0)) * z + (1.0 / 3.0)
    lm = 2.0 * s + 2.0 * s * z * p
    return ef * _LN2 + lm


@functools.partial(
    pl.kernel,
    mesh=plsc.VectorSubcoreMesh(core_axis_name="c", subcore_axis_name="s"),
    out_type=jax.ShapeDtypeStruct((_NW * 5 * _L,), jnp.float32),
    compiler_params=pltpu.CompilerParams(needs_layout_passes=False),
    scratch_types=[
        pltpu.VMEM((_CH * 4,), jnp.float32),
        pltpu.VMEM((_CH * 4,), jnp.float32),
        pltpu.VMEM((_CH * 4,), jnp.float32),
        pltpu.VMEM((_CH * 7,), jnp.float32),
        pltpu.VMEM((_CH * 7,), jnp.float32),
        pltpu.VMEM((_CH,), jnp.int32),
        pltpu.VMEM((_CH,), jnp.int32),
        pltpu.VMEM((5 * _L,), jnp.float32),
    ],
)
def _sc_partials(prob_h, b2_h, t2_h, b3_h, t3_h, lab_h, bg_h,
                 out_h, prob_v, b2_v, t2_v, b3_v, t3_v, lab_v, bg_v, res_v):
    wid = lax.axis_index("s") * _NC + lax.axis_index("c")
    iota = lax.iota(jnp.int32, _L)
    iota4 = iota * 4
    iota7 = iota * 7
    zero = jnp.zeros((_L,), jnp.float32)
    one = jnp.ones((_L,), jnp.float32)
    ce_a = act_a = fg_a = a2 = a3 = zero

    for c in range(_NCHUNK):
        base = wid * _RPW + c * _CH
        pltpu.sync_copy(prob_h.at[pl.ds(base * 4, _CH * 4)], prob_v)
        pltpu.sync_copy(b2_h.at[pl.ds(base * 4, _CH * 4)], b2_v)
        pltpu.sync_copy(t2_h.at[pl.ds(base * 4, _CH * 4)], t2_v)
        pltpu.sync_copy(b3_h.at[pl.ds(base * 7, _CH * 7)], b3_v)
        pltpu.sync_copy(t3_h.at[pl.ds(base * 7, _CH * 7)], t3_v)
        pltpu.sync_copy(lab_h.at[pl.ds(base, _CH)], lab_v)
        pltpu.sync_copy(bg_h.at[pl.ds(base, _CH)], bg_v)

        def body(g, carry):
            ce_c, act_c, fg_c, a2_c, a3_c = carry
            off = g * _L
            labe = lab_v[pl.ds(off, _L)]
            bgi = bg_v[pl.ds(off, _L)]
            fgv = jnp.where(labe > 0, one, zero)
            bgv = jnp.where(bgi > 0, one, zero)
            base4 = off * 4 + iota4
            pv = plsc.load_gather(prob_v, [base4 + labe])
            ce = -_log_f32(jnp.maximum(pv, 1e-30))
            act = fgv + bgv
            ce_c = ce_c + ce * act
            act_c = act_c + act
            fg_c = fg_c + fgv
            s2 = _sl1(plsc.load_gather(b2_v, [base4])
                      - plsc.load_gather(t2_v, [base4]))
            for ch in range(1, 4):
                s2 = s2 + _sl1(plsc.load_gather(b2_v, [base4 + ch])
                               - plsc.load_gather(t2_v, [base4 + ch]))
            a2_c = a2_c + s2 * fgv
            base7 = off * 7 + iota7
            s3 = _sl1(plsc.load_gather(b3_v, [base7])
                      - plsc.load_gather(t3_v, [base7]))
            for ch in range(1, 7):
                s3 = s3 + _sl1(plsc.load_gather(b3_v, [base7 + ch])
                               - plsc.load_gather(t3_v, [base7 + ch]))
            a3_c = a3_c + s3 * fgv
            return (ce_c, act_c, fg_c, a2_c, a3_c)

        ce_a, act_a, fg_a, a2, a3 = lax.fori_loop(
            0, _CH // _L, body, (ce_a, act_a, fg_a, a2, a3))

    res_v[pl.ds(0, _L)] = ce_a
    res_v[pl.ds(_L, _L)] = act_a
    res_v[pl.ds(2 * _L, _L)] = fg_a
    res_v[pl.ds(3 * _L, _L)] = a2
    res_v[pl.ds(4 * _L, _L)] = a3
    pltpu.sync_copy(res_v, out_h.at[pl.ds(wid * 5 * _L, 5 * _L)])


def kernel(cls, prob, bbox_2d, bbox_3d, labels, fg_mask, bg_mask,
           bbox_2d_tar, bbox_3d_tar, rois, anchors, bbox_means, bbox_stds):
    partials = _sc_partials(
        prob.reshape(_N * 4),
        bbox_2d.reshape(_N * 4),
        bbox_2d_tar.reshape(_N * 4),
        bbox_3d.reshape(_N * 7),
        bbox_3d_tar.reshape(_N * 7),
        labels.reshape(_N),
        bg_mask.reshape(_N),
    )
    p = partials.reshape(_NW, 5, _L).sum(axis=(0, 2))
    cls_loss = p[0] / jnp.maximum(p[1], 1.0)
    denom = jnp.maximum(p[2], 1.0)
    return cls_loss + p[3] / denom + p[4] / denom

# --- scband reference (transcript-rebuilt; emitter-appended) ---
"""Pipeline reference for scband-rpn-3-d-loss-smp-78469052498703 (READ-ONLY COPY).

The authoritative reference and input builder live on the scoring server;
editing this copy changes nothing except your own understanding.
"""

import jax, jax.numpy as jnp
import numpy as np

B = 2
R = 131072
NUM_CLASSES = 4
NUM_ANCHORS = 36
CLS_2D_LAMBDA = 1.0
BBOX_2D_LAMBDA = 1.0
BBOX_3D_LAMBDA = 1.0


def smooth_l1(x):
    ax = jnp.abs(x)
    return jnp.where(ax < 1.0, 0.5 * x * x, ax - 0.5)


def setup_inputs(seed: int = 0):
    key = jax.random.key(seed)
    ks = jax.random.split(key, 16)
    cls = jax.random.normal(ks[0], (B, R, NUM_CLASSES), jnp.float32)
    prob = jax.nn.softmax(cls, axis=2)
    bbox_2d = jax.random.normal(ks[1], (B, R, 4), jnp.float32)
    bbox_3d = jax.random.normal(ks[2], (B, R, 7), jnp.float32) * 0.5
    fg_mask = jax.random.uniform(ks[3], (B, R)) < 0.05
    bg_mask = jnp.logical_and(jnp.logical_not(fg_mask), jax.random.uniform(ks[4], (B, R)) < 0.5)
    labels = jnp.where(fg_mask, jax.random.randint(ks[5], (B, R), 1, NUM_CLASSES), 0).astype(jnp.int32)
    bbox_2d_tar = jax.random.normal(ks[6], (B, R, 4), jnp.float32)
    bbox_3d_tar = jax.random.normal(ks[7], (B, R, 7), jnp.float32) * 0.5
    gx = jax.random.uniform(ks[8], (R,), minval=0.0, maxval=1700.0)
    gy = jax.random.uniform(ks[9], (R,), minval=0.0, maxval=500.0)
    w = jax.random.uniform(ks[10], (R,), minval=16.0, maxval=300.0)
    h = jax.random.uniform(ks[11], (R,), minval=16.0, maxval=300.0)
    aidx = jax.random.randint(ks[12], (R,), 0, NUM_ANCHORS).astype(jnp.float32)
    rois = jnp.stack([gx, gy, gx + w, gy + h, aidx], axis=1)
    anchors = jnp.concatenate([
        jax.random.uniform(ks[13], (NUM_ANCHORS, 4), minval=0.0, maxval=300.0),
        jax.random.uniform(ks[14], (NUM_ANCHORS, 1), minval=20.0, maxval=60.0),
        jax.random.uniform(ks[15], (NUM_ANCHORS, 3), minval=1.0, maxval=4.0),
        jnp.zeros((NUM_ANCHORS, 1), jnp.float32),
    ], axis=1)
    bbox_means = jnp.zeros((1, 11), jnp.float32)
    bbox_stds = jnp.ones((1, 11), jnp.float32)
    return {"cls": cls, "prob": prob, "bbox_2d": bbox_2d, "bbox_3d": bbox_3d,
            "labels": labels, "fg_mask": fg_mask, "bg_mask": bg_mask,
            "bbox_2d_tar": bbox_2d_tar, "bbox_3d_tar": bbox_3d_tar,
            "rois": rois, "anchors": anchors,
            "bbox_means": bbox_means, "bbox_stds": bbox_stds}


def reference(cls, prob, bbox_2d, bbox_3d, labels, fg_mask, bg_mask,
              bbox_2d_tar, bbox_3d_tar, rois, anchors, bbox_means, bbox_stds):
    fg = fg_mask.astype(jnp.float32)
    bg = bg_mask.astype(jnp.float32)
    active = fg + bg
    # de-normalize 3D predictions; gather anchor templates by roi anchor ids
    bbox_x3d = bbox_3d[:, :, 0] * bbox_stds[0, 4] + bbox_means[0, 4]
    bbox_y3d = bbox_3d[:, :, 1] * bbox_stds[0, 5] + bbox_means[0, 5]
    bbox_z3d = bbox_3d[:, :, 2] * bbox_stds[0, 6] + bbox_means[0, 6]
    bbox_w3d = bbox_3d[:, :, 3] * bbox_stds[0, 7] + bbox_means[0, 7]
    bbox_h3d = bbox_3d[:, :, 4] * bbox_stds[0, 8] + bbox_means[0, 8]
    bbox_l3d = bbox_3d[:, :, 5] * bbox_stds[0, 9] + bbox_means[0, 9]
    bbox_ry3d = bbox_3d[:, :, 6] * bbox_stds[0, 10] + bbox_means[0, 10]
    src_anchors = jnp.take(anchors, rois[:, 4].astype(jnp.int32), axis=0)
    widths = rois[:, 2] - rois[:, 0] + 1.0
    heights = rois[:, 3] - rois[:, 1] + 1.0
    ctr_x = rois[:, 0] + 0.5 * widths
    ctr_y = rois[:, 1] + 0.5 * heights
    bbox_x3d_dn = bbox_x3d * widths[None, :] + ctr_x[None, :]
    bbox_y3d_dn = bbox_y3d * heights[None, :] + ctr_y[None, :]
    bbox_z3d_dn = bbox_z3d + src_anchors[:, 4][None, :]
    bbox_w3d_dn = jnp.exp(bbox_w3d) * src_anchors[:, 5][None, :]
    bbox_h3d_dn = jnp.exp(bbox_h3d) * src_anchors[:, 6][None, :]
    bbox_l3d_dn = jnp.exp(bbox_l3d) * src_anchors[:, 7][None, :]
    bbox_ry3d_dn = src_anchors[:, 8][None, :] + bbox_ry3d
    bbox_z3d_dn_tar = bbox_3d_tar[:, :, 2] * bbox_stds[0, 6] + bbox_means[0, 6] + src_anchors[:, 4][None, :]
    bbox_ry3d_dn_tar = bbox_3d_tar[:, :, 6] * bbox_stds[0, 10] + bbox_means[0, 10] + src_anchors[:, 8][None, :]
    coords_abs_z = jnp.abs(bbox_z3d_dn_tar - bbox_z3d_dn)
    coords_abs_ry = jnp.abs(bbox_ry3d_dn_tar - bbox_ry3d_dn)
    # classification loss over sampled fg+bg anchors
    logp = jax.nn.log_softmax(cls, axis=2)
    labels_eff = jnp.where(fg_mask, labels, 0).astype(jnp.int32)
    ce = -jnp.take_along_axis(logp, labels_eff[..., None], axis=2)[..., 0]
    cls_loss = (ce * active).sum() / jnp.maximum(active.sum(), 1.0)
    # 2D bbox regression on fg anchors (normalized targets)
    l2d = smooth_l1(bbox_2d - bbox_2d_tar).sum(axis=2)
    bbox_2d_loss = (l2d * fg).sum() / jnp.maximum(fg.sum(), 1.0)
    # 3D bbox regression on fg anchors (normalized space, as in original)
    l3d = smooth_l1(bbox_3d - bbox_3d_tar).sum(axis=2)
    bbox_3d_loss = (l3d * fg).sum() / jnp.maximum(fg.sum(), 1.0)
    loss = CLS_2D_LAMBDA * cls_loss + BBOX_2D_LAMBDA * bbox_2d_loss + BBOX_3D_LAMBDA * bbox_3d_loss
    z_stat = (coords_abs_z * fg).sum() / jnp.maximum(fg.sum(), 1.0)
    ry_stat = (coords_abs_ry * fg).sum() / jnp.maximum(fg.sum(), 1.0)
    # stats contribute 0 to the loss value and carry no gradient (original detaches)
    loss = loss + 0.0 * jax.lax.stop_gradient(z_stat + ry_stat)
    return loss


if False:  # reference __main__ guard neutralized (emitter)
    out = reference(**setup_inputs())
    print(out)

if __name__ == "__main__":
    import jax
    _d = setup_inputs()
    print(jax.jit(kernel)(*tuple(_d.values())))

</pallas_src>

<mosaic_0001>
#map = affine_map<(d0, d1) -> (0)>
module attributes {stable_mosaic.version = 14 : i64} {
  func.func @_sc_partials(%arg0: i32, %arg1: i32, %arg2: memref<1048576xf32, #tpu.memory_space<hbm>>, %arg3: memref<1048576xf32, #tpu.memory_space<hbm>>, %arg4: memref<1048576xf32, #tpu.memory_space<hbm>>, %arg5: memref<1835008xf32, #tpu.memory_space<hbm>>, %arg6: memref<1835008xf32, #tpu.memory_space<hbm>>, %arg7: memref<262144xi32, #tpu.memory_space<hbm>>, %arg8: memref<262144xi32, #tpu.memory_space<hbm>>, %arg9: memref<2560xf32, #tpu.memory_space<hbm>>, %arg10: memref<8192xf32, #tpu.memory_space<vmem>>, %arg11: memref<8192xf32, #tpu.memory_space<vmem>>, %arg12: memref<8192xf32, #tpu.memory_space<vmem>>, %arg13: memref<14336xf32, #tpu.memory_space<vmem>>, %arg14: memref<14336xf32, #tpu.memory_space<vmem>>, %arg15: memref<2048xi32, #tpu.memory_space<vmem>>, %arg16: memref<2048xi32, #tpu.memory_space<vmem>>, %arg17: memref<80xf32, #tpu.memory_space<vmem>>) attributes {dimension_semantics = [#tpu.dimension_semantics<core_parallel>, #tpu.dimension_semantics<subcore_parallel>], iteration_bounds = array<i64: 2, 16>, scalar_prefetch = 0 : i64, scratch_operands = 8 : i64, tpu.core_type = #tpu.core_type<sc_vector_subcore>, window_params = [{transform_indices = #map}, {transform_indices = #map}, {transform_indices = #map}, {transform_indices = #map}, {transform_indices = #map}, {transform_indices = #map}, {transform_indices = #map}, {transform_indices = #map}]} {
    %mul3A = arith.constant 2 : i32
    %mul3A_0 = arith.muli %arg1, %mul3A : i32
    %add3A = arith.addi %mul3A_0, %arg0 : i32
    %iota3A = tpu.iota {dimensions = array<i32: 0>} : vector<16xi32>
    %mul3A_1 = arith.constant 4 : i32
    %mul3A_2 = vector.broadcast %mul3A_1 : i32 to vector<16xi32>
    %mul3A_3 = arith.muli %iota3A, %mul3A_2 : vector<16xi32>
    %mul3A_4 = arith.constant 7 : i32
    %mul3A_5 = vector.broadcast %mul3A_4 : i32 to vector<16xi32>
    %mul3A_6 = arith.muli %iota3A, %mul3A_5 : vector<16xi32>
    %broadcast_in_dim3A = arith.constant 0.000000e+00 : f32
    %broadcast_in_dim3A_7 = vector.broadcast %broadcast_in_dim3A : f32 to vector<16xf32>
    %broadcast_in_dim3A_8 = arith.constant 1.000000e+00 : f32
    %broadcast_in_dim3A_9 = vector.broadcast %broadcast_in_dim3A_8 : f32 to vector<16xf32>
    %mul3A_10 = arith.constant 8192 : i32
    %mul3A_11 = arith.muli %add3A, %mul3A_10 : i32
    %add3A_12 = arith.constant 0 : i32
    %add3A_13 = arith.addi %mul3A_11, %add3A_12 : i32
    %mul3A_14 = arith.constant 4 : i32
    %mul3A_15 = arith.muli %add3A_13, %mul3A_14 : i32
    "tpu.region"() ({
      %run_scoped3A = tpu.sem_alloc : memref<!tpu.dma_semaphore, #tpu.memory_space<semaphore_mem>>
      %dma_start3A = tpu.memref_slice %arg2[%mul3A_15] : memref<1048576xf32, #tpu.memory_space<hbm>> -> memref<8192xf32, #tpu.memory_space<hbm>>
      %dma_start3A_102 = tpu.memref_slice %arg2[%mul3A_15] : memref<1048576xf32, #tpu.memory_space<hbm>> -> memref<8192xf32, #tpu.memory_space<hbm>>
      tpu.enqueue_dma source(%dma_start3A_102 : memref<8192xf32, #tpu.memory_space<hbm>>) target(%arg10 : memref<8192xf32, #tpu.memory_space<vmem>>) target_semaphore(%run_scoped3A : memref<!tpu.dma_semaphore, #tpu.memory_space<semaphore_mem>>)
      %dma_wait3A = tpu.memref_slice %arg2[%mul3A_15] : memref<1048576xf32, #tpu.memory_space<hbm>> -> memref<8192xf32, #tpu.memory_space<hbm>>
      %dma_wait3A_103 = tpu.memref_slice %arg2[%mul3A_15] : memref<1048576xf32, #tpu.memory_space<hbm>> -> memref<8192xf32, #tpu.memory_space<hbm>>
      tpu.wait_dma2 semaphore(%run_scoped3A : memref<!tpu.dma_semaphore, #tpu.memory_space<semaphore_mem>>) src(%dma_wait3A_103 : memref<8192xf32, #tpu.memory_space<hbm>>) dst(%arg10 : memref<8192xf32, #tpu.memory_space<vmem>>)
      tpu.yield
    }) : () -> ()
    %mul3A_16 = arith.constant 4 : i32
    %mul3A_17 = arith.muli %add3A_13, %mul3A_16 : i32
    "tpu.region"() ({
      %run_scoped3A = tpu.sem_alloc : memref<!tpu.dma_semaphore, #tpu.memory_space<semaphore_mem>>
      %dma_start3A = tpu.memref_slice %arg3[%mul3A_17] : memref<1048576xf32, #tpu.memory_space<hbm>> -> memref<8192xf32, #tpu.memory_space<hbm>>
      %dma_start3A_102 = tpu.memref_slice %arg3[%mul3A_17] : memref<1048576xf32, #tpu.memory_space<hbm>> -> memref<8192xf32, #tpu.memory_space<hbm>>
      tpu.enqueue_dma source(%dma_start3A_102 : memref<8192xf32, #tpu.memory_space<hbm>>) target(%arg11 : memref<8192xf32, #tpu.memory_space<vmem>>) target_semaphore(%run_scoped3A : memref<!tpu.dma_semaphore, #tpu.memory_space<semaphore_mem>>)
      %dma_wait3A = tpu.memref_slice %arg3[%mul3A_17] : memref<1048576xf32, #tpu.memory_space<hbm>> -> memref<8192xf32, #tpu.memory_space<hbm>>
      %dma_wait3A_103 = tpu.memref_slice %arg3[%mul3A_17] : memref<1048576xf32, #tpu.memory_space<hbm>> -> memref<8192xf32, #tpu.memory_space<hbm>>
      tpu.wait_dma2 semaphore(%run_scoped3A : memref<!tpu.dma_semaphore, #tpu.memory_space<semaphore_mem>>) src(%dma_wait3A_103 : memref<8192xf32, #tpu.memory_space<hbm>>) dst(%arg11 : memref<8192xf32, #tpu.memory_space<vmem>>)
      tpu.yield
    }) : () -> ()
    %mul3A_18 = arith.constant 4 : i32
    %mul3A_19 = arith.muli %add3A_13, %mul3A_18 : i32
    "tpu.region"() ({
      %run_scoped3A = tpu.sem_alloc : memref<!tpu.dma_semaphore, #tpu.memory_space<semaphore_mem>>
      %dma_start3A = tpu.memref_slice %arg4[%mul3A_19] : memref<1048576xf32, #tpu.memory_space<hbm>> -> memref<8192xf32, #tpu.memory_space<hbm>>
      %dma_start3A_102 = tpu.memref_slice %arg4[%mul3A_19] : memref<1048576xf32, #tpu.memory_space<hbm>> -> memref<8192xf32, #tpu.memory_space<hbm>>
      tpu.enqueue_dma source(%dma_start3A_102 : memref<8192xf32, #tpu.memory_space<hbm>>) target(%arg12 : memref<8192xf32, #tpu.memory_space<vmem>>) target_semaphore(%run_scoped3A : memref<!tpu.dma_semaphore, #tpu.memory_space<semaphore_mem>>)
      %dma_wait3A = tpu.memref_slice %arg4[%mul3A_19] : memref<1048576xf32, #tpu.memory_space<hbm>> -> memref<8192xf32, #tpu.memory_space<hbm>>
      %dma_wait3A_103 = tpu.memref_slice %arg4[%mul3A_19] : memref<1048576xf32, #tpu.memory_space<hbm>> -> memref<8192xf32, #tpu.memory_space<hbm>>
      tpu.wait_dma2 semaphore(%run_scoped3A : memref<!tpu.dma_semaphore, #tpu.memory_space<semaphore_mem>>) src(%dma_wait3A_103 : memref<8192xf32, #tpu.memory_space<hbm>>) dst(%arg12 : memref<8192xf32, #tpu.memory_space<vmem>>)
      tpu.yield
    }) : () -> ()
    %mul3A_20 = arith.constant 7 : i32
    %mul3A_21 = arith.muli %add3A_13, %mul3A_20 : i32
    "tpu.region"() ({
      %run_scoped3A = tpu.sem_alloc : memref<!tpu.dma_semaphore, #tpu.memory_space<semaphore_mem>>
      %dma_start3A = tpu.memref_slice %arg5[%mul3A_21] : memref<1835008xf32, #tpu.memory_space<hbm>> -> memref<14336xf32, #tpu.memory_space<hbm>>
      %dma_start3A_102 = tpu.memref_slice %arg5[%mul3A_21] : memref<1835008xf32, #tpu.memory_space<hbm>> -> memref<14336xf32, #tpu.memory_space<hbm>>
      tpu.enqueue_dma source(%dma_start3A_102 : memref<14336xf32, #tpu.memory_space<hbm>>) target(%arg13 : memref<14336xf32, #tpu.memory_space<vmem>>) target_semaphore(%run_scoped3A : memref<!tpu.dma_semaphore, #tpu.memory_space<semaphore_mem>>)
      %dma_wait3A = tpu.memref_slice %arg5[%mul3A_21] : memref<1835008xf32, #tpu.memory_space<hbm>> -> memref<14336xf32, #tpu.memory_space<hbm>>
      %dma_wait3A_103 = tpu.memref_slice %arg5[%mul3A_21] : memref<1835008xf32, #tpu.memory_space<hbm>> -> memref<14336xf32, #tpu.memory_space<hbm>>
      tpu.wait_dma2 semaphore(%run_scoped3A : memref<!tpu.dma_semaphore, #tpu.memory_space<semaphore_mem>>) src(%dma_wait3A_103 : memref<14336xf32, #tpu.memory_space<hbm>>) dst(%arg13 : memref<14336xf32, #tpu.memory_space<vmem>>)
      tpu.yield
    }) : () -> ()
    %mul3A_22 = arith.constant 7 : i32
    %mul3A_23 = arith.muli %add3A_13, %mul3A_22 : i32
    "tpu.region"() ({
      %run_scoped3A = tpu.sem_alloc : memref<!tpu.dma_semaphore, #tpu.memory_space<semaphore_mem>>
      %dma_start3A = tpu.memref_slice %arg6[%mul3A_23] : memref<1835008xf32, #tpu.memory_space<hbm>> -> memref<14336xf32, #tpu.memory_space<hbm>>
      %dma_start3A_102 = tpu.memref_slice %arg6[%mul3A_23] : memref<1835008xf32, #tpu.memory_space<hbm>> -> memref<14336xf32, #tpu.memory_space<hbm>>
      tpu.enqueue_dma source(%dma_start3A_102 : memref<14336xf32, #tpu.memory_space<hbm>>) target(%arg14 : memref<14336xf32, #tpu.memory_space<vmem>>) target_semaphore(%run_scoped3A : memref<!tpu.dma_semaphore, #tpu.memory_space<semaphore_mem>>)
      %dma_wait3A = tpu.memref_slice %arg6[%mul3A_23] : memref<1835008xf32, #tpu.memory_space<hbm>> -> memref<14336xf32, #tpu.memory_space<hbm>>
      %dma_wait3A_103 = tpu.memref_slice %arg6[%mul3A_23] : memref<1835008xf32, #tpu.memory_space<hbm>> -> memref<14336xf32, #tpu.memory_space<hbm>>
      tpu.wait_dma2 semaphore(%run_scoped3A : memref<!tpu.dma_semaphore, #tpu.memory_space<semaphore_mem>>) src(%dma_wait3A_103 : memref<14336xf32, #tpu.memory_space<hbm>>) dst(%arg14 : memref<14336xf32, #tpu.memory_space<vmem>>)
      tpu.yield
    }) : () -> ()
    "tpu.region"() ({
      %run_scoped3A = tpu.sem_alloc : memref<!tpu.dma_semaphore, #tpu.memory_space<semaphore_mem>>
      %dma_start3A = tpu.memref_slice %arg7[%add3A_13] : memref<262144xi32, #tpu.memory_space<hbm>> -> memref<2048xi32, #tpu.memory_space<hbm>>
      %dma_start3A_102 = tpu.memref_slice %arg7[%add3A_13] : memref<262144xi32, #tpu.memory_space<hbm>> -> memref<2048xi32, #tpu.memory_space<hbm>>
      tpu.enqueue_dma source(%dma_start3A_102 : memref<2048xi32, #tpu.memory_space<hbm>>) target(%arg15 : memref<2048xi32, #tpu.memory_space<vmem>>) target_semaphore(%run_scoped3A : memref<!tpu.dma_semaphore, #tpu.memory_space<semaphore_mem>>)
      %dma_wait3A = tpu.memref_slice %arg7[%add3A_13] : memref<262144xi32, #tpu.memory_space<hbm>> -> memref<2048xi32, #tpu.memory_space<hbm>>
      %dma_wait3A_103 = tpu.memref_slice %arg7[%add3A_13] : memref<262144xi32, #tpu.memory_space<hbm>> -> memref<2048xi32, #tpu.memory_space<hbm>>
      tpu.wait_dma2 semaphore(%run_scoped3A : memref<!tpu.dma_semaphore, #tpu.memory_space<semaphore_mem>>) src(%dma_wait3A_103 : memref<2048xi32, #tpu.memory_space<hbm>>) dst(%arg15 : memref<2048xi32, #tpu.memory_space<vmem>>)
      tpu.yield
    }) : () -> ()
    "tpu.region"() ({
      %run_scoped3A = tpu.sem_alloc : memref<!tpu.dma_semaphore, #tpu.memory_space<semaphore_mem>>
      %dma_start3A = tpu.memref_slice %arg8[%add3A_13] : memref<262144xi32, #tpu.memory_space<hbm>> -> memref<2048xi32, #tpu.memory_space<hbm>>
      %dma_start3A_102 = tpu.memref_slice %arg8[%add3A_13] : memref<262144xi32, #tpu.memory_space<hbm>> -> memref<2048xi32, #tpu.memory_space<hbm>>
      tpu.enqueue_dma source(%dma_start3A_102 : memref<2048xi32, #tpu.memory_space<hbm>>) target(%arg16 : memref<2048xi32, #tpu.memory_space<vmem>>) target_semaphore(%run_scoped3A : memref<!tpu.dma_semaphore, #tpu.memory_space<semaphore_mem>>)
      %dma_wait3A = tpu.memref_slice %arg8[%add3A_13] : memref<262144xi32, #tpu.memory_space<hbm>> -> memref<2048xi32, #tpu.memory_space<hbm>>
      %dma_wait3A_103 = tpu.memref_slice %arg8[%add3A_13] : memref<262144xi32, #tpu.memory_space<hbm>> -> memref<2048xi32, #tpu.memory_space<hbm>>
      tpu.wait_dma2 semaphore(%run_scoped3A : memref<!tpu.dma_semaphore, #tpu.memory_space<semaphore_mem>>) src(%dma_wait3A_103 : memref<2048xi32, #tpu.memory_space<hbm>>) dst(%arg16 : memref<2048xi32, #tpu.memory_space<vmem>>)
      tpu.yield
    }) : () -> ()
    %scan3A = arith.constant 0 : i32
    %scan3A_24 = arith.constant 128 : i32
    %scan3A_25 = arith.addi %scan3A, %scan3A_24 : i32
    %scan3A_26 = arith.constant 1 : i32
    %scan3A_27:5 = scf.for %scan3A_102 = %scan3A to %scan3A_25 step %scan3A_26 iter_args(%scan3A_103 = %broadcast_in_dim3A_7, %scan3A_104 = %broadcast_in_dim3A_7, %scan3A_105 = %broadcast_in_dim3A_7, %scan3A_106 = %broadcast_in_dim3A_7, %scan3A_107 = %broadcast_in_dim3A_7) -> (vector<16xf32>, vector<16xf32>, vector<16xf32>, vector<16xf32>, vector<16xf32>)  : i32 {
      %mul3A_108 = arith.constant 16 : i32
      %mul3A_109 = arith.muli %scan3A_102, %mul3A_108 : i32
      %get3A = arith.index_cast %mul3A_109 : i32 to index
      %get3A_110 = tpu.vector_load %arg15[%get3A] {strides = array<i32>} : memref<2048xi32, #tpu.memory_space<vmem>>, vector<16xi32>,
      %get3A_111 = arith.index_cast %mul3A_109 : i32 to index
      %get3A_112 = tpu.vector_load %arg16[%get3A_111] {strides = array<i32>} : memref<2048xi32, #tpu.memory_space<vmem>>, vector<16xi32>,
      %gt3A = arith.constant 0 : i32
      %gt3A_113 = vector.broadcast %gt3A : i32 to vector<16xi32>
      %gt3A_114 = arith.cmpi sgt, %get3A_110, %gt3A_113 : vector<16xi32>
      %select_n3A = arith.select %gt3A_114, %broadcast_in_dim3A_9, %broadcast_in_dim3A_7 : vector<16xi1>, vector<16xf32>
      %gt3A_115 = arith.constant 0 : i32
      %gt3A_116 = vector.broadcast %gt3A_115 : i32 to vector<16xi32>
      %gt3A_117 = arith.cmpi sgt, %get3A_112, %gt3A_116 : vector<16xi32>
      %select_n3A_118 = arith.select %gt3A_117, %broadcast_in_dim3A_9, %broadcast_in_dim3A_7 : vector<16xi1>, vector<16xf32>
      %mul3A_119 = arith.constant 4 : i32
      %mul3A_120 = arith.muli %mul3A_109, %mul3A_119 : i32
      %add3A_121 = vector.broadcast %mul3A_120 : i32 to vector<16xi32>
      %add3A_122 = arith.addi %add3A_121, %mul3A_3 : vector<16xi32>
      %add3A_123 = arith.addi %add3A_122, %get3A_110 : vector<16xi32>
      %gather3A = tpu.vector_load_idx %arg10[%add3A_123] : memref<8192xf32, #tpu.memory_space<vmem>>[vector<16xi32>], vector<16xf32>,
      %max3A = arith.constant 1.000000e-30 : f32
      %max3A_124 = vector.broadcast %max3A : f32 to vector<16xf32>
      %max3A_125 = arith.maximumf %gather3A, %max3A_124 : vector<16xf32>
      %bitcast3A = vector.bitcast %max3A_125 : vector<16xf32> to vector<16xi32>
      %sub3A = arith.constant 1060439283 : i32
      %sub3A_126 = vector.broadcast %sub3A : i32 to vector<16xi32>
      %sub3A_127 = arith.subi %bitcast3A, %sub3A_126 : vector<16xi32>
      %shift_right_arithmetic3A = arith.constant 23 : i32
      %shift_right_arithmetic3A_128 = vector.broadcast %shift_right_arithmetic3A : i32 to vector<16xi32>
      %shift_right_arithmetic3A_129 = arith.shrsi %sub3A_127, %shift_right_arithmetic3A_128 : vector<16xi32>
      %shift_left3A = arith.constant 23 : i32
      %shift_left3A_130 = vector.broadcast %shift_left3A : i32 to vector<16xi32>
      %shift_left3A_131 = arith.shli %shift_right_arithmetic3A_129, %shift_left3A_130 : vector<16xi32>
      %sub3A_132 = arith.subi %bitcast3A, %shift_left3A_131 : vector<16xi32>
      %bitcast3A_133 = vector.bitcast %sub3A_132 : vector<16xi32> to vector<16xf32>
      %convert_element_type3A = arith.sitofp %shift_right_arithmetic3A_129 : vector<16xi32> to vector<16xf32>
      %sub3A_134 = arith.constant 1.000000e+00 : f32
      %sub3A_135 = vector.broadcast %sub3A_134 : f32 to vector<16xf32>
      %sub3A_136 = arith.subf %bitcast3A_133, %sub3A_135 : vector<16xf32>
      %add3A_137 = arith.constant 2.000000e+00 : f32
      %add3A_138 = vector.broadcast %add3A_137 : f32 to vector<16xf32>
      %add3A_139 = arith.addf %add3A_138, %sub3A_136 : vector<16xf32>
      %div3A = arith.divf %sub3A_136, %add3A_139 : vector<16xf32>
      %mul3A_140 = arith.mulf %div3A, %div3A : vector<16xf32>
      %mul3A_141 = arith.constant 0.111111112 : f32
      %mul3A_142 = vector.broadcast %mul3A_141 : f32 to vector<16xf32>
      %mul3A_143 = arith.mulf %mul3A_140, %mul3A_142 : vector<16xf32>
      %add3A_144 = arith.constant 0.142857149 : f32
      %add3A_145 = vector.broadcast %add3A_144 : f32 to vector<16xf32>
      %add3A_146 = arith.addf %mul3A_143, %add3A_145 : vector<16xf32>
      %mul3A_147 = arith.mulf %add3A_146, %mul3A_140 : vector<16xf32>
      %add3A_148 = arith.constant 2.000000e-01 : f32
      %add3A_149 = vector.broadcast %add3A_148 : f32 to vector<16xf32>
      %add3A_150 = arith.addf %mul3A_147, %add3A_149 : vector<16xf32>
      %mul3A_151 = arith.mulf %add3A_150, %mul3A_140 : vector<16xf32>
      %add3A_152 = arith.constant 0.333333343 : f32
      %add3A_153 = vector.broadcast %add3A_152 : f32 to vector<16xf32>
      %add3A_154 = arith.addf %mul3A_151, %add3A_153 : vector<16xf32>
      %mul3A_155 = arith.constant 2.000000e+00 : f32
      %mul3A_156 = vector.broadcast %mul3A_155 : f32 to vector<16xf32>
      %mul3A_157 = arith.mulf %mul3A_156, %div3A : vector<16xf32>
      %mul3A_158 = arith.constant 2.000000e+00 : f32
      %mul3A_159 = vector.broadcast %mul3A_158 : f32 to vector<16xf32>
      %mul3A_160 = arith.mulf %mul3A_159, %div3A : vector<16xf32>
      %mul3A_161 = arith.mulf %mul3A_160, %mul3A_140 : vector<16xf32>
      %mul3A_162 = arith.mulf %mul3A_161, %add3A_154 : vector<16xf32>
      %add3A_163 = arith.addf %mul3A_157, %mul3A_162 : vector<16xf32>
      %mul3A_164 = arith.constant 0.693147182 : f32
      %mul3A_165 = vector.broadcast %mul3A_164 : f32 to vector<16xf32>
      %mul3A_166 = arith.mulf %convert_element_type3A, %mul3A_165 : vector<16xf32>
      %add3A_167 = arith.addf %mul3A_166, %add3A_163 : vector<16xf32>
      %neg3A = arith.constant 0.000000e+00 : f32
      %neg3A_168 = vector.broadcast %neg3A : f32 to vector<16xf32>
      %neg3A_169 = arith.subf %neg3A_168, %add3A_167 : vector<16xf32>
      %add3A_170 = arith.addf %select_n3A, %select_n3A_118 : vector<16xf32>
      %mul3A_171 = arith.mulf %neg3A_169, %add3A_170 : vector<16xf32>
      %add3A_172 = arith.addf %scan3A_103, %mul3A_171 : vector<16xf32>
      %add3A_173 = arith.addf %scan3A_104, %add3A_170 : vector<16xf32>
      %add3A_174 = arith.addf %scan3A_105, %select_n3A : vector<16xf32>
      %gather3A_175 = tpu.vector_load_idx %arg11[%add3A_122] : memref<8192xf32, #tpu.memory_space<vmem>>[vector<16xi32>], vector<16xf32>,
      %gather3A_176 = tpu.vector_load_idx %arg12[%add3A_122] : memref<8192xf32, #tpu.memory_space<vmem>>[vector<16xi32>], vector<16xf32>,
      %sub3A_177 = arith.subf %gather3A_175, %gather3A_176 : vector<16xf32>
      %abs3A = math.absf %sub3A_177 : vector<16xf32>
      %lt3A = arith.constant 1.000000e+00 : f32
      %lt3A_178 = vector.broadcast %lt3A : f32 to vector<16xf32>
      %lt3A_179 = arith.cmpf olt, %abs3A, %lt3A_178 : vector<16xf32>
      %mul3A_180 = arith.constant 5.000000e-01 : f32
      %mul3A_181 = vector.broadcast %mul3A_180 : f32 to vector<16xf32>
      %mul3A_182 = arith.mulf %mul3A_181, %sub3A_177 : vector<16xf32>
      %mul3A_183 = arith.mulf %mul3A_182, %sub3A_177 : vector<16xf32>
      %sub3A_184 = arith.constant 5.000000e-01 : f32
      %sub3A_185 = vector.broadcast %sub3A_184 : f32 to vector<16xf32>
      %sub3A_186 = arith.subf %abs3A, %sub3A_185 : vector<16xf32>
      %select_n3A_187 = arith.select %lt3A_179, %mul3A_183, %sub3A_186 : vector<16xi1>, vector<16xf32>
      %add3A_188 = arith.constant 1 : i32
      %add3A_189 = vector.broadcast %add3A_188 : i32 to vector<16xi32>
      %add3A_190 = arith.addi %add3A_122, %add3A_189 : vector<16xi32>
      %gather3A_191 = tpu.vector_load_idx %arg11[%add3A_190] : memref<8192xf32, #tpu.memory_space<vmem>>[vector<16xi32>], vector<16xf32>,
      %add3A_192 = arith.constant 1 : i32
      %add3A_193 = vector.broadcast %add3A_192 : i32 to vector<16xi32>
      %add3A_194 = arith.addi %add3A_122, %add3A_193 : vector<16xi32>
      %gather3A_195 = tpu.vector_load_idx %arg12[%add3A_194] : memref<8192xf32, #tpu.memory_space<vmem>>[vector<16xi32>], vector<16xf32>,
      %sub3A_196 = arith.subf %gather3A_191, %gather3A_195 : vector<16xf32>
      %abs3A_197 = math.absf %sub3A_196 : vector<16xf32>
      %lt3A_198 = arith.constant 1.000000e+00 : f32
      %lt3A_199 = vector.broadcast %lt3A_198 : f32 to vector<16xf32>
      %lt3A_200 = arith.cmpf olt, %abs3A_197, %lt3A_199 : vector<16xf32>
      %mul3A_201 = arith.constant 5.000000e-01 : f32
      %mul3A_202 = vector.broadcast %mul3A_201 : f32 to vector<16xf32>
      %mul3A_203 = arith.mulf %mul3A_202, %sub3A_196 : vector<16xf32>
      %mul3A_204 = arith.mulf %mul3A_203, %sub3A_196 : vector<16xf32>
      %sub3A_205 = arith.constant 5.000000e-01 : f32
      %sub3A_206 = vector.broadcast %sub3A_205 : f32 to vector<16xf32>
      %sub3A_207 = arith.subf %abs3A_197, %sub3A_206 : vector<16xf32>
      %select_n3A_208 = arith.select %lt3A_200, %mul3A_204, %sub3A_207 : vector<16xi1>, vector<16xf32>
      %add3A_209 = arith.addf %select_n3A_187, %select_n3A_208 : vector<16xf32>
      %add3A_210 = arith.constant 2 : i32
      %add3A_211 = vector.broadcast %add3A_210 : i32 to vector<16xi32>
      %add3A_212 = arith.addi %add3A_122, %add3A_211 : vector<16xi32>
      %gather3A_213 = tpu.vector_load_idx %arg11[%add3A_212] : memref<8192xf32, #tpu.memory_space<vmem>>[vector<16xi32>], vector<16xf32>,
      %add3A_214 = arith.constant 2 : i32
      %add3A_215 = vector.broadcast %add3A_214 : i32 to vector<16xi32>
      %add3A_216 = arith.addi %add3A_122, %add3A_215 : vector<16xi32>
      %gather3A_217 = tpu.vector_load_idx %arg12[%add3A_216] : memref<8192xf32, #tpu.memory_space<vmem>>[vector<16xi32>], vector<16xf32>,
      %sub3A_218 = arith.subf %gather3A_213, %gather3A_217 : vector<16xf32>
      %abs3A_219 = math.absf %sub3A_218 : vector<16xf32>
      %lt3A_220 = arith.constant 1.000000e+00 : f32
      %lt3A_221 = vector.broadcast %lt3A_220 : f32 to vector<16xf32>
      %lt3A_222 = arith.cmpf olt, %abs3A_219, %lt3A_221 : vector<16xf32>
      %mul3A_223 = arith.constant 5.000000e-01 : f32
      %mul3A_224 = vector.broadcast %mul3A_223 : f32 to vector<16xf32>
      %mul3A_225 = arith.mulf %mul3A_224, %sub3A_218 : vector<16xf32>
      %mul3A_226 = arith.mulf %mul3A_225, %sub3A_218 : vector<16xf32>
      %sub3A_227 = arith.constant 5.000000e-01 : f32
      %sub3A_228 = vector.broadcast %sub3A_227 : f32 to vector<16xf32>
      %sub3A_229 = arith.subf %abs3A_219, %sub3A_228 : vector<16xf32>
      %select_n3A_230 = arith.select %lt3A_222, %mul3A_226, %sub3A_229 : vector<16xi1>, vector<16xf32>
      %add3A_231 = arith.addf %add3A_209, %select_n3A_230 : vector<16xf32>
      %add3A_232 = arith.constant 3 : i32
      %add3A_233 = vector.broadcast %add3A_232 : i32 to vector<16xi32>
      %add3A_234 = arith.addi %add3A_122, %add3A_233 : vector<16xi32>
      %gather3A_235 = tpu.vector_load_idx %arg11[%add3A_234] : memref<8192xf32, #tpu.memory_space<vmem>>[vector<16xi32>], vector<16xf32>,
      %add3A_236 = arith.constant 3 : i32
      %add3A_237 = vector.broadcast %add3A_236 : i32 to vector<16xi32>
      %add3A_238 = arith.addi %add3A_122, %add3A_237 : vector<16xi32>
      %gather3A_239 = tpu.vector_load_idx %arg12[%add3A_238] : memref<8192xf32, #tpu.memory_space<vmem>>[vector<16xi32>], vector<16xf32>,
      %sub3A_240 = arith.subf %gather3A_235, %gather3A_239 : vector<16xf32>
      %abs3A_241 = math.absf %sub3A_240 : vector<16xf32>
      %lt3A_242 = arith.constant 1.000000e+00 : f32
      %lt3A_243 = vector.broadcast %lt3A_242 : f32 to vector<16xf32>
      %lt3A_244 = arith.cmpf olt, %abs3A_241, %lt3A_243 : vector<16xf32>
      %mul3A_245 = arith.constant 5.000000e-01 : f32
      %mul3A_246 = vector.broadcast %mul3A_245 : f32 to vector<16xf32>
      %mul3A_247 = arith.mulf %mul3A_246, %sub3A_240 : vector<16xf32>
      %mul3A_248 = arith.mulf %mul3A_247, %sub3A_240 : vector<16xf32>
      %sub3A_249 = arith.constant 5.000000e-01 : f32
      %sub3A_250 = vector.broadcast %sub3A_249 : f32 to vector<16xf32>
      %sub3A_251 = arith.subf %abs3A_241, %sub3A_250 : vector<16xf32>
      %select_n3A_252 = arith.select %lt3A_244, %mul3A_248, %sub3A_251 : vector<16xi1>, vector<16xf32>
      %add3A_253 = arith.addf %add3A_231, %select_n3A_252 : vector<16xf32>
      %mul3A_254 = arith.mulf %add3A_253, %select_n3A : vector<16xf32>
      %add3A_255 = arith.addf %scan3A_106, %mul3A_254 : vector<16xf32>
      %mul3A_256 = arith.constant 7 : i32
      %mul3A_257 = arith.muli %mul3A_109, %mul3A_256 : i32
      %add3A_258 = vector.broadcast %mul3A_257 : i32 to vector<16xi32>
      %add3A_259 = arith.addi %add3A_258, %mul3A_6 : vector<16xi32>
      %gather3A_260 = tpu.vector_load_idx %arg13[%add3A_259] : memref<14336xf32, #tpu.memory_space<vmem>>[vector<16xi32>], vector<16xf32>,
      %gather3A_261 = tpu.vector_load_idx %arg14[%add3A_259] : memref<14336xf32, #tpu.memory_space<vmem>>[vector<16xi32>], vector<16xf32>,
      %sub3A_262 = arith.subf %gather3A_260, %gather3A_261 : vector<16xf32>
      %abs3A_263 = math.absf %sub3A_262 : vector<16xf32>
      %lt3A_264 = arith.constant 1.000000e+00 : f32
      %lt3A_265 = vector.broadcast %lt3A_264 : f32 to vector<16xf32>
      %lt3A_266 = arith.cmpf olt, %abs3A_263, %lt3A_265 : vector<16xf32>
      %mul3A_267 = arith.constant 5.000000e-01 : f32
      %mul3A_268 = vector.broadcast %mul3A_267 : f32 to vector<16xf32>
      %mul3A_269 = arith.mulf %mul3A_268, %sub3A_262 : vector<16xf32>
      %mul3A_270 = arith.mulf %mul3A_269, %sub3A_262 : vector<16xf32>
      %sub3A_271 = arith.constant 5.000000e-01 : f32
      %sub3A_272 = vector.broadcast %sub3A_271 : f32 to vector<16xf32>
      %sub3A_273 = arith.subf %abs3A_263, %sub3A_272 : vector<16xf32>
      %select_n3A_274 = arith.select %lt3A_266, %mul3A_270, %sub3A_273 : vector<16xi1>, vector<16xf32>
      %add3A_275 = arith.constant 1 : i32
      %add3A_276 = vector.broadcast %add3A_275 : i32 to vector<16xi32>
      %add3A_277 = arith.addi %add3A_259, %add3A_276 : vector<16xi32>
      %gather3A_278 = tpu.vector_load_idx %arg13[%add3A_277] : memref<14336xf32, #tpu.memory_space<vmem>>[vector<16xi32>], vector<16xf32>,
      %add3A_279 = arith.constant 1 : i32
      %add3A_280 = vector.broadcast %add3A_279 : i32 to vector<16xi32>
      %add3A_281 = arith.addi %add3A_259, %add3A_280 : vector<16xi32>
      %gather3A_282 = tpu.vector_load_idx %arg14[%add3A_281] : memref<14336xf32, #tpu.memory_space<vmem>>[vector<16xi32>], vector<16xf32>,
      %sub3A_283 = arith.subf %gather3A_278, %gather3A_282 : vector<16xf32>
      %abs3A_284 = math.absf %sub3A_283 : vector<16xf32>
      %lt3A_285 = arith.constant 1.000000e+00 : f32
      %lt3A_286 = vector.broadcast %lt3A_285 : f32 to vector<16xf32>
      %lt3A_287 = arith.cmpf olt, %abs3A_284, %lt3A_286 : vector<16xf32>
      %mul3A_288 = arith.constant 5.000000e-01 : f32
      %mul3A_289 = vector.broadcast %mul3A_288 : f32 to vector<16xf32>
      %mul3A_290 = arith.mulf %mul3A_289, %sub3A_283 : vector<16xf32>
      %mul3A_291 = arith.mulf %mul3A_290, %sub3A_283 : vector<16xf32>
      %sub3A_292 = arith.constant 5.000000e-01 : f32
      %sub3A_293 = vector.broadcast %sub3A_292 : f32 to vector<16xf32>
      %sub3A_294 = arith.subf %abs3A_284, %sub3A_293 : vector<16xf32>
      %select_n3A_295 = arith.select %lt3A_287, %mul3A_291, %sub3A_294 : vector<16xi1>, vector<16xf32>
      %add3A_296 = arith.addf %select_n3A_274, %select_n3A_295 : vector<16xf32>
      %add3A_297 = arith.constant 2 : i32
      %add3A_298 = vector.broadcast %add3A_297 : i32 to vector<16xi32>
      %add3A_299 = arith.addi %add3A_259, %add3A_298 : vector<16xi32>
      %gather3A_300 = tpu.vector_load_idx %arg13[%add3A_299] : memref<14336xf32, #tpu.memory_space<vmem>>[vector<16xi32>], vector<16xf32>,
      %add3A_301 = arith.constant 2 : i32
      %add3A_302 = vector.broadcast %add3A_301 : i32 to vector<16xi32>
      %add3A_303 = arith.addi %add3A_259, %add3A_302 : vector<16xi32>
      %gather3A_304 = tpu.vector_load_idx %arg14[%add3A_303] : memref<14336xf32, #tpu.memory_space<vmem>>[vector<16xi32>], vector<16xf32>,
      %sub3A_305 = arith.subf %gather3A_300, %gather3A_304 : vector<16xf32>
      %abs3A_306 = math.absf %sub3A_305 : vector<16xf32>
      %lt3A_307 = arith.constant 1.000000e+00 : f32
      %lt3A_308 = vector.broadcast %lt3A_307 : f32 to vector<16xf32>
      %lt3A_309 = arith.cmpf olt, %abs3A_306, %lt3A_308 : vector<16xf32>
      %mul3A_310 = arith.constant 5.000000e-01 : f32
      %mul3A_311 = vector.broadcast %mul3A_310 : f32 to vector<16xf32>
      %mul3A_312 = arith.mulf %mul3A_311, %sub3A_305 : vector<16xf32>
      %mul3A_313 = arith.mulf %mul3A_312, %sub3A_305 : vector<16xf32>
      %sub3A_314 = arith.constant 5.000000e-01 : f32
      %sub3A_315 = vector.broadcast %sub3A_314 : f32 to vector<16xf32>
      %sub3A_316 = arith.subf %abs3A_306, %sub3A_315 : vector<16xf32>
      %select_n3A_317 = arith.select %lt3A_309, %mul3A_313, %sub3A_316 : vector<16xi1>, vector<16xf32>
      %add3A_318 = arith.addf %add3A_296, %select_n3A_317 : vector<16xf32>
      %add3A_319 = arith.constant 3 : i32
      %add3A_320 = vector.broadcast %add3A_319 : i32 to vector<16xi32>
      %add3A_321 = arith.addi %add3A_259, %add3A_320 : vector<16xi32>
      %gather3A_322 = tpu.vector_load_idx %arg13[%add3A_321] : memref<14336xf32, #tpu.memory_space<vmem>>[vector<16xi32>], vector<16xf32>,
      %add3A_323 = arith.constant 3 : i32
      %add3A_324 = vector.broadcast %add3A_323 : i32 to vector<16xi32>
      %add3A_325 = arith.addi %add3A_259, %add3A_324 : vector<16xi32>
      %gather3A_326 = tpu.vector_load_idx %arg14[%add3A_325] : memref<14336xf32, #tpu.memory_space<vmem>>[vector<16xi32>], vector<16xf32>,
      %sub3A_327 = arith.subf %gather3A_322, %gather3A_326 : vector<16xf32>
      %abs3A_328 = math.absf %sub3A_327 : vector<16xf32>
      %lt3A_329 = arith.constant 1.000000e+00 : f32
      %lt3A_330 = vector.broadcast %lt3A_329 : f32 to vector<16xf32>
      %lt3A_331 = arith.cmpf olt, %abs3A_328, %lt3A_330 : vector<16xf32>
      %mul3A_332 = arith.constant 5.000000e-01 : f32
      %mul3A_333 = vector.broadcast %mul3A_332 : f32 to vector<16xf32>
      %mul3A_334 = arith.mulf %mul3A_333, %sub3A_327 : vector<16xf32>
      %mul3A_335 = arith.mulf %mul3A_334, %sub3A_327 : vector<16xf32>
      %sub3A_336 = arith.constant 5.000000e-01 : f32
      %sub3A_337 = vector.broadcast %sub3A_336 : f32 to vector<16xf32>
      %sub3A_338 = arith.subf %abs3A_328, %sub3A_337 : vector<16xf32>
      %select_n3A_339 = arith.select %lt3A_331, %mul3A_335, %sub3A_338 : vector<16xi1>, vector<16xf32>
      %add3A_340 = arith.addf %add3A_318, %select_n3A_339 : vector<16xf32>
      %add3A_341 = arith.constant 4 : i32
      %add3A_342 = vector.broadcast %add3A_341 : i32 to vector<16xi32>
      %add3A_343 = arith.addi %add3A_259, %add3A_342 : vector<16xi32>
      %gather3A_344 = tpu.vector_load_idx %arg13[%add3A_343] : memref<14336xf32, #tpu.memory_space<vmem>>[vector<16xi32>], vector<16xf32>,
      %add3A_345 = arith.constant 4 : i32
      %add3A_346 = vector.broadcast %add3A_345 : i32 to vector<16xi32>
      %add3A_347 = arith.addi %add3A_259, %add3A_346 : vector<16xi32>
      %gather3A_348 = tpu.vector_load_idx %arg14[%add3A_347] : memref<14336xf32, #tpu.memory_space<vmem>>[vector<16xi32>], vector<16xf32>,
      %sub3A_349 = arith.subf %gather3A_344, %gather3A_348 : vector<16xf32>
      %abs3A_350 = math.absf %sub3A_349 : vector<16xf32>
      %lt3A_351 = arith.constant 1.000000e+00 : f32
      %lt3A_352 = vector.broadcast %lt3A_351 : f32 to vector<16xf32>
      %lt3A_353 = arith.cmpf olt, %abs3A_350, %lt3A_352 : vector<16xf32>
      %mul3A_354 = arith.constant 5.000000e-01 : f32
      %mul3A_355 = vector.broadcast %mul3A_354 : f32 to vector<16xf32>
      %mul3A_356 = arith.mulf %mul3A_355, %sub3A_349 : vector<16xf32>
      %mul3A_357 = arith.mulf %mul3A_356, %sub3A_349 : vector<16xf32>
      %sub3A_358 = arith.constant 5.000000e-01 : f32
      %sub3A_359 = vector.broadcast %sub3A_358 : f32 to vector<16xf32>
      %sub3A_360 = arith.subf %abs3A_350, %sub3A_359 : vector<16xf32>
      %select_n3A_361 = arith.select %lt3A_353, %mul3A_357, %sub3A_360 : vector<16xi1>, vector<16xf32>
      %add3A_362 = arith.addf %add3A_340, %select_n3A_361 : vector<16xf32>
      %add3A_363 = arith.constant 5 : i32
      %add3A_364 = vector.broadcast %add3A_363 : i32 to vector<16xi32>
      %add3A_365 = arith.addi %add3A_259, %add3A_364 : vector<16xi32>
      %gather3A_366 = tpu.vector_load_idx %arg13[%add3A_365] : memref<14336xf32, #tpu.memory_space<vmem>>[vector<16xi32>], vector<16xf32>,
      %add3A_367 = arith.constant 5 : i32
      %add3A_368 = vector.broadcast %add3A_367 : i32 to vector<16xi32>
      %add3A_369 = arith.addi %add3A_259, %add3A_368 : vector<16xi32>
      %gather3A_370 = tpu.vector_load_idx %arg14[%add3A_369] : memref<14336xf32, #tpu.memory_space<vmem>>[vector<16xi32>], vector<16xf32>,
      %sub3A_371 = arith.subf %gather3A_366, %gather3A_370 : vector<16xf32>
      %abs3A_372 = math.absf %sub3A_371 : vector<16xf32>
      %lt3A_373 = arith.constant 1.000000e+00 : f32
      %lt3A_374 = vector.broadcast %lt3A_373 : f32 to vector<16xf32>
      %lt3A_375 = arith.cmpf olt, %abs3A_372, %lt3A_374 : vector<16xf32>
      %mul3A_376 = arith.constant 5.000000e-01 : f32
      %mul3A_377 = vector.broadcast %mul3A_376 : f32 to vector<16xf32>
      %mul3A_378 = arith.mulf %mul3A_377, %sub3A_371 : vector<16xf32>
      %mul3A_379 = arith.mulf %mul3A_378, %sub3A_371 : vector<16xf32>
      %sub3A_380 = arith.constant 5.000000e-01 : f32
      %sub3A_381 = vector.broadcast %sub3A_380 : f32 to vector<16xf32>
      %sub3A_382 = arith.subf %abs3A_372, %sub3A_381 : vector<16xf32>
      %select_n3A_383 = arith.select %lt3A_375, %mul3A_379, %sub3A_382 : vector<16xi1>, vector<16xf32>
      %add3A_384 = arith.addf %add3A_362, %select_n3A_383 : vector<16xf32>
      %add3A_385 = arith.constant 6 : i32
      %add3A_386 = vector.broadcast %add3A_385 : i32 to vector<16xi32>
      %add3A_387 = arith.addi %add3A_259, %add3A_386 : vector<16xi32>
      %gather3A_388 = tpu.vector_load_idx %arg13[%add3A_387] : memref<14336xf32, #tpu.memory_space<vmem>>[vector<16xi32>], vector<16xf32>,
      %add3A_389 = arith.constant 6 : i32
      %add3A_390 = vector.broadcast %add3A_389 : i32 to vector<16xi32>
      %add3A_391 = arith.addi %add3A_259, %add3A_390 : vector<16xi32>
      %gather3A_392 = tpu.vector_load_idx %arg14[%add3A_391] : memref<14336xf32, #tpu.memory_space<vmem>>[vector<16xi32>], vector<16xf32>,
      %sub3A_393 = arith.subf %gather3A_388, %gather3A_392 : vector<16xf32>
      %abs3A_394 = math.absf %sub3A_393 : vector<16xf32>
      %lt3A_395 = arith.constant 1.000000e+00 : f32
      %lt3A_396 = vector.broadcast %lt3A_395 : f32 to vector<16xf32>
      %lt3A_397 = arith.cmpf olt, %abs3A_394, %lt3A_396 : vector<16xf32>
      %mul3A_398 = arith.constant 5.000000e-01 : f32
      %mul3A_399 = vector.broadcast %mul3A_398 : f32 to vector<16xf32>
      %mul3A_400 = arith.mulf %mul3A_399, %sub3A_393 : vector<16xf32>
      %mul3A_401 = arith.mulf %mul3A_400, %sub3A_393 : vector<16xf32>
      %sub3A_402 = arith.constant 5.000000e-01 : f32
      %sub3A_403 = vector.broadcast %sub3A_402 : f32 to vector<16xf32>
      %sub3A_404 = arith.subf %abs3A_394, %sub3A_403 : vector<16xf32>
      %select_n3A_405 = arith.select %lt3A_397, %mul3A_401, %sub3A_404 : vector<16xi1>, vector<16xf32>
      %add3A_406 = arith.addf %add3A_384, %select_n3A_405 : vector<16xf32>
      %mul3A_407 = arith.mulf %add3A_406, %select_n3A : vector<16xf32>
      %add3A_408 = arith.addf %scan3A_107, %mul3A_407 : vector<16xf32>
      scf.yield %add3A_172, %add3A_173, %add3A_174, %add3A_255, %add3A_408 : vector<16xf32>, vector<16xf32>, vector<16xf32>, vector<16xf32>, vector<16xf32>
    }
    %scan3A_28 = arith.constant 128 : i32
    %mul3A_29 = arith.constant 8192 : i32
    %mul3A_30 = arith.muli %add3A, %mul3A_29 : i32
    %add3A_31 = arith.constant 2048 : i32
    %add3A_32 = arith.addi %mul3A_30, %add3A_31 : i32
    %mul3A_33 = arith.constant 4 : i32
    %mul3A_34 = arith.muli %add3A_32, %mul3A_33 : i32
    "tpu.region"() ({
      %run_scoped3A = tpu.sem_alloc : memref<!tpu.dma_semaphore, #tpu.memory_space<semaphore_mem>>
      %dma_start3A = tpu.memref_slice %arg2[%mul3A_34] : memref<1048576xf32, #tpu.memory_space<hbm>> -> memref<8192xf32, #tpu.memory_space<hbm>>
      %dma_start3A_102 = tpu.memref_slice %arg2[%mul3A_34] : memref<1048576xf32, #tpu.memory_space<hbm>> -> memref<8192xf32, #tpu.memory_space<hbm>>
      tpu.enqueue_dma source(%dma_start3A_102 : memref<8192xf32, #tpu.memory_space<hbm>>) target(%arg10 : memref<8192xf32, #tpu.memory_space<vmem>>) target_semaphore(%run_scoped3A : memref<!tpu.dma_semaphore, #tpu.memory_space<semaphore_mem>>)
      %dma_wait3A = tpu.memref_slice %arg2[%mul3A_34] : memref<1048576xf32, #tpu.memory_space<hbm>> -> memref<8192xf32, #tpu.memory_space<hbm>>
      %dma_wait3A_103 = tpu.memref_slice %arg2[%mul3A_34] : memref<1048576xf32, #tpu.memory_space<hbm>> -> memref<8192xf32, #tpu.memory_space<hbm>>
      tpu.wait_dma2 semaphore(%run_scoped3A : memref<!tpu.dma_semaphore, #tpu.memory_space<semaphore_mem>>) src(%dma_wait3A_103 : memref<8192xf32, #tpu.memory_space<hbm>>) dst(%arg10 : memref<8192xf32, #tpu.memory_space<vmem>>)
      tpu.yield
    }) : () -> ()
    %mul3A_35 = arith.constant 4 : i32
    %mul3A_36 = arith.muli %add3A_32, %mul3A_35 : i32
    "tpu.region"() ({
      %run_scoped3A = tpu.sem_alloc : memref<!tpu.dma_semaphore, #tpu.memory_space<semaphore_mem>>
      %dma_start3A = tpu.memref_slice %arg3[%mul3A_36] : memref<1048576xf32, #tpu.memory_space<hbm>> -> memref<8192xf32, #tpu.memory_space<hbm>>
      %dma_start3A_102 = tpu.memref_slice %arg3[%mul3A_36] : memref<1048576xf32, #tpu.memory_space<hbm>> -> memref<8192xf32, #tpu.memory_space<hbm>>
      tpu.enqueue_dma source(%dma_start3A_102 : memref<8192xf32, #tpu.memory_space<hbm>>) target(%arg11 : memref<8192xf32, #tpu.memory_space<vmem>>) target_semaphore(%run_scoped3A : memref<!tpu.dma_semaphore, #tpu.memory_space<semaphore_mem>>)
      %dma_wait3A = tpu.memref_slice %arg3[%mul3A_36] : memref<1048576xf32, #tpu.memory_space<hbm>> -> memref<8192xf32, #tpu.memory_space<hbm>>
      %dma_wait3A_103 = tpu.memref_slice %arg3[%mul3A_36] : memref<1048576xf32, #tpu.memory_space<hbm>> -> memref<8192xf32, #tpu.memory_space<hbm>>
      tpu.wait_dma2 semaphore(%run_scoped3A : memref<!tpu.dma_semaphore, #tpu.memory_space<semaphore_mem>>) src(%dma_wait3A_103 : memref<8192xf32, #tpu.memory_space<hbm>>) dst(%arg11 : memref<8192xf32, #tpu.memory_space<vmem>>)
      tpu.yield
    }) : () -> ()
    %mul3A_37 = arith.constant 4 : i32
    %mul3A_38 = arith.muli %add3A_32, %mul3A_37 : i32
    "tpu.region"() ({
      %run_scoped3A = tpu.sem_alloc : memref<!tpu.dma_semaphore, #tpu.memory_space<semaphore_mem>>
      %dma_start3A = tpu.memref_slice %arg4[%mul3A_38] : memref<1048576xf32, #tpu.memory_space<hbm>> -> memref<8192xf32, #tpu.memory_space<hbm>>
      %dma_start3A_102 = tpu.memref_slice %arg4[%mul3A_38] : memref<1048576xf32, #tpu.memory_space<hbm>> -> memref<8192xf32, #tpu.memory_space<hbm>>
      tpu.enqueue_dma source(%dma_start3A_102 : memref<8192xf32, #tpu.memory_space<hbm>>) target(%arg12 : memref<8192xf32, #tpu.memory_space<vmem>>) target_semaphore(%run_scoped3A : memref<!tpu.dma_semaphore, #tpu.memory_space<semaphore_mem>>)
      %dma_wait3A = tpu.memref_slice %arg4[%mul3A_38] : memref<1048576xf32, #tpu.memory_space<hbm>> -> memref<8192xf32, #tpu.memory_space<hbm>>
      %dma_wait3A_103 = tpu.memref_slice %arg4[%mul3A_38] : memref<1048576xf32, #tpu.memory_space<hbm>> -> memref<8192xf32, #tpu.memory_space<hbm>>
      tpu.wait_dma2 semaphore(%run_scoped3A : memref<!tpu.dma_semaphore, #tpu.memory_space<semaphore_mem>>) src(%dma_wait3A_103 : memref<8192xf32, #tpu.memory_space<hbm>>) dst(%arg12 : memref<8192xf32, #tpu.memory_space<vmem>>)
      tpu.yield
    }) : () -> ()
    %mul3A_39 = arith.constant 7 : i32
    %mul3A_40 = arith.muli %add3A_32, %mul3A_39 : i32
    "tpu.region"() ({
      %run_scoped3A = tpu.sem_alloc : memref<!tpu.dma_semaphore, #tpu.memory_space<semaphore_mem>>
      %dma_start3A = tpu.memref_slice %arg5[%mul3A_40] : memref<1835008xf32, #tpu.memory_space<hbm>> -> memref<14336xf32, #tpu.memory_space<hbm>>
      %dma_start3A_102 = tpu.memref_slice %arg5[%mul3A_40] : memref<1835008xf32, #tpu.memory_space<hbm>> -> memref<14336xf32, #tpu.memory_space<hbm>>
      tpu.enqueue_dma source(%dma_start3A_102 : memref<14336xf32, #tpu.memory_space<hbm>>) target(%arg13 : memref<14336xf32, #tpu.memory_space<vmem>>) target_semaphore(%run_scoped3A : memref<!tpu.dma_semaphore, #tpu.memory_space<semaphore_mem>>)
      %dma_wait3A = tpu.memref_slice %arg5[%mul3A_40] : memref<1835008xf32, #tpu.memory_space<hbm>> -> memref<14336xf32, #tpu.memory_space<hbm>>
      %dma_wait3A_103 = tpu.memref_slice %arg5[%mul3A_40] : memref<1835008xf32, #tpu.memory_space<hbm>> -> memref<14336xf32, #tpu.memory_space<hbm>>
      tpu.wait_dma2 semaphore(%run_scoped3A : memref<!tpu.dma_semaphore, #tpu.memory_space<semaphore_mem>>) src(%dma_wait3A_103 : memref<14336xf32, #tpu.memory_space<hbm>>) dst(%arg13 : memref<14336xf32, #tpu.memory_space<vmem>>)
      tpu.yield
    }) : () -> ()
    %mul3A_41 = arith.constant 7 : i32
    %mul3A_42 = arith.muli %add3A_32, %mul3A_41 : i32
    "tpu.region"() ({
      %run_scoped3A = tpu.sem_alloc : memref<!tpu.dma_semaphore, #tpu.memory_space<semaphore_mem>>
      %dma_start3A = tpu.memref_slice %arg6[%mul3A_42] : memref<1835008xf32, #tpu.memory_space<hbm>> -> memref<14336xf32, #tpu.memory_space<hbm>>
      %dma_start3A_102 = tpu.memref_slice %arg6[%mul3A_42] : memref<1835008xf32, #tpu.memory_space<hbm>> -> memref<14336xf32, #tpu.memory_space<hbm>>
      tpu.enqueue_dma source(%dma_start3A_102 : memref<14336xf32, #tpu.memory_space<hbm>>) target(%arg14 : memref<14336xf32, #tpu.memory_space<vmem>>) target_semaphore(%run_scoped3A : memref<!tpu.dma_semaphore, #tpu.memory_space<semaphore_mem>>)
      %dma_wait3A = tpu.memref_slice %arg6[%mul3A_42] : memref<1835008xf32, #tpu.memory_space<hbm>> -> memref<14336xf32, #tpu.memory_space<hbm>>
      %dma_wait3A_103 = tpu.memref_slice %arg6[%mul3A_42] : memref<1835008xf32, #tpu.memory_space<hbm>> -> memref<14336xf32, #tpu.memory_space<hbm>>
      tpu.wait_dma2 semaphore(%run_scoped3A : memref<!tpu.dma_semaphore, #tpu.memory_space<semaphore_mem>>) src(%dma_wait3A_103 : memref<14336xf32, #tpu.memory_space<hbm>>) dst(%arg14 : memref<14336xf32, #tpu.memory_space<vmem>>)
      tpu.yield
    }) : () -> ()
    "tpu.region"() ({
      %run_scoped3A = tpu.sem_alloc : memref<!tpu.dma_semaphore, #tpu.memory_space<semaphore_mem>>
      %dma_start3A = tpu.memref_slice %arg7[%add3A_32] : memref<262144xi32, #tpu.memory_space<hbm>> -> memref<2048xi32, #tpu.memory_space<hbm>>
      %dma_start3A_102 = tpu.memref_slice %arg7[%add3A_32] : memref<262144xi32, #tpu.memory_space<hbm>> -> memref<2048xi32, #tpu.memory_space<hbm>>
      tpu.enqueue_dma source(%dma_start3A_102 : memref<2048xi32, #tpu.memory_space<hbm>>) target(%arg15 : memref<2048xi32, #tpu.memory_space<vmem>>) target_semaphore(%run_scoped3A : memref<!tpu.dma_semaphore, #tpu.memory_space<semaphore_mem>>)
      %dma_wait3A = tpu.memref_slice %arg7[%add3A_32] : memref<262144xi32, #tpu.memory_space<hbm>> -> memref<2048xi32, #tpu.memory_space<hbm>>
      %dma_wait3A_103 = tpu.memref_slice %arg7[%add3A_32] : memref<262144xi32, #tpu.memory_space<hbm>> -> memref<2048xi32, #tpu.memory_space<hbm>>
      tpu.wait_dma2 semaphore(%run_scoped3A : memref<!tpu.dma_semaphore, #tpu.memory_space<semaphore_mem>>) src(%dma_wait3A_103 : memref<2048xi32, #tpu.memory_space<hbm>>) dst(%arg15 : memref<2048xi32, #tpu.memory_space<vmem>>)
      tpu.yield
    }) : () -> ()
    "tpu.region"() ({
      %run_scoped3A = tpu.sem_alloc : memref<!tpu.dma_semaphore, #tpu.memory_space<semaphore_mem>>
      %dma_start3A = tpu.memref_slice %arg8[%add3A_32] : memref<262144xi32, #tpu.memory_space<hbm>> -> memref<2048xi32, #tpu.memory_space<hbm>>
      %dma_start3A_102 = tpu.memref_slice %arg8[%add3A_32] : memref<262144xi32, #tpu.memory_space<hbm>> -> memref<2048xi32, #tpu.memory_space<hbm>>
      tpu.enqueue_dma source(%dma_start3A_102 : memref<2048xi32, #tpu.memory_space<hbm>>) target(%arg16 : memref<2048xi32, #tpu.memory_space<vmem>>) target_semaphore(%run_scoped3A : memref<!tpu.dma_semaphore, #tpu.memory_space<semaphore_mem>>)
      %dma_wait3A = tpu.memref_slice %arg8[%add3A_32] : memref<262144xi32, #tpu.memory_space<hbm>> -> memref<2048xi32, #tpu.memory_space<hbm>>
      %dma_wait3A_103 = tpu.memref_slice %arg8[%add3A_32] : memref<262144xi32, #tpu.memory_space<hbm>> -> memref<2048xi32, #tpu.memory_space<hbm>>
      tpu.wait_dma2 semaphore(%run_scoped3A : memref<!tpu.dma_semaphore, #tpu.memory_space<semaphore_mem>>) src(%dma_wait3A_103 : memref<2048xi32, #tpu.memory_space<hbm>>) dst(%arg16 : memref<2048xi32, #tpu.memory_space<vmem>>)
      tpu.yield
    }) : () -> ()
    %scan3A_43 = arith.constant 0 : i32
    %scan3A_44 = arith.constant 128 : i32
    %scan3A_45 = arith.addi %scan3A_43, %scan3A_44 : i32
    %scan3A_46 = arith.constant 1 : i32
    %scan3A_47:5 = scf.for %scan3A_102 = %scan3A_43 to %scan3A_45 step %scan3A_46 iter_args(%scan3A_103 = %scan3A_27#0, %scan3A_104 = %scan3A_27#1, %scan3A_105 = %scan3A_27#2, %scan3A_106 = %scan3A_27#3, %scan3A_107 = %scan3A_27#4) -> (vector<16xf32>, vector<16xf32>, vector<16xf32>, vector<16xf32>, vector<16xf32>)  : i32 {
      %mul3A_108 = arith.constant 16 : i32
      %mul3A_109 = arith.muli %scan3A_102, %mul3A_108 : i32
      %get3A = arith.index_cast %mul3A_109 : i32 to index
      %get3A_110 = tpu.vector_load %arg15[%get3A] {strides = array<i32>} : memref<2048xi32, #tpu.memory_space<vmem>>, vector<16xi32>,
      %get3A_111 = arith.index_cast %mul3A_109 : i32 to index
      %get3A_112 = tpu.vector_load %arg16[%get3A_111] {strides = array<i32>} : memref<2048xi32, #tpu.memory_space<vmem>>, vector<16xi32>,
      %gt3A = arith.constant 0 : i32
      %gt3A_113 = vector.broadcast %gt3A : i32 to vector<16xi32>
      %gt3A_114 = arith.cmpi sgt, %get3A_110, %gt3A_113 : vector<16xi32>
      %select_n3A = arith.select %gt3A_114, %broadcast_in_dim3A_9, %broadcast_in_dim3A_7 : vector<16xi1>, vector<16xf32>
      %gt3A_115 = arith.constant 0 : i32
      %gt3A_116 = vector.broadcast %gt3A_115 : i32 to vector<16xi32>
      %gt3A_117 = arith.cmpi sgt, %get3A_112, %gt3A_116 : vector<16xi32>
      %select_n3A_118 = arith.select %gt3A_117, %broadcast_in_dim3A_9, %broadcast_in_dim3A_7 : vector<16xi1>, vector<16xf32>
      %mul3A_119 = arith.constant 4 : i32
      %mul3A_120 = arith.muli %mul3A_109, %mul3A_119 : i32
      %add3A_121 = vector.broadcast %mul3A_120 : i32 to vector<16xi32>
      %add3A_122 = arith.addi %add3A_121, %mul3A_3 : vector<16xi32>
      %add3A_123 = arith.addi %add3A_122, %get3A_110 : vector<16xi32>
      %gather3A = tpu.vector_load_idx %arg10[%add3A_123] : memref<8192xf32, #tpu.memory_space<vmem>>[vector<16xi32>], vector<16xf32>,
      %max3A = arith.constant 1.000000e-30 : f32
      %max3A_124 = vector.broadcast %max3A : f32 to vector<16xf32>
      %max3A_125 = arith.maximumf %gather3A, %max3A_124 : vector<16xf32>
      %bitcast3A = vector.bitcast %max3A_125 : vector<16xf32> to vector<16xi32>
      %sub3A = arith.constant 1060439283 : i32
      %sub3A_126 = vector.broadcast %sub3A : i32 to vector<16xi32>
      %sub3A_127 = arith.subi %bitcast3A, %sub3A_126 : vector<16xi32>
      %shift_right_arithmetic3A = arith.constant 23 : i32
      %shift_right_arithmetic3A_128 = vector.broadcast %shift_right_arithmetic3A : i32 to vector<16xi32>
      %shift_right_arithmetic3A_129 = arith.shrsi %sub3A_127, %shift_right_arithmetic3A_128 : vector<16xi32>
      %shift_left3A = arith.constant 23 : i32
      %shift_left3A_130 = vector.broadcast %shift_left3A : i32 to vector<16xi32>
      %shift_left3A_131 = arith.shli %shift_right_arithmetic3A_129, %shift_left3A_130 : vector<16xi32>
      %sub3A_132 = arith.subi %bitcast3A, %shift_left3A_131 : vector<16xi32>
      %bitcast3A_133 = vector.bitcast %sub3A_132 : vector<16xi32> to vector<16xf32>
      %convert_element_type3A = arith.sitofp %shift_right_arithmetic3A_129 : vector<16xi32> to vector<16xf32>
      %sub3A_134 = arith.constant 1.000000e+00 : f32
      %sub3A_135 = vector.broadcast %sub3A_134 : f32 to vector<16xf32>
      %sub3A_136 = arith.subf %bitcast3A_133, %sub3A_135 : vector<16xf32>
      %add3A_137 = arith.constant 2.000000e+00 : f32
      %add3A_138 = vector.broadcast %add3A_137 : f32 to vector<16xf32>
      %add3A_139 = arith.addf %add3A_138, %sub3A_136 : vector<16xf32>
      %div3A = arith.divf %sub3A_136, %add3A_139 : vector<16xf32>
      %mul3A_140 = arith.mulf %div3A, %div3A : vector<16xf32>
      %mul3A_141 = arith.constant 0.111111112 : f32
      %mul3A_142 = vector.broadcast %mul3A_141 : f32 to vector<16xf32>
      %mul3A_143 = arith.mulf %mul3A_140, %mul3A_142 : vector<16xf32>
      %add3A_144 = arith.constant 0.142857149 : f32
      %add3A_145 = vector.broadcast %add3A_144 : f32 to vector<16xf32>
      %add3A_146 = arith.addf %mul3A_143, %add3A_145 : vector<16xf32>
      %mul3A_147 = arith.mulf %add3A_146, %mul3A_140 : vector<16xf32>
      %add3A_148 = arith.constant 2.000000e-01 : f32
      %add3A_149 = vector.broadcast %add3A_148 : f32 to vector<16xf32>
      %add3A_150 = arith.addf %mul3A_147, %add3A_149 : vector<16xf32>
      %mul3A_151 = arith.mulf %add3A_150, %mul3A_140 : vector<16xf32>
      %add3A_152 = arith.constant 0.333333343 : f32
      %add3A_153 = vector.broadcast %add3A_152 : f32 to vector<16xf32>
      %add3A_154 = arith.addf %mul3A_151, %add3A_153 : vector<16xf32>
      %mul3A_155 = arith.constant 2.000000e+00 : f32
      %mul3A_156 = vector.broadcast %mul3A_155 : f32 to vector<16xf32>
      %mul3A_157 = arith.mulf %mul3A_156, %div3A : vector<16xf32>
      %mul3A_158 = arith.constant 2.000000e+00 : f32
      %mul3A_159 = vector.broadcast %mul3A_158 : f32 to vector<16xf32>
      %mul3A_160 = arith.mulf %mul3A_159, %div3A : vector<16xf32>
      %mul3A_161 = arith.mulf %mul3A_160, %mul3A_140 : vector<16xf32>
      %mul3A_162 = arith.mulf %mul3A_161, %add3A_154 : vector<16xf32>
      %add3A_163 = arith.addf %mul3A_157, %mul3A_162 : vector<16xf32>
      %mul3A_164 = arith.constant 0.693147182 : f32
      %mul3A_165 = vector.broadcast %mul3A_164 : f32 to vector<16xf32>
      %mul3A_166 = arith.mulf %convert_element_type3A, %mul3A_165 : vector<16xf32>
      %add3A_167 = arith.addf %mul3A_166, %add3A_163 : vector<16xf32>
      %neg3A = arith.constant 0.000000e+00 : f32
      %neg3A_168 = vector.broadcast %neg3A : f32 to vector<16xf32>
      %neg3A_169 = arith.subf %neg3A_168, %add3A_167 : vector<16xf32>
      %add3A_170 = arith.addf %select_n3A, %select_n3A_118 : vector<16xf32>
      %mul3A_171 = arith.mulf %neg3A_169, %add3A_170 : vector<16xf32>
      %add3A_172 = arith.addf %scan3A_103, %mul3A_171 : vector<16xf32>
      %add3A_173 = arith.addf %scan3A_104, %add3A_170 : vector<16xf32>
      %add3A_174 = arith.addf %scan3A_105, %select_n3A : vector<16xf32>
      %gather3A_175 = tpu.vector_load_idx %arg11[%add3A_122] : memref<8192xf32, #tpu.memory_space<vmem>>[vector<16xi32>], vector<16xf32>,
      %gather3A_176 = tpu.vector_load_idx %arg12[%add3A_122] : memref<8192xf32, #tpu.memory_space<vmem>>[vector<16xi32>], vector<16xf32>,
      %sub3A_177 = arith.subf %gather3A_175, %gather3A_176 : vector<16xf32>
      %abs3A = math.absf %sub3A_177 : vector<16xf32>
      %lt3A = arith.constant 1.000000e+00 : f32
      %lt3A_178 = vector.broadcast %lt3A : f32 to vector<16xf32>
      %lt3A_179 = arith.cmpf olt, %abs3A, %lt3A_178 : vector<16xf32>
      %mul3A_180 = arith.constant 5.000000e-01 : f32
      %mul3A_181 = vector.broadcast %mul3A_180 : f32 to vector<16xf32>
      %mul3A_182 = arith.mulf %mul3A_181, %sub3A_177 : vector<16xf32>
      %mul3A_183 = arith.mulf %mul3A_182, %sub3A_177 : vector<16xf32>
      %sub3A_184 = arith.constant 5.000000e-01 : f32
      %sub3A_185 = vector.broadcast %sub3A_184 : f32 to vector<16xf32>
      %sub3A_186 = arith.subf %abs3A, %sub3A_185 : vector<16xf32>
      %select_n3A_187 = arith.select %lt3A_179, %mul3A_183, %sub3A_186 : vector<16xi1>, vector<16xf32>
      %add3A_188 = arith.constant 1 : i32
      %add3A_189 = vector.broadcast %add3A_188 : i32 to vector<16xi32>
      %add3A_190 = arith.addi %add3A_122, %add3A_189 : vector<16xi32>
      %gather3A_191 = tpu.vector_load_idx %arg11[%add3A_190] : memref<8192xf32, #tpu.memory_space<vmem>>[vector<16xi32>], vector<16xf32>,
      %add3A_192 = arith.constant 1 : i32
      %add3A_193 = vector.broadcast %add3A_192 : i32 to vector<16xi32>
      %add3A_194 = arith.addi %add3A_122, %add3A_193 : vector<16xi32>
      %gather3A_195 = tpu.vector_load_idx %arg12[%add3A_194] : memref<8192xf32, #tpu.memory_space<vmem>>[vector<16xi32>], vector<16xf32>,
      %sub3A_196 = arith.subf %gather3A_191, %gather3A_195 : vector<16xf32>
      %abs3A_197 = math.absf %sub3A_196 : vector<16xf32>
      %lt3A_198 = arith.constant 1.000000e+00 : f32
      %lt3A_199 = vector.broadcast %lt3A_198 : f32 to vector<16xf32>
      %lt3A_200 = arith.cmpf olt, %abs3A_197, %lt3A_199 : vector<16xf32>
      %mul3A_201 = arith.constant 5.000000e-01 : f32
      %mul3A_202 = vector.broadcast %mul3A_201 : f32 to vector<16xf32>
      %mul3A_203 = arith.mulf %mul3A_202, %sub3A_196 : vector<16xf32>
      %mul3A_204 = arith.mulf %mul3A_203, %sub3A_196 : vector<16xf32>
      %sub3A_205 = arith.constant 5.000000e-01 : f32
      %sub3A_206 = vector.broadcast %sub3A_205 : f32 to vector<16xf32>
      %sub3A_207 = arith.subf %abs3A_197, %sub3A_206 : vector<16xf32>
      %select_n3A_208 = arith.select %lt3A_200, %mul3A_204, %sub3A_207 : vector<16xi1>, vector<16xf32>
      %add3A_209 = arith.addf %select_n3A_187, %select_n3A_208 : vector<16xf32>
      %add3A_210 = arith.constant 2 : i32
      %add3A_211 = vector.broadcast %add3A_210 : i32 to vector<16xi32>
      %add3A_212 = arith.addi %add3A_122, %add3A_211 : vector<16xi32>
      %gather3A_213 = tpu.vector_load_idx %arg11[%add3A_212] : memref<8192xf32, #tpu.memory_space<vmem>>[vector<16xi32>], vector<16xf32>,
      %add3A_214 = arith.constant 2 : i32
      %add3A_215 = vector.broadcast %add3A_214 : i32 to vector<16xi32>
      %add3A_216 = arith.addi %add3A_122, %add3A_215 : vector<16xi32>
      %gather3A_217 = tpu.vector_load_idx %arg12[%add3A_216] : memref<8192xf32, #tpu.memory_space<vmem>>[vector<16xi32>], vector<16xf32>,
      %sub3A_218 = arith.subf %gather3A_213, %gather3A_217 : vector<16xf32>
      %abs3A_219 = math.absf %sub3A_218 : vector<16xf32>
      %lt3A_220 = arith.constant 1.000000e+00 : f32
      %lt3A_221 = vector.broadcast %lt3A_220 : f32 to vector<16xf32>
      %lt3A_222 = arith.cmpf olt, %abs3A_219, %lt3A_221 : vector<16xf32>
      %mul3A_223 = arith.constant 5.000000e-01 : f32
      %mul3A_224 = vector.broadcast %mul3A_223 : f32 to vector<16xf32>
      %mul3A_225 = arith.mulf %mul3A_224, %sub3A_218 : vector<16xf32>
      %mul3A_226 = arith.mulf %mul3A_225, %sub3A_218 : vector<16xf32>
      %sub3A_227 = arith.constant 5.000000e-01 : f32
      %sub3A_228 = vector.broadcast %sub3A_227 : f32 to vector<16xf32>
      %sub3A_229 = arith.subf %abs3A_219, %sub3A_228 : vector<16xf32>
      %select_n3A_230 = arith.select %lt3A_222, %mul3A_226, %sub3A_229 : vector<16xi1>, vector<16xf32>
      %add3A_231 = arith.addf %add3A_209, %select_n3A_230 : vector<16xf32>
      %add3A_232 = arith.constant 3 : i32
      %add3A_233 = vector.broadcast %add3A_232 : i32 to vector<16xi32>
      %add3A_234 = arith.addi %add3A_122, %add3A_233 : vector<16xi32>
      %gather3A_235 = tpu.vector_load_idx %arg11[%add3A_234] : memref<8192xf32, #tpu.memory_space<vmem>>[vector<16xi32>], vector<16xf32>,
      %add3A_236 = arith.constant 3 : i32
      %add3A_237 = vector.broadcast %add3A_236 : i32 to vector<16xi32>
      %add3A_238 = arith.addi %add3A_122, %add3A_237 : vector<16xi32>
      %gather3A_239 = tpu.vector_load_idx %arg12[%add3A_238] : memref<8192xf32, #tpu.memory_space<vmem>>[vector<16xi32>], vector<16xf32>,
      %sub3A_240 = arith.subf %gather3A_235, %gather3A_239 : vector<16xf32>
      %abs3A_241 = math.absf %sub3A_240 : vector<16xf32>
      %lt3A_242 = arith.constant 1.000000e+00 : f32
      %lt3A_243 = vector.broadcast %lt3A_242 : f32 to vector<16xf32>
      %lt3A_244 = arith.cmpf olt, %abs3A_241, %lt3A_243 : vector<16xf32>
      %mul3A_245 = arith.constant 5.000000e-01 : f32
      %mul3A_246 = vector.broadcast %mul3A_245 : f32 to vector<16xf32>
      %mul3A_247 = arith.mulf %mul3A_246, %sub3A_240 : vector<16xf32>
      %mul3A_248 = arith.mulf %mul3A_247, %sub3A_240 : vector<16xf32>
      %sub3A_249 = arith.constant 5.000000e-01 : f32
      %sub3A_250 = vector.broadcast %sub3A_249 : f32 to vector<16xf32>
      %sub3A_251 = arith.subf %abs3A_241, %sub3A_250 : vector<16xf32>
      %select_n3A_252 = arith.select %lt3A_244, %mul3A_248, %sub3A_251 : vector<16xi1>, vector<16xf32>
      %add3A_253 = arith.addf %add3A_231, %select_n3A_252 : vector<16xf32>
      %mul3A_254 = arith.mulf %add3A_253, %select_n3A : vector<16xf32>
      %add3A_255 = arith.addf %scan3A_106, %mul3A_254 : vector<16xf32>
      %mul3A_256 = arith.constant 7 : i32
      %mul3A_257 = arith.muli %mul3A_109, %mul3A_256 : i32
      %add3A_258 = vector.broadcast %mul3A_257 : i32 to vector<16xi32>
      %add3A_259 = arith.addi %add3A_258, %mul3A_6 : vector<16xi32>
      %gather3A_260 = tpu.vector_load_idx %arg13[%add3A_259] : memref<14336xf32, #tpu.memory_space<vmem>>[vector<16xi32>], vector<16xf32>,
      %gather3A_261 = tpu.vector_load_idx %arg14[%add3A_259] : memref<14336xf32, #tpu.memory_space<vmem>>[vector<16xi32>], vector<16xf32>,
      %sub3A_262 = arith.subf %gather3A_260, %gather3A_261 : vector<16xf32>
      %abs3A_263 = math.absf %sub3A_262 : vector<16xf32>
      %lt3A_264 = arith.constant 1.000000e+00 : f32
      %lt3A_265 = vector.broadcast %lt3A_264 : f32 to vector<16xf32>
      %lt3A_266 = arith.cmpf olt, %abs3A_263, %lt3A_265 : vector<16xf32>
      %mul3A_267 = arith.constant 5.000000e-01 : f32
      %mul3A_268 = vector.broadcast %mul3A_267 : f32 to vector<16xf32>
      %mul3A_269 = arith.mulf %mul3A_268, %sub3A_262 : vector<16xf32>
      %mul3A_270 = arith.mulf %mul3A_269, %sub3A_262 : vector<16xf32>
      %sub3A_271 = arith.constant 5.000000e-01 : f32
      %sub3A_272 = vector.broadcast %sub3A_271 : f32 to vector<16xf32>
      %sub3A_273 = arith.subf %abs3A_263, %sub3A_272 : vector<16xf32>
      %select_n3A_274 = arith.select %lt3A_266, %mul3A_270, %sub3A_273 : vector<16xi1>, vector<16xf32>
      %add3A_275 = arith.constant 1 : i32
      %add3A_276 = vector.broadcast %add3A_275 : i32 to vector<16xi32>
      %add3A_277 = arith.addi %add3A_259, %add3A_276 : vector<16xi32>
      %gather3A_278 = tpu.vector_load_idx %arg13[%add3A_277] : memref<14336xf32, #tpu.memory_space<vmem>>[vector<16xi32>], vector<16xf32>,
      %add3A_279 = arith.constant 1 : i32
      %add3A_280 = vector.broadcast %add3A_279 : i32 to vector<16xi32>
      %add3A_281 = arith.addi %add3A_259, %add3A_280 : vector<16xi32>
      %gather3A_282 = tpu.vector_load_idx %arg14[%add3A_281] : memref<14336xf32, #tpu.memory_space<vmem>>[vector<16xi32>], vector<16xf32>,
      %sub3A_283 = arith.subf %gather3A_278, %gather3A_282 : vector<16xf32>
      %abs3A_284 = math.absf %sub3A_283 : vector<16xf32>
      %lt3A_285 = arith.constant 1.000000e+00 : f32
      %lt3A_286 = vector.broadcast %lt3A_285 : f32 to vector<16xf32>
      %lt3A_287 = arith.cmpf olt, %abs3A_284, %lt3A_286 : vector<16xf32>
      %mul3A_288 = arith.constant 5.000000e-01 : f32
      %mul3A_289 = vector.broadcast %mul3A_288 : f32 to vector<16xf32>
      %mul3A_290 = arith.mulf %mul3A_289, %sub3A_283 : vector<16xf32>
      %mul3A_291 = arith.mulf %mul3A_290, %sub3A_283 : vector<16xf32>
      %sub3A_292 = arith.constant 5.000000e-01 : f32
      %sub3A_293 = vector.broadcast %sub3A_292 : f32 to vector<16xf32>
      %sub3A_294 = arith.subf %abs3A_284, %sub3A_293 : vector<16xf32>
      %select_n3A_295 = arith.select %lt3A_287, %mul3A_291, %sub3A_294 : vector<16xi1>, vector<16xf32>
      %add3A_296 = arith.addf %select_n3A_274, %select_n3A_295 : vector<16xf32>
      %add3A_297 = arith.constant 2 : i32
      %add3A_298 = vector.broadcast %add3A_297 : i32 to vector<16xi32>
      %add3A_299 = arith.addi %add3A_259, %add3A_298 : vector<16xi32>
      %gather3A_300 = tpu.vector_load_idx %arg13[%add3A_299] : memref<14336xf32, #tpu.memory_space<vmem>>[vector<16xi32>], vector<16xf32>,
      %add3A_301 = arith.constant 2 : i32
      %add3A_302 = vector.broadcast %add3A_301 : i32 to vector<16xi32>
      %add3A_303 = arith.addi %add3A_259, %add3A_302 : vector<16xi32>
      %gather3A_304 = tpu.vector_load_idx %arg14[%add3A_303] : memref<14336xf32, #tpu.memory_space<vmem>>[vector<16xi32>], vector<16xf32>,
      %sub3A_305 = arith.subf %gather3A_300, %gather3A_304 : vector<16xf32>
      %abs3A_306 = math.absf %sub3A_305 : vector<16xf32>
      %lt3A_307 = arith.constant 1.000000e+00 : f32
      %lt3A_308 = vector.broadcast %lt3A_307 : f32 to vector<16xf32>
      %lt3A_309 = arith.cmpf olt, %abs3A_306, %lt3A_308 : vector<16xf32>
      %mul3A_310 = arith.constant 5.000000e-01 : f32
      %mul3A_311 = vector.broadcast %mul3A_310 : f32 to vector<16xf32>
      %mul3A_312 = arith.mulf %mul3A_311, %sub3A_305 : vector<16xf32>
      %mul3A_313 = arith.mulf %mul3A_312, %sub3A_305 : vector<16xf32>
      %sub3A_314 = arith.constant 5.000000e-01 : f32
      %sub3A_315 = vector.broadcast %sub3A_314 : f32 to vector<16xf32>
      %sub3A_316 = arith.subf %abs3A_306, %sub3A_315 : vector<16xf32>
      %select_n3A_317 = arith.select %lt3A_309, %mul3A_313, %sub3A_316 : vector<16xi1>, vector<16xf32>
      %add3A_318 = arith.addf %add3A_296, %select_n3A_317 : vector<16xf32>
      %add3A_319 = arith.constant 3 : i32
      %add3A_320 = vector.broadcast %add3A_319 : i32 to vector<16xi32>
      %add3A_321 = arith.addi %add3A_259, %add3A_320 : vector<16xi32>
      %gather3A_322 = tpu.vector_load_idx %arg13[%add3A_321] : memref<14336xf32, #tpu.memory_space<vmem>>[vector<16xi32>], vector<16xf32>,
      %add3A_323 = arith.constant 3 : i32
      %add3A_324 = vector.broadcast %add3A_323 : i32 to vector<16xi32>
      %add3A_325 = arith.addi %add3A_259, %add3A_324 : vector<16xi32>
      %gather3A_326 = tpu.vector_load_idx %arg14[%add3A_325] : memref<14336xf32, #tpu.memory_space<vmem>>[vector<16xi32>], vector<16xf32>,
      %sub3A_327 = arith.subf %gather3A_322, %gather3A_326 : vector<16xf32>
      %abs3A_328 = math.absf %sub3A_327 : vector<16xf32>
      %lt3A_329 = arith.constant 1.000000e+00 : f32
      %lt3A_330 = vector.broadcast %lt3A_329 : f32 to vector<16xf32>
      %lt3A_331 = arith.cmpf olt, %abs3A_328, %lt3A_330 : vector<16xf32>
      %mul3A_332 = arith.constant 5.000000e-01 : f32
      %mul3A_333 = vector.broadcast %mul3A_332 : f32 to vector<16xf32>
      %mul3A_334 = arith.mulf %mul3A_333, %sub3A_327 : vector<16xf32>
      %mul3A_335 = arith.mulf %mul3A_334, %sub3A_327 : vector<16xf32>
      %sub3A_336 = arith.constant 5.000000e-01 : f32
      %sub3A_337 = vector.broadcast %sub3A_336 : f32 to vector<16xf32>
      %sub3A_338 = arith.subf %abs3A_328, %sub3A_337 : vector<16xf32>
      %select_n3A_339 = arith.select %lt3A_331, %mul3A_335, %sub3A_338 : vector<16xi1>, vector<16xf32>
      %add3A_340 = arith.addf %add3A_318, %select_n3A_339 : vector<16xf32>
      %add3A_341 = arith.constant 4 : i32
      %add3A_342 = vector.broadcast %add3A_341 : i32 to vector<16xi32>
      %add3A_343 = arith.addi %add3A_259, %add3A_342 : vector<16xi32>
      %gather3A_344 = tpu.vector_load_idx %arg13[%add3A_343] : memref<14336xf32, #tpu.memory_space<vmem>>[vector<16xi32>], vector<16xf32>,
      %add3A_345 = arith.constant 4 : i32
      %add3A_346 = vector.broadcast %add3A_345 : i32 to vector<16xi32>
      %add3A_347 = arith.addi %add3A_259, %add3A_346 : vector<16xi32>
      %gather3A_348 = tpu.vector_load_idx %arg14[%add3A_347] : memref<14336xf32, #tpu.memory_space<vmem>>[vector<16xi32>], vector<16xf32>,
      %sub3A_349 = arith.subf %gather3A_344, %gather3A_348 : vector<16xf32>
      %abs3A_350 = math.absf %sub3A_349 : vector<16xf32>
      %lt3A_351 = arith.constant 1.000000e+00 : f32
      %lt3A_352 = vector.broadcast %lt3A_351 : f32 to vector<16xf32>
      %lt3A_353 = arith.cmpf olt, %abs3A_350, %lt3A_352 : vector<16xf32>
      %mul3A_354 = arith.constant 5.000000e-01 : f32
      %mul3A_355 = vector.broadcast %mul3A_354 : f32 to vector<16xf32>
      %mul3A_356 = arith.mulf %mul3A_355, %sub3A_349 : vector<16xf32>
      %mul3A_357 = arith.mulf %mul3A_356, %sub3A_349 : vector<16xf32>
      %sub3A_358 = arith.constant 5.000000e-01 : f32
      %sub3A_359 = vector.broadcast %sub3A_358 : f32 to vector<16xf32>
      %sub3A_360 = arith.subf %abs3A_350, %sub3A_359 : vector<16xf32>
      %select_n3A_361 = arith.select %lt3A_353, %mul3A_357, %sub3A_360 : vector<16xi1>, vector<16xf32>
      %add3A_362 = arith.addf %add3A_340, %select_n3A_361 : vector<16xf32>
      %add3A_363 = arith.constant 5 : i32
      %add3A_364 = vector.broadcast %add3A_363 : i32 to vector<16xi32>
      %add3A_365 = arith.addi %add3A_259, %add3A_364 : vector<16xi32>
      %gather3A_366 = tpu.vector_load_idx %arg13[%add3A_365] : memref<14336xf32, #tpu.memory_space<vmem>>[vector<16xi32>], vector<16xf32>,
      %add3A_367 = arith.constant 5 : i32
      %add3A_368 = vector.broadcast %add3A_367 : i32 to vector<16xi32>
      %add3A_369 = arith.addi %add3A_259, %add3A_368 : vector<16xi32>
      %gather3A_370 = tpu.vector_load_idx %arg14[%add3A_369] : memref<14336xf32, #tpu.memory_space<vmem>>[vector<16xi32>], vector<16xf32>,
      %sub3A_371 = arith.subf %gather3A_366, %gather3A_370 : vector<16xf32>
      %abs3A_372 = math.absf %sub3A_371 : vector<16xf32>
      %lt3A_373 = arith.constant 1.000000e+00 : f32
      %lt3A_374 = vector.broadcast %lt3A_373 : f32 to vector<16xf32>
      %lt3A_375 = arith.cmpf olt, %abs3A_372, %lt3A_374 : vector<16xf32>
      %mul3A_376 = arith.constant 5.000000e-01 : f32
      %mul3A_377 = vector.broadcast %mul3A_376 : f32 to vector<16xf32>
      %mul3A_378 = arith.mulf %mul3A_377, %sub3A_371 : vector<16xf32>
      %mul3A_379 = arith.mulf %mul3A_378, %sub3A_371 : vector<16xf32>
      %sub3A_380 = arith.constant 5.000000e-01 : f32
      %sub3A_381 = vector.broadcast %sub3A_380 : f32 to vector<16xf32>
      %sub3A_382 = arith.subf %abs3A_372, %sub3A_381 : vector<16xf32>
      %select_n3A_383 = arith.select %lt3A_375, %mul3A_379, %sub3A_382 : vector<16xi1>, vector<16xf32>
      %add3A_384 = arith.addf %add3A_362, %select_n3A_383 : vector<16xf32>
      %add3A_385 = arith.constant 6 : i32
      %add3A_386 = vector.broadcast %add3A_385 : i32 to vector<16xi32>
      %add3A_387 = arith.addi %add3A_259, %add3A_386 : vector<16xi32>
      %gather3A_388 = tpu.vector_load_idx %arg13[%add3A_387] : memref<14336xf32, #tpu.memory_space<vmem>>[vector<16xi32>], vector<16xf32>,
      %add3A_389 = arith.constant 6 : i32
      %add3A_390 = vector.broadcast %add3A_389 : i32 to vector<16xi32>
      %add3A_391 = arith.addi %add3A_259, %add3A_390 : vector<16xi32>
      %gather3A_392 = tpu.vector_load_idx %arg14[%add3A_391] : memref<14336xf32, #tpu.memory_space<vmem>>[vector<16xi32>], vector<16xf32>,
      %sub3A_393 = arith.subf %gather3A_388, %gather3A_392 : vector<16xf32>
      %abs3A_394 = math.absf %sub3A_393 : vector<16xf32>
      %lt3A_395 = arith.constant 1.000000e+00 : f32
      %lt3A_396 = vector.broadcast %lt3A_395 : f32 to vector<16xf32>
      %lt3A_397 = arith.cmpf olt, %abs3A_394, %lt3A_396 : vector<16xf32>
      %mul3A_398 = arith.constant 5.000000e-01 : f32
      %mul3A_399 = vector.broadcast %mul3A_398 : f32 to vector<16xf32>
      %mul3A_400 = arith.mulf %mul3A_399, %sub3A_393 : vector<16xf32>
      %mul3A_401 = arith.mulf %mul3A_400, %sub3A_393 : vector<16xf32>
      %sub3A_402 = arith.constant 5.000000e-01 : f32
      %sub3A_403 = vector.broadcast %sub3A_402 : f32 to vector<16xf32>
      %sub3A_404 = arith.subf %abs3A_394, %sub3A_403 : vector<16xf32>
      %select_n3A_405 = arith.select %lt3A_397, %mul3A_401, %sub3A_404 : vector<16xi1>, vector<16xf32>
      %add3A_406 = arith.addf %add3A_384, %select_n3A_405 : vector<16xf32>
      %mul3A_407 = arith.mulf %add3A_406, %select_n3A : vector<16xf32>
      %add3A_408 = arith.addf %scan3A_107, %mul3A_407 : vector<16xf32>
      scf.yield %add3A_172, %add3A_173, %add3A_174, %add3A_255, %add3A_408 : vector<16xf32>, vector<16xf32>, vector<16xf32>, vector<16xf32>, vector<16xf32>
    }
    %scan3A_48 = arith.constant 128 : i32
    %mul3A_49 = arith.constant 8192 : i32
    %mul3A_50 = arith.muli %add3A, %mul3A_49 : i32
    %add3A_51 = arith.constant 4096 : i32
    %add3A_52 = arith.addi %mul3A_50, %add3A_51 : i32
    %mul3A_53 = arith.constant 4 : i32
    %mul3A_54 = arith.muli %add3A_52, %mul3A_53 : i32
    "tpu.region"() ({
      %run_scoped3A = tpu.sem_alloc : memref<!tpu.dma_semaphore, #tpu.memory_space<semaphore_mem>>
      %dma_start3A = tpu.memref_slice %arg2[%mul3A_54] : memref<1048576xf32, #tpu.memory_space<hbm>> -> memref<8192xf32, #tpu.memory_space<hbm>>
      %dma_start3A_102 = tpu.memref_slice %arg2[%mul3A_54] : memref<1048576xf32, #tpu.memory_space<hbm>> -> memref<8192xf32, #tpu.memory_space<hbm>>
      tpu.enqueue_dma source(%dma_start3A_102 : memref<8192xf32, #tpu.memory_space<hbm>>) target(%arg10 : memref<8192xf32, #tpu.memory_space<vmem>>) target_semaphore(%run_scoped3A : memref<!tpu.dma_semaphore, #tpu.memory_space<semaphore_mem>>)
      %dma_wait3A = tpu.memref_slice %arg2[%mul3A_54] : memref<1048576xf32, #tpu.memory_space<hbm>> -> memref<8192xf32, #tpu.memory_space<hbm>>
      %dma_wait3A_103 = tpu.memref_slice %arg2[%mul3A_54] : memref<1048576xf32, #tpu.memory_space<hbm>> -> memref<8192xf32, #tpu.memory_space<hbm>>
      tpu.wait_dma2 semaphore(%run_scoped3A : memref<!tpu.dma_semaphore, #tpu.memory_space<semaphore_mem>>) src(%dma_wait3A_103 : memref<8192xf32, #tpu.memory_space<hbm>>) dst(%arg10 : memref<8192xf32, #tpu.memory_space<vmem>>)
      tpu.yield
    }) : () -> ()
    %mul3A_55 = arith.constant 4 : i32
    %mul3A_56 = arith.muli %add3A_52, %mul3A_55 : i32
    "tpu.region"() ({
      %run_scoped3A = tpu.sem_alloc : memref<!tpu.dma_semaphore, #tpu.memory_space<semaphore_mem>>
      %dma_start3A = tpu.memref_slice %arg3[%mul3A_56] : memref<1048576xf32, #tpu.memory_space<hbm>> -> memref<8192xf32, #tpu.memory_space<hbm>>
      %dma_start3A_102 = tpu.memref_slice %arg3[%mul3A_56] : memref<1048576xf32, #tpu.memory_space<hbm>> -> memref<8192xf32, #tpu.memory_space<hbm>>
      tpu.enqueue_dma source(%dma_start3A_102 : memref<8192xf32, #tpu.memory_space<hbm>>) target(%arg11 : memref<8192xf32, #tpu.memory_space<vmem>>) target_semaphore(%run_scoped3A : memref<!tpu.dma_semaphore, #tpu.memory_space<semaphore_mem>>)
      %dma_wait3A = tpu.memref_slice %arg3[%mul3A_56] : memref<1048576xf32, #tpu.memory_space<hbm>> -> memref<8192xf32, #tpu.memory_space<hbm>>
      %dma_wait3A_103 = tpu.memref_slice %arg3[%mul3A_56] : memref<1048576xf32, #tpu.memory_space<hbm>> -> memref<8192xf32, #tpu.memory_space<hbm>>
      tpu.wait_dma2 semaphore(%run_scoped3A : memref<!tpu.dma_semaphore, #tpu.memory_space<semaphore_mem>>) src(%dma_wait3A_103 : memref<8192xf32, #tpu.memory_space<hbm>>) dst(%arg11 : memref<8192xf32, #tpu.memory_space<vmem>>)
      tpu.yield
    }) : () -> ()
    %mul3A_57 = arith.constant 4 : i32
    %mul3A_58 = arith.muli %add3A_52, %mul3A_57 : i32
    "tpu.region"() ({
      %run_scoped3A = tpu.sem_alloc : memref<!tpu.dma_semaphore, #tpu.memory_space<semaphore_mem>>
      %dma_start3A = tpu.memref_slice %arg4[%mul3A_58] : memref<1048576xf32, #tpu.memory_space<hbm>> -> memref<8192xf32, #tpu.memory_space<hbm>>
      %dma_start3A_102 = tpu.memref_slice %arg4[%mul3A_58] : memref<1048576xf32, #tpu.memory_space<hbm>> -> memref<8192xf32, #tpu.memory_space<hbm>>
      tpu.enqueue_dma source(%dma_start3A_102 : memref<8192xf32, #tpu.memory_space<hbm>>) target(%arg12 : memref<8192xf32, #tpu.memory_space<vmem>>) target_semaphore(%run_scoped3A : memref<!tpu.dma_semaphore, #tpu.memory_space<semaphore_mem>>)
      %dma_wait3A = tpu.memref_slice %arg4[%mul3A_58] : memref<1048576xf32, #tpu.memory_space<hbm>> -> memref<8192xf32, #tpu.memory_space<hbm>>
      %dma_wait3A_103 = tpu.memref_slice %arg4[%mul3A_58] : memref<1048576xf32, #tpu.memory_space<hbm>> -> memref<8192xf32, #tpu.memory_space<hbm>>
      tpu.wait_dma2 semaphore(%run_scoped3A : memref<!tpu.dma_semaphore, #tpu.memory_space<semaphore_mem>>) src(%dma_wait3A_103 : memref<8192xf32, #tpu.memory_space<hbm>>) dst(%arg12 : memref<8192xf32, #tpu.memory_space<vmem>>)
      tpu.yield
    }) : () -> ()
    %mul3A_59 = arith.constant 7 : i32
    %mul3A_60 = arith.muli %add3A_52, %mul3A_59 : i32
    "tpu.region"() ({
      %run_scoped3A = tpu.sem_alloc : memref<!tpu.dma_semaphore, #tpu.memory_space<semaphore_mem>>
      %dma_start3A = tpu.memref_slice %arg5[%mul3A_60] : memref<1835008xf32, #tpu.memory_space<hbm>> -> memref<14336xf32, #tpu.memory_space<hbm>>
      %dma_start3A_102 = tpu.memref_slice %arg5[%mul3A_60] : memref<1835008xf32, #tpu.memory_space<hbm>> -> memref<14336xf32, #tpu.memory_space<hbm>>
      tpu.enqueue_dma source(%dma_start3A_102 : memref<14336xf32, #tpu.memory_space<hbm>>) target(%arg13 : memref<14336xf32, #tpu.memory_space<vmem>>) target_semaphore(%run_scoped3A : memref<!tpu.dma_semaphore, #tpu.memory_space<semaphore_mem>>)
      %dma_wait3A = tpu.memref_slice %arg5[%mul3A_60] : memref<1835008xf32, #tpu.memory_space<hbm>> -> memref<14336xf32, #tpu.memory_space<hbm>>
      %dma_wait3A_103 = tpu.memref_slice %arg5[%mul3A_60] : memref<1835008xf32, #tpu.memory_space<hbm>> -> memref<14336xf32, #tpu.memory_space<hbm>>
      tpu.wait_dma2 semaphore(%run_scoped3A : memref<!tpu.dma_semaphore, #tpu.memory_space<semaphore_mem>>) src(%dma_wait3A_103 : memref<14336xf32, #tpu.memory_space<hbm>>) dst(%arg13 : memref<14336xf32, #tpu.memory_space<vmem>>)
      tpu.yield
    }) : () -> ()
    %mul3A_61 = arith.constant 7 : i32
    %mul3A_62 = arith.muli %add3A_52, %mul3A_61 : i32
    "tpu.region"() ({
      %run_scoped3A = tpu.sem_alloc : memref<!tpu.dma_semaphore, #tpu.memory_space<semaphore_mem>>
      %dma_start3A = tpu.memref_slice %arg6[%mul3A_62] : memref<1835008xf32, #tpu.memory_space<hbm>> -> memref<14336xf32, #tpu.memory_space<hbm>>
      %dma_start3A_102 = tpu.memref_slice %arg6[%mul3A_62] : memref<1835008xf32, #tpu.memory_space<hbm>> -> memref<14336xf32, #tpu.memory_space<hbm>>
      tpu.enqueue_dma source(%dma_start3A_102 : memref<14336xf32, #tpu.memory_space<hbm>>) target(%arg14 : memref<14336xf32, #tpu.memory_space<vmem>>) target_semaphore(%run_scoped3A : memref<!tpu.dma_semaphore, #tpu.memory_space<semaphore_mem>>)
      %dma_wait3A = tpu.memref_slice %arg6[%mul3A_62] : memref<1835008xf32, #tpu.memory_space<hbm>> -> memref<14336xf32, #tpu.memory_space<hbm>>
      %dma_wait3A_103 = tpu.memref_slice %arg6[%mul3A_62] : memref<1835008xf32, #tpu.memory_space<hbm>> -> memref<14336xf32, #tpu.memory_space<hbm>>
      tpu.wait_dma2 semaphore(%run_scoped3A : memref<!tpu.dma_semaphore, #tpu.memory_space<semaphore_mem>>) src(%dma_wait3A_103 : memref<14336xf32, #tpu.memory_space<hbm>>) dst(%arg14 : memref<14336xf32, #tpu.memory_space<vmem>>)
      tpu.yield
    }) : () -> ()
    "tpu.region"() ({
      %run_scoped3A = tpu.sem_alloc : memref<!tpu.dma_semaphore, #tpu.memory_space<semaphore_mem>>
      %dma_start3A = tpu.memref_slice %arg7[%add3A_52] : memref<262144xi32, #tpu.memory_space<hbm>> -> memref<2048xi32, #tpu.memory_space<hbm>>
      %dma_start3A_102 = tpu.memref_slice %arg7[%add3A_52] : memref<262144xi32, #tpu.memory_space<hbm>> -> memref<2048xi32, #tpu.memory_space<hbm>>
      tpu.enqueue_dma source(%dma_start3A_102 : memref<2048xi32, #tpu.memory_space<hbm>>) target(%arg15 : memref<2048xi32, #tpu.memory_space<vmem>>) target_semaphore(%run_scoped3A : memref<!tpu.dma_semaphore, #tpu.memory_space<semaphore_mem>>)
      %dma_wait3A = tpu.memref_slice %arg7[%add3A_52] : memref<262144xi32, #tpu.memory_space<hbm>> -> memref<2048xi32, #tpu.memory_space<hbm>>
      %dma_wait3A_103 = tpu.memref_slice %arg7[%add3A_52] : memref<262144xi32, #tpu.memory_space<hbm>> -> memref<2048xi32, #tpu.memory_space<hbm>>
      tpu.wait_dma2 semaphore(%run_scoped3A : memref<!tpu.dma_semaphore, #tpu.memory_space<semaphore_mem>>) src(%dma_wait3A_103 : memref<2048xi32, #tpu.memory_space<hbm>>) dst(%arg15 : memref<2048xi32, #tpu.memory_space<vmem>>)
      tpu.yield
    }) : () -> ()
    "tpu.region"() ({
      %run_scoped3A = tpu.sem_alloc : memref<!tpu.dma_semaphore, #tpu.memory_space<semaphore_mem>>
      %dma_start3A = tpu.memref_slice %arg8[%add3A_52] : memref<262144xi32, #tpu.memory_space<hbm>> -> memref<2048xi32, #tpu.memory_space<hbm>>
      %dma_start3A_102 = tpu.memref_slice %arg8[%add3A_52] : memref<262144xi32, #tpu.memory_space<hbm>> -> memref<2048xi32, #tpu.memory_space<hbm>>
      tpu.enqueue_dma source(%dma_start3A_102 : memref<2048xi32, #tpu.memory_space<hbm>>) target(%arg16 : memref<2048xi32, #tpu.memory_space<vmem>>) target_semaphore(%run_scoped3A : memref<!tpu.dma_semaphore, #tpu.memory_space<semaphore_mem>>)
      %dma_wait3A = tpu.memref_slice %arg8[%add3A_52] : memref<262144xi32, #tpu.memory_space<hbm>> -> memref<2048xi32, #tpu.memory_space<hbm>>
      %dma_wait3A_103 = tpu.memref_slice %arg8[%add3A_52] : memref<262144xi32, #tpu.memory_space<hbm>> -> memref<2048xi32, #tpu.memory_space<hbm>>
      tpu.wait_dma2 semaphore(%run_scoped3A : memref<!tpu.dma_semaphore, #tpu.memory_space<semaphore_mem>>) src(%dma_wait3A_103 : memref<2048xi32, #tpu.memory_space<hbm>>) dst(%arg16 : memref<2048xi32, #tpu.memory_space<vmem>>)
      tpu.yield
    }) : () -> ()
    %scan3A_63 = arith.constant 0 : i32
    %scan3A_64 = arith.constant 128 : i32
    %scan3A_65 = arith.addi %scan3A_63, %scan3A_64 : i32
    %scan3A_66 = arith.constant 1 : i32
    %scan3A_67:5 = scf.for %scan3A_102 = %scan3A_63 to %scan3A_65 step %scan3A_66 iter_args(%scan3A_103 = %scan3A_47#0, %scan3A_104 = %scan3A_47#1, %scan3A_105 = %scan3A_47#2, %scan3A_106 = %scan3A_47#3, %scan3A_107 = %scan3A_47#4) -> (vector<16xf32>, vector<16xf32>, vector<16xf32>, vector<16xf32>, vector<16xf32>)  : i32 {
      %mul3A_108 = arith.constant 16 : i32
      %mul3A_109 = arith.muli %scan3A_102, %mul3A_108 : i32
      %get3A = arith.index_cast %mul3A_109 : i32 to index
      %get3A_110 = tpu.vector_load %arg15[%get3A] {strides = array<i32>} : memref<2048xi32, #tpu.memory_space<vmem>>, vector<16xi32>,
      %get3A_111 = arith.index_cast %mul3A_109 : i32 to index
      %get3A_112 = tpu.vector_load %arg16[%get3A_111] {strides = array<i32>} : memref<2048xi32, #tpu.memory_space<vmem>>, vector<16xi32>,
      %gt3A = arith.constant 0 : i32
      %gt3A_113 = vector.broadcast %gt3A : i32 to vector<16xi32>
      %gt3A_114 = arith.cmpi sgt, %get3A_110, %gt3A_113 : vector<16xi32>
      %select_n3A = arith.select %gt3A_114, %broadcast_in_dim3A_9, %broadcast_in_dim3A_7 : vector<16xi1>, vector<16xf32>
      %gt3A_115 = arith.constant 0 : i32
      %gt3A_116 = vector.broadcast %gt3A_115 : i32 to vector<16xi32>
      %gt3A_117 = arith.cmpi sgt, %get3A_112, %gt3A_116 : vector<16xi32>
      %select_n3A_118 = arith.select %gt3A_117, %broadcast_in_dim3A_9, %broadcast_in_dim3A_7 : vector<16xi1>, vector<16xf32>
      %mul3A_119 = arith.constant 4 : i32
      %mul3A_120 = arith.muli %mul3A_109, %mul3A_119 : i32
      %add3A_121 = vector.broadcast %mul3A_120 : i32 to vector<16xi32>
      %add3A_122 = arith.addi %add3A_121, %mul3A_3 : vector<16xi32>
      %add3A_123 = arith.addi %add3A_122, %get3A_110 : vector<16xi32>
      %gather3A = tpu.vector_load_idx %arg10[%add3A_123] : memref<8192xf32, #tpu.memory_space<vmem>>[vector<16xi32>], vector<16xf32>,
      %max3A = arith.constant 1.000000e-30 : f32
      %max3A_124 = vector.broadcast %max3A : f32 to vector<16xf32>
      %max3A_125 = arith.maximumf %gather3A, %max3A_124 : vector<16xf32>
      %bitcast3A = vector.bitcast %max3A_125 : vector<16xf32> to vector<16xi32>
      %sub3A = arith.constant 1060439283 : i32
      %sub3A_126 = vector.broadcast %sub3A : i32 to vector<16xi32>
      %sub3A_127 = arith.subi %bitcast3A, %sub3A_126 : vector<16xi32>
      %shift_right_arithmetic3A = arith.constant 23 : i32
      %shift_right_arithmetic3A_128 = vector.broadcast %shift_right_arithmetic3A : i32 to vector<16xi32>
      %shift_right_arithmetic3A_129 = arith.shrsi %sub3A_127, %shift_right_arithmetic3A_128 : vector<16xi32>
      %shift_left3A = arith.constant 23 : i32
      %shift_left3A_130 = vector.broadcast %shift_left3A : i32 to vector<16xi32>
      %shift_left3A_131 = arith.shli %shift_right_arithmetic3A_129, %shift_left3A_130 : vector<16xi32>
      %sub3A_132 = arith.subi %bitcast3A, %shift_left3A_131 : vector<16xi32>
      %bitcast3A_133 = vector.bitcast %sub3A_132 : vector<16xi32> to vector<16xf32>
      %convert_element_type3A = arith.sitofp %shift_right_arithmetic3A_129 : vector<16xi32> to vector<16xf32>
      %sub3A_134 = arith.constant 1.000000e+00 : f32
      %sub3A_135 = vector.broadcast %sub3A_134 : f32 to vector<16xf32>
      %sub3A_136 = arith.subf %bitcast3A_133, %sub3A_135 : vector<16xf32>
      %add3A_137 = arith.constant 2.000000e+00 : f32
      %add3A_138 = vector.broadcast %add3A_137 : f32 to vector<16xf32>
      %add3A_139 = arith.addf %add3A_138, %sub3A_136 : vector<16xf32>
      %div3A = arith.divf %sub3A_136, %add3A_139 : vector<16xf32>
      %mul3A_140 = arith.mulf %div3A, %div3A : vector<16xf32>
      %mul3A_141 = arith.constant 0.111111112 : f32
      %mul3A_142 = vector.broadcast %mul3A_141 : f32 to vector<16xf32>
      %mul3A_143 = arith.mulf %mul3A_140, %mul3A_142 : vector<16xf32>
      %add3A_144 = arith.constant 0.142857149 : f32
      %add3A_145 = vector.broadcast %add3A_144 : f32 to vector<16xf32>
      %add3A_146 = arith.addf %mul3A_143, %add3A_145 : vector<16xf32>
      %mul3A_147 = arith.mulf %add3A_146, %mul3A_140 : vector<16xf32>
      %add3A_148 = arith.constant 2.000000e-01 : f32
      %add3A_149 = vector.broadcast %add3A_148 : f32 to vector<16xf32>
      %add3A_150 = arith.addf %mul3A_147, %add3A_149 : vector<16xf32>
      %mul3A_151 = arith.mulf %add3A_150, %mul3A_140 : vector<16xf32>
      %add3A_152 = arith.constant 0.333333343 : f32
      %add3A_153 = vector.broadcast %add3A_152 : f32 to vector<16xf32>
      %add3A_154 = arith.addf %mul3A_151, %add3A_153 : vector<16xf32>
      %mul3A_155 = arith.constant 2.000000e+00 : f32
      %mul3A_156 = vector.broadcast %mul3A_155 : f32 to vector<16xf32>
      %mul3A_157 = arith.mulf %mul3A_156, %div3A : vector<16xf32>
      %mul3A_158 = arith.constant 2.000000e+00 : f32
      %mul3A_159 = vector.broadcast %mul3A_158 : f32 to vector<16xf32>
      %mul3A_160 = arith.mulf %mul3A_159, %div3A : vector<16xf32>
      %mul3A_161 = arith.mulf %mul3A_160, %mul3A_140 : vector<16xf32>
      %mul3A_162 = arith.mulf %mul3A_161, %add3A_154 : vector<16xf32>
      %add3A_163 = arith.addf %mul3A_157, %mul3A_162 : vector<16xf32>
      %mul3A_164 = arith.constant 0.693147182 : f32
      %mul3A_165 = vector.broadcast %mul3A_164 : f32 to vector<16xf32>
      %mul3A_166 = arith.mulf %convert_element_type3A, %mul3A_165 : vector<16xf32>
      %add3A_167 = arith.addf %mul3A_166, %add3A_163 : vector<16xf32>
      %neg3A = arith.constant 0.000000e+00 : f32
      %neg3A_168 = vector.broadcast %neg3A : f32 to vector<16xf32>
      %neg3A_169 = arith.subf %neg3A_168, %add3A_167 : vector<16xf32>
      %add3A_170 = arith.addf %select_n3A, %select_n3A_118 : vector<16xf32>
      %mul3A_171 = arith.mulf %neg3A_169, %add3A_170 : vector<16xf32>
      %add3A_172 = arith.addf %scan3A_103, %mul3A_171 : vector<16xf32>
      %add3A_173 = arith.addf %scan3A_104, %add3A_170 : vector<16xf32>
      %add3A_174 = arith.addf %scan3A_105, %select_n3A : vector<16xf32>
      %gather3A_175 = tpu.vector_load_idx %arg11[%add3A_122] : memref<8192xf32, #tpu.memory_space<vmem>>[vector<16xi32>], vector<16xf32>,
      %gather3A_176 = tpu.vector_load_idx %arg12[%add3A_122] : memref<8192xf32, #tpu.memory_space<vmem>>[vector<16xi32>], vector<16xf32>,
      %sub3A_177 = arith.subf %gather3A_175, %gather3A_176 : vector<16xf32>
      %abs3A = math.absf %sub3A_177 : vector<16xf32>
      %lt3A = arith.constant 1.000000e+00 : f32
      %lt3A_178 = vector.broadcast %lt3A : f32 to vector<16xf32>
      %lt3A_179 = arith.cmpf olt, %abs3A, %lt3A_178 : vector<16xf32>
      %mul3A_180 = arith.constant 5.000000e-01 : f32
      %mul3A_181 = vector.broadcast %mul3A_180 : f32 to vector<16xf32>
      %mul3A_182 = arith.mulf %mul3A_181, %sub3A_177 : vector<16xf32>
      %mul3A_183 = arith.mulf %mul3A_182, %sub3A_177 : vector<16xf32>
      %sub3A_184 = arith.constant 5.000000e-01 : f32
      %sub3A_185 = vector.broadcast %sub3A_184 : f32 to vector<16xf32>
      %sub3A_186 = arith.subf %abs3A, %sub3A_185 : vector<16xf32>
      %select_n3A_187 = arith.select %lt3A_179, %mul3A_183, %sub3A_186 : vector<16xi1>, vector<16xf32>
      %add3A_188 = arith.constant 1 : i32
      %add3A_189 = vector.broadcast %add3A_188 : i32 to vector<16xi32>
      %add3A_190 = arith.addi %add3A_122, %add3A_189 : vector<16xi32>
      %gather3A_191 = tpu.vector_load_idx %arg11[%add3A_190] : memref<8192xf32, #tpu.memory_space<vmem>>[vector<16xi32>], vector<16xf32>,
      %add3A_192 = arith.constant 1 : i32
      %add3A_193 = vector.broadcast %add3A_192 : i32 to vector<16xi32>
      %add3A_194 = arith.addi %add3A_122, %add3A_193 : vector<16xi32>
      %gather3A_195 = tpu.vector_load_idx %arg12[%add3A_194] : memref<8192xf32, #tpu.memory_space<vmem>>[vector<16xi32>], vector<16xf32>,
      %sub3A_196 = arith.subf %gather3A_191, %gather3A_195 : vector<16xf32>
      %abs3A_197 = math.absf %sub3A_196 : vector<16xf32>
      %lt3A_198 = arith.constant 1.000000e+00 : f32
      %lt3A_199 = vector.broadcast %lt3A_198 : f32 to vector<16xf32>
      %lt3A_200 = arith.cmpf olt, %abs3A_197, %lt3A_199 : vector<16xf32>
      %mul3A_201 = arith.constant 5.000000e-01 : f32
      %mul3A_202 = vector.broadcast %mul3A_201 : f32 to vector<16xf32>
      %mul3A_203 = arith.mulf %mul3A_202, %sub3A_196 : vector<16xf32>
      %mul3A_204 = arith.mulf %mul3A_203, %sub3A_196 : vector<16xf32>
      %sub3A_205 = arith.constant 5.000000e-01 : f32
      %sub3A_206 = vector.broadcast %sub3A_205 : f32 to vector<16xf32>
      %sub3A_207 = arith.subf %abs3A_197, %sub3A_206 : vector<16xf32>
      %select_n3A_208 = arith.select %lt3A_200, %mul3A_204, %sub3A_207 : vector<16xi1>, vector<16xf32>
      %add3A_209 = arith.addf %select_n3A_187, %select_n3A_208 : vector<16xf32>
      %add3A_210 = arith.constant 2 : i32
      %add3A_211 = vector.broadcast %add3A_210 : i32 to vector<16xi32>
      %add3A_212 = arith.addi %add3A_122, %add3A_211 : vector<16xi32>
      %gather3A_213 = tpu.vector_load_idx %arg11[%add3A_212] : memref<8192xf32, #tpu.memory_space<vmem>>[vector<16xi32>], vector<16xf32>,
      %add3A_214 = arith.constant 2 : i32
      %add3A_215 = vector.broadcast %add3A_214 : i32 to vector<16xi32>
      %add3A_216 = arith.addi %add3A_122, %add3A_215 : vector<16xi32>
      %gather3A_217 = tpu.vector_load_idx %arg12[%add3A_216] : memref<8192xf32, #tpu.memory_space<vmem>>[vector<16xi32>], vector<16xf32>,
      %sub3A_218 = arith.subf %gather3A_213, %gather3A_217 : vector<16xf32>
      %abs3A_219 = math.absf %sub3A_218 : vector<16xf32>
      %lt3A_220 = arith.constant 1.000000e+00 : f32
      %lt3A_221 = vector.broadcast %lt3A_220 : f32 to vector<16xf32>
      %lt3A_222 = arith.cmpf olt, %abs3A_219, %lt3A_221 : vector<16xf32>
      %mul3A_223 = arith.constant 5.000000e-01 : f32
      %mul3A_224 = vector.broadcast %mul3A_223 : f32 to vector<16xf32>
      %mul3A_225 = arith.mulf %mul3A_224, %sub3A_218 : vector<16xf32>
      %mul3A_226 = arith.mulf %mul3A_225, %sub3A_218 : vector<16xf32>
      %sub3A_227 = arith.constant 5.000000e-01 : f32
      %sub3A_228 = vector.broadcast %sub3A_227 : f32 to vector<16xf32>
      %sub3A_229 = arith.subf %abs3A_219, %sub3A_228 : vector<16xf32>
      %select_n3A_230 = arith.select %lt3A_222, %mul3A_226, %sub3A_229 : vector<16xi1>, vector<16xf32>
      %add3A_231 = arith.addf %add3A_209, %select_n3A_230 : vector<16xf32>
      %add3A_232 = arith.constant 3 : i32
      %add3A_233 = vector.broadcast %add3A_232 : i32 to vector<16xi32>
      %add3A_234 = arith.addi %add3A_122, %add3A_233 : vector<16xi32>
      %gather3A_235 = tpu.vector_load_idx %arg11[%add3A_234] : memref<8192xf32, #tpu.memory_space<vmem>>[vector<16xi32>], vector<16xf32>,
      %add3A_236 = arith.constant 3 : i32
      %add3A_237 = vector.broadcast %add3A_236 : i32 to vector<16xi32>
      %add3A_238 = arith.addi %add3A_122, %add3A_237 : vector<16xi32>
      %gather3A_239 = tpu.vector_load_idx %arg12[%add3A_238] : memref<8192xf32, #tpu.memory_space<vmem>>[vector<16xi32>], vector<16xf32>,
      %sub3A_240 = arith.subf %gather3A_235, %gather3A_239 : vector<16xf32>
      %abs3A_241 = math.absf %sub3A_240 : vector<16xf32>
      %lt3A_242 = arith.constant 1.000000e+00 : f32
      %lt3A_243 = vector.broadcast %lt3A_242 : f32 to vector<16xf32>
      %lt3A_244 = arith.cmpf olt, %abs3A_241, %lt3A_243 : vector<16xf32>
      %mul3A_245 = arith.constant 5.000000e-01 : f32
      %mul3A_246 = vector.broadcast %mul3A_245 : f32 to vector<16xf32>
      %mul3A_247 = arith.mulf %mul3A_246, %sub3A_240 : vector<16xf32>
      %mul3A_248 = arith.mulf %mul3A_247, %sub3A_240 : vector<16xf32>
      %sub3A_249 = arith.constant 5.000000e-01 : f32
      %sub3A_250 = vector.broadcast %sub3A_249 : f32 to vector<16xf32>
      %sub3A_251 = arith.subf %abs3A_241, %sub3A_250 : vector<16xf32>
      %select_n3A_252 = arith.select %lt3A_244, %mul3A_248, %sub3A_251 : vector<16xi1>, vector<16xf32>
      %add3A_253 = arith.addf %add3A_231, %select_n3A_252 : vector<16xf32>
      %mul3A_254 = arith.mulf %add3A_253, %select_n3A : vector<16xf32>
      %add3A_255 = arith.addf %scan3A_106, %mul3A_254 : vector<16xf32>
      %mul3A_256 = arith.constant 7 : i32
      %mul3A_257 = arith.muli %mul3A_109, %mul3A_256 : i32
      %add3A_258 = vector.broadcast %mul3A_257 : i32 to vector<16xi32>
      %add3A_259 = arith.addi %add3A_258, %mul3A_6 : vector<16xi32>
      %gather3A_260 = tpu.vector_load_idx %arg13[%add3A_259] : memref<14336xf32, #tpu.memory_space<vmem>>[vector<16xi32>], vector<16xf32>,
      %gather3A_261 = tpu.vector_load_idx %arg14[%add3A_259] : memref<14336xf32, #tpu.memory_space<vmem>>[vector<16xi32>], vector<16xf32>,
      %sub3A_262 = arith.subf %gather3A_260, %gather3A_261 : vector<16xf32>
      %abs3A_263 = math.absf %sub3A_262 : vector<16xf32>
      %lt3A_264 = arith.constant 1.000000e+00 : f32
      %lt3A_265 = vector.broadcast %lt3A_264 : f32 to vector<16xf32>
      %lt3A_266 = arith.cmpf olt, %abs3A_263, %lt3A_265 : vector<16xf32>
      %mul3A_267 = arith.constant 5.000000e-01 : f32
      %mul3A_268 = vector.broadcast %mul3A_267 : f32 to vector<16xf32>
      %mul3A_269 = arith.mulf %mul3A_268, %sub3A_262 : vector<16xf32>
      %mul3A_270 = arith.mulf %mul3A_269, %sub3A_262 : vector<16xf32>
      %sub3A_271 = arith.constant 5.000000e-01 : f32
      %sub3A_272 = vector.broadcast %sub3A_271 : f32 to vector<16xf32>
      %sub3A_273 = arith.subf %abs3A_263, %sub3A_272 : vector<16xf32>
      %select_n3A_274 = arith.select %lt3A_266, %mul3A_270, %sub3A_273 : vector<16xi1>, vector<16xf32>
      %add3A_275 = arith.constant 1 : i32
      %add3A_276 = vector.broadcast %add3A_275 : i32 to vector<16xi32>
      %add3A_277 = arith.addi %add3A_259, %add3A_276 : vector<16xi32>
      %gather3A_278 = tpu.vector_load_idx %arg13[%add3A_277] : memref<14336xf32, #tpu.memory_space<vmem>>[vector<16xi32>], vector<16xf32>,
      %add3A_279 = arith.constant 1 : i32
      %add3A_280 = vector.broadcast %add3A_279 : i32 to vector<16xi32>
      %add3A_281 = arith.addi %add3A_259, %add3A_280 : vector<16xi32>
      %gather3A_282 = tpu.vector_load_idx %arg14[%add3A_281] : memref<14336xf32, #tpu.memory_space<vmem>>[vector<16xi32>], vector<16xf32>,
      %sub3A_283 = arith.subf %gather3A_278, %gather3A_282 : vector<16xf32>
      %abs3A_284 = math.absf %sub3A_283 : vector<16xf32>
      %lt3A_285 = arith.constant 1.000000e+00 : f32
      %lt3A_286 = vector.broadcast %lt3A_285 : f32 to vector<16xf32>
      %lt3A_287 = arith.cmpf olt, %abs3A_284, %lt3A_286 : vector<16xf32>
      %mul3A_288 = arith.constant 5.000000e-01 : f32
      %mul3A_289 = vector.broadcast %mul3A_288 : f32 to vector<16xf32>
      %mul3A_290 = arith.mulf %mul3A_289, %sub3A_283 : vector<16xf32>
      %mul3A_291 = arith.mulf %mul3A_290, %sub3A_283 : vector<16xf32>
      %sub3A_292 = arith.constant 5.000000e-01 : f32
      %sub3A_293 = vector.broadcast %sub3A_292 : f32 to vector<16xf32>
      %sub3A_294 = arith.subf %abs3A_284, %sub3A_293 : vector<16xf32>
      %select_n3A_295 = arith.select %lt3A_287, %mul3A_291, %sub3A_294 : vector<16xi1>, vector<16xf32>
      %add3A_296 = arith.addf %select_n3A_274, %select_n3A_295 : vector<16xf32>
      %add3A_297 = arith.constant 2 : i32
      %add3A_298 = vector.broadcast %add3A_297 : i32 to vector<16xi32>
      %add3A_299 = arith.addi %add3A_259, %add3A_298 : vector<16xi32>
      %gather3A_300 = tpu.vector_load_idx %arg13[%add3A_299] : memref<14336xf32, #tpu.memory_space<vmem>>[vector<16xi32>], vector<16xf32>,
      %add3A_301 = arith.constant 2 : i32
      %add3A_302 = vector.broadcast %add3A_301 : i32 to vector<16xi32>
      %add3A_303 = arith.addi %add3A_259, %add3A_302 : vector<16xi32>
      %gather3A_304 = tpu.vector_load_idx %arg14[%add3A_303] : memref<14336xf32, #tpu.memory_space<vmem>>[vector<16xi32>], vector<16xf32>,
      %sub3A_305 = arith.subf %gather3A_300, %gather3A_304 : vector<16xf32>
      %abs3A_306 = math.absf %sub3A_305 : vector<16xf32>
      %lt3A_307 = arith.constant 1.000000e+00 : f32
      %lt3A_308 = vector.broadcast %lt3A_307 : f32 to vector<16xf32>
      %lt3A_309 = arith.cmpf olt, %abs3A_306, %lt3A_308 : vector<16xf32>
      %mul3A_310 = arith.constant 5.000000e-01 : f32
      %mul3A_311 = vector.broadcast %mul3A_310 : f32 to vector<16xf32>
      %mul3A_312 = arith.mulf %mul3A_311, %sub3A_305 : vector<16xf32>
      %mul3A_313 = arith.mulf %mul3A_312, %sub3A_305 : vector<16xf32>
      %sub3A_314 = arith.constant 5.000000e-01 : f32
      %sub3A_315 = vector.broadcast %sub3A_314 : f32 to vector<16xf32>
      %sub3A_316 = arith.subf %abs3A_306, %sub3A_315 : vector<16xf32>
      %select_n3A_317 = arith.select %lt3A_309, %mul3A_313, %sub3A_316 : vector<16xi1>, vector<16xf32>
      %add3A_318 = arith.addf %add3A_296, %select_n3A_317 : vector<16xf32>
      %add3A_319 = arith.constant 3 : i32
      %add3A_320 = vector.broadcast %add3A_319 : i32 to vector<16xi32>
      %add3A_321 = arith.addi %add3A_259, %add3A_320 : vector<16xi32>
      %gather3A_322 = tpu.vector_load_idx %arg13[%add3A_321] : memref<14336xf32, #tpu.memory_space<vmem>>[vector<16xi32>], vector<16xf32>,
      %add3A_323 = arith.constant 3 : i32
      %add3A_324 = vector.broadcast %add3A_323 : i32 to vector<16xi32>
      %add3A_325 = arith.addi %add3A_259, %add3A_324 : vector<16xi32>
      %gather3A_326 = tpu.vector_load_idx %arg14[%add3A_325] : memref<14336xf32, #tpu.memory_space<vmem>>[vector<16xi32>], vector<16xf32>,
      %sub3A_327 = arith.subf %gather3A_322, %gather3A_326 : vector<16xf32>
      %abs3A_328 = math.absf %sub3A_327 : vector<16xf32>
      %lt3A_329 = arith.constant 1.000000e+00 : f32
      %lt3A_330 = vector.broadcast %lt3A_329 : f32 to vector<16xf32>
      %lt3A_331 = arith.cmpf olt, %abs3A_328, %lt3A_330 : vector<16xf32>
      %mul3A_332 = arith.constant 5.000000e-01 : f32
      %mul3A_333 = vector.broadcast %mul3A_332 : f32 to vector<16xf32>
      %mul3A_334 = arith.mulf %mul3A_333, %sub3A_327 : vector<16xf32>
      %mul3A_335 = arith.mulf %mul3A_334, %sub3A_327 : vector<16xf32>
      %sub3A_336 = arith.constant 5.000000e-01 : f32
      %sub3A_337 = vector.broadcast %sub3A_336 : f32 to vector<16xf32>
      %sub3A_338 = arith.subf %abs3A_328, %sub3A_337 : vector<16xf32>
      %select_n3A_339 = arith.select %lt3A_331, %mul3A_335, %sub3A_338 : vector<16xi1>, vector<16xf32>
      %add3A_340 = arith.addf %add3A_318, %select_n3A_339 : vector<16xf32>
      %add3A_341 = arith.constant 4 : i32
      %add3A_342 = vector.broadcast %add3A_341 : i32 to vector<16xi32>
      %add3A_343 = arith.addi %add3A_259, %add3A_342 : vector<16xi32>
      %gather3A_344 = tpu.vector_load_idx %arg13[%add3A_343] : memref<14336xf32, #tpu.memory_space<vmem>>[vector<16xi32>], vector<16xf32>,
      %add3A_345 = arith.constant 4 : i32
      %add3A_346 = vector.broadcast %add3A_345 : i32 to vector<16xi32>
      %add3A_347 = arith.addi %add3A_259, %add3A_346 : vector<16xi32>
      %gather3A_348 = tpu.vector_load_idx %arg14[%add3A_347] : memref<14336xf32, #tpu.memory_space<vmem>>[vector<16xi32>], vector<16xf32>,
      %sub3A_349 = arith.subf %gather3A_344, %gather3A_348 : vector<16xf32>
      %abs3A_350 = math.absf %sub3A_349 : vector<16xf32>
      %lt3A_351 = arith.constant 1.000000e+00 : f32
      %lt3A_352 = vector.broadcast %lt3A_351 : f32 to vector<16xf32>
      %lt3A_353 = arith.cmpf olt, %abs3A_350, %lt3A_352 : vector<16xf32>
      %mul3A_354 = arith.constant 5.000000e-01 : f32
      %mul3A_355 = vector.broadcast %mul3A_354 : f32 to vector<16xf32>
      %mul3A_356 = arith.mulf %mul3A_355, %sub3A_349 : vector<16xf32>
      %mul3A_357 = arith.mulf %mul3A_356, %sub3A_349 : vector<16xf32>
      %sub3A_358 = arith.constant 5.000000e-01 : f32
      %sub3A_359 = vector.broadcast %sub3A_358 : f32 to vector<16xf32>
      %sub3A_360 = arith.subf %abs3A_350, %sub3A_359 : vector<16xf32>
      %select_n3A_361 = arith.select %lt3A_353, %mul3A_357, %sub3A_360 : vector<16xi1>, vector<16xf32>
      %add3A_362 = arith.addf %add3A_340, %select_n3A_361 : vector<16xf32>
      %add3A_363 = arith.constant 5 : i32
      %add3A_364 = vector.broadcast %add3A_363 : i32 to vector<16xi32>
      %add3A_365 = arith.addi %add3A_259, %add3A_364 : vector<16xi32>
      %gather3A_366 = tpu.vector_load_idx %arg13[%add3A_365] : memref<14336xf32, #tpu.memory_space<vmem>>[vector<16xi32>], vector<16xf32>,
      %add3A_367 = arith.constant 5 : i32
      %add3A_368 = vector.broadcast %add3A_367 : i32 to vector<16xi32>
      %add3A_369 = arith.addi %add3A_259, %add3A_368 : vector<16xi32>
      %gather3A_370 = tpu.vector_load_idx %arg14[%add3A_369] : memref<14336xf32, #tpu.memory_space<vmem>>[vector<16xi32>], vector<16xf32>,
      %sub3A_371 = arith.subf %gather3A_366, %gather3A_370 : vector<16xf32>
      %abs3A_372 = math.absf %sub3A_371 : vector<16xf32>
      %lt3A_373 = arith.constant 1.000000e+00 : f32
      %lt3A_374 = vector.broadcast %lt3A_373 : f32 to vector<16xf32>
      %lt3A_375 = arith.cmpf olt, %abs3A_372, %lt3A_374 : vector<16xf32>
      %mul3A_376 = arith.constant 5.000000e-01 : f32
      %mul3A_377 = vector.broadcast %mul3A_376 : f32 to vector<16xf32>
      %mul3A_378 = arith.mulf %mul3A_377, %sub3A_371 : vector<16xf32>
      %mul3A_379 = arith.mulf %mul3A_378, %sub3A_371 : vector<16xf32>
      %sub3A_380 = arith.constant 5.000000e-01 : f32
      %sub3A_381 = vector.broadcast %sub3A_380 : f32 to vector<16xf32>
      %sub3A_382 = arith.subf %abs3A_372, %sub3A_381 : vector<16xf32>
      %select_n3A_383 = arith.select %lt3A_375, %mul3A_379, %sub3A_382 : vector<16xi1>, vector<16xf32>
      %add3A_384 = arith.addf %add3A_362, %select_n3A_383 : vector<16xf32>
      %add3A_385 = arith.constant 6 : i32
      %add3A_386 = vector.broadcast %add3A_385 : i32 to vector<16xi32>
      %add3A_387 = arith.addi %add3A_259, %add3A_386 : vector<16xi32>
      %gather3A_388 = tpu.vector_load_idx %arg13[%add3A_387] : memref<14336xf32, #tpu.memory_space<vmem>>[vector<16xi32>], vector<16xf32>,
      %add3A_389 = arith.constant 6 : i32
      %add3A_390 = vector.broadcast %add3A_389 : i32 to vector<16xi32>
      %add3A_391 = arith.addi %add3A_259, %add3A_390 : vector<16xi32>
      %gather3A_392 = tpu.vector_load_idx %arg14[%add3A_391] : memref<14336xf32, #tpu.memory_space<vmem>>[vector<16xi32>], vector<16xf32>,
      %sub3A_393 = arith.subf %gather3A_388, %gather3A_392 : vector<16xf32>
      %abs3A_394 = math.absf %sub3A_393 : vector<16xf32>
      %lt3A_395 = arith.constant 1.000000e+00 : f32
      %lt3A_396 = vector.broadcast %lt3A_395 : f32 to vector<16xf32>
      %lt3A_397 = arith.cmpf olt, %abs3A_394, %lt3A_396 : vector<16xf32>
      %mul3A_398 = arith.constant 5.000000e-01 : f32
      %mul3A_399 = vector.broadcast %mul3A_398 : f32 to vector<16xf32>
      %mul3A_400 = arith.mulf %mul3A_399, %sub3A_393 : vector<16xf32>
      %mul3A_401 = arith.mulf %mul3A_400, %sub3A_393 : vector<16xf32>
      %sub3A_402 = arith.constant 5.000000e-01 : f32
      %sub3A_403 = vector.broadcast %sub3A_402 : f32 to vector<16xf32>
      %sub3A_404 = arith.subf %abs3A_394, %sub3A_403 : vector<16xf32>
      %select_n3A_405 = arith.select %lt3A_397, %mul3A_401, %sub3A_404 : vector<16xi1>, vector<16xf32>
      %add3A_406 = arith.addf %add3A_384, %select_n3A_405 : vector<16xf32>
      %mul3A_407 = arith.mulf %add3A_406, %select_n3A : vector<16xf32>
      %add3A_408 = arith.addf %scan3A_107, %mul3A_407 : vector<16xf32>
      scf.yield %add3A_172, %add3A_173, %add3A_174, %add3A_255, %add3A_408 : vector<16xf32>, vector<16xf32>, vector<16xf32>, vector<16xf32>, vector<16xf32>
    }
    %scan3A_68 = arith.constant 128 : i32
    %mul3A_69 = arith.constant 8192 : i32
    %mul3A_70 = arith.muli %add3A, %mul3A_69 : i32
    %add3A_71 = arith.constant 6144 : i32
    %add3A_72 = arith.addi %mul3A_70, %add3A_71 : i32
    %mul3A_73 = arith.constant 4 : i32
    %mul3A_74 = arith.muli %add3A_72, %mul3A_73 : i32
    "tpu.region"() ({
      %run_scoped3A = tpu.sem_alloc : memref<!tpu.dma_semaphore, #tpu.memory_space<semaphore_mem>>
      %dma_start3A = tpu.memref_slice %arg2[%mul3A_74] : memref<1048576xf32, #tpu.memory_space<hbm>> -> memref<8192xf32, #tpu.memory_space<hbm>>
      %dma_start3A_102 = tpu.memref_slice %arg2[%mul3A_74] : memref<1048576xf32, #tpu.memory_space<hbm>> -> memref<8192xf32, #tpu.memory_space<hbm>>
      tpu.enqueue_dma source(%dma_start3A_102 : memref<8192xf32, #tpu.memory_space<hbm>>) target(%arg10 : memref<8192xf32, #tpu.memory_space<vmem>>) target_semaphore(%run_scoped3A : memref<!tpu.dma_semaphore, #tpu.memory_space<semaphore_mem>>)
      %dma_wait3A = tpu.memref_slice %arg2[%mul3A_74] : memref<1048576xf32, #tpu.memory_space<hbm>> -> memref<8192xf32, #tpu.memory_space<hbm>>
      %dma_wait3A_103 = tpu.memref_slice %arg2[%mul3A_74] : memref<1048576xf32, #tpu.memory_space<hbm>> -> memref<8192xf32, #tpu.memory_space<hbm>>
      tpu.wait_dma2 semaphore(%run_scoped3A : memref<!tpu.dma_semaphore, #tpu.memory_space<semaphore_mem>>) src(%dma_wait3A_103 : memref<8192xf32, #tpu.memory_space<hbm>>) dst(%arg10 : memref<8192xf32, #tpu.memory_space<vmem>>)
      tpu.yield
    }) : () -> ()
    %mul3A_75 = arith.constant 4 : i32
    %mul3A_76 = arith.muli %add3A_72, %mul3A_75 : i32
    "tpu.region"() ({
      %run_scoped3A = tpu.sem_alloc : memref<!tpu.dma_semaphore, #tpu.memory_space<semaphore_mem>>
      %dma_start3A = tpu.memref_slice %arg3[%mul3A_76] : memref<1048576xf32, #tpu.memory_space<hbm>> -> memref<8192xf32, #tpu.memory_space<hbm>>
      %dma_start3A_102 = tpu.memref_slice %arg3[%mul3A_76] : memref<1048576xf32, #tpu.memory_space<hbm>> -> memref<8192xf32, #tpu.memory_space<hbm>>
      tpu.enqueue_dma source(%dma_start3A_102 : memref<8192xf32, #tpu.memory_space<hbm>>) target(%arg11 : memref<8192xf32, #tpu.memory_space<vmem>>) target_semaphore(%run_scoped3A : memref<!tpu.dma_semaphore, #tpu.memory_space<semaphore_mem>>)
      %dma_wait3A = tpu.memref_slice %arg3[%mul3A_76] : memref<1048576xf32, #tpu.memory_space<hbm>> -> memref<8192xf32, #tpu.memory_space<hbm>>
      %dma_wait3A_103 = tpu.memref_slice %arg3[%mul3A_76] : memref<1048576xf32, #tpu.memory_space<hbm>> -> memref<8192xf32, #tpu.memory_space<hbm>>
      tpu.wait_dma2 semaphore(%run_scoped3A : memref<!tpu.dma_semaphore, #tpu.memory_space<semaphore_mem>>) src(%dma_wait3A_103 : memref<8192xf32, #tpu.memory_space<hbm>>) dst(%arg11 : memref<8192xf32, #tpu.memory_space<vmem>>)
      tpu.yield
    }) : () -> ()
    %mul3A_77 = arith.constant 4 : i32
    %mul3A_78 = arith.muli %add3A_72, %mul3A_77 : i32
    "tpu.region"() ({
      %run_scoped3A = tpu.sem_alloc : memref<!tpu.dma_semaphore, #tpu.memory_space<semaphore_mem>>
      %dma_start3A = tpu.memref_slice %arg4[%mul3A_78] : memref<1048576xf32, #tpu.memory_space<hbm>> -> memref<8192xf32, #tpu.memory_space<hbm>>
      %dma_start3A_102 = tpu.memref_slice %arg4[%mul3A_78] : memref<1048576xf32, #tpu.memory_space<hbm>> -> memref<8192xf32, #tpu.memory_space<hbm>>
      tpu.enqueue_dma source(%dma_start3A_102 : memref<8192xf32, #tpu.memory_space<hbm>>) target(%arg12 : memref<8192xf32, #tpu.memory_space<vmem>>) target_semaphore(%run_scoped3A : memref<!tpu.dma_semaphore, #tpu.memory_space<semaphore_mem>>)
      %dma_wait3A = tpu.memref_slice %arg4[%mul3A_78] : memref<1048576xf32, #tpu.memory_space<hbm>> -> memref<8192xf32, #tpu.memory_space<hbm>>
      %dma_wait3A_103 = tpu.memref_slice %arg4[%mul3A_78] : memref<1048576xf32, #tpu.memory_space<hbm>> -> memref<8192xf32, #tpu.memory_space<hbm>>
      tpu.wait_dma2 semaphore(%run_scoped3A : memref<!tpu.dma_semaphore, #tpu.memory_space<semaphore_mem>>) src(%dma_wait3A_103 : memref<8192xf32, #tpu.memory_space<hbm>>) dst(%arg12 : memref<8192xf32, #tpu.memory_space<vmem>>)
      tpu.yield
    }) : () -> ()
    %mul3A_79 = arith.constant 7 : i32
    %mul3A_80 = arith.muli %add3A_72, %mul3A_79 : i32
    "tpu.region"() ({
      %run_scoped3A = tpu.sem_alloc : memref<!tpu.dma_semaphore, #tpu.memory_space<semaphore_mem>>
      %dma_start3A = tpu.memref_slice %arg5[%mul3A_80] : memref<1835008xf32, #tpu.memory_space<hbm>> -> memref<14336xf32, #tpu.memory_space<hbm>>
      %dma_start3A_102 = tpu.memref_slice %arg5[%mul3A_80] : memref<1835008xf32, #tpu.memory_space<hbm>> -> memref<14336xf32, #tpu.memory_space<hbm>>
      tpu.enqueue_dma source(%dma_start3A_102 : memref<14336xf32, #tpu.memory_space<hbm>>) target(%arg13 : memref<14336xf32, #tpu.memory_space<vmem>>) target_semaphore(%run_scoped3A : memref<!tpu.dma_semaphore, #tpu.memory_space<semaphore_mem>>)
      %dma_wait3A = tpu.memref_slice %arg5[%mul3A_80] : memref<1835008xf32, #tpu.memory_space<hbm>> -> memref<14336xf32, #tpu.memory_space<hbm>>
      %dma_wait3A_103 = tpu.memref_slice %arg5[%mul3A_80] : memref<1835008xf32, #tpu.memory_space<hbm>> -> memref<14336xf32, #tpu.memory_space<hbm>>
      tpu.wait_dma2 semaphore(%run_scoped3A : memref<!tpu.dma_semaphore, #tpu.memory_space<semaphore_mem>>) src(%dma_wait3A_103 : memref<14336xf32, #tpu.memory_space<hbm>>) dst(%arg13 : memref<14336xf32, #tpu.memory_space<vmem>>)
      tpu.yield
    }) : () -> ()
    %mul3A_81 = arith.constant 7 : i32
    %mul3A_82 = arith.muli %add3A_72, %mul3A_81 : i32
    "tpu.region"() ({
      %run_scoped3A = tpu.sem_alloc : memref<!tpu.dma_semaphore, #tpu.memory_space<semaphore_mem>>
      %dma_start3A = tpu.memref_slice %arg6[%mul3A_82] : memref<1835008xf32, #tpu.memory_space<hbm>> -> memref<14336xf32, #tpu.memory_space<hbm>>
      %dma_start3A_102 = tpu.memref_slice %arg6[%mul3A_82] : memref<1835008xf32, #tpu.memory_space<hbm>> -> memref<14336xf32, #tpu.memory_space<hbm>>
      tpu.enqueue_dma source(%dma_start3A_102 : memref<14336xf32, #tpu.memory_space<hbm>>) target(%arg14 : memref<14336xf32, #tpu.memory_space<vmem>>) target_semaphore(%run_scoped3A : memref<!tpu.dma_semaphore, #tpu.memory_space<semaphore_mem>>)
      %dma_wait3A = tpu.memref_slice %arg6[%mul3A_82] : memref<1835008xf32, #tpu.memory_space<hbm>> -> memref<14336xf32, #tpu.memory_space<hbm>>
      %dma_wait3A_103 = tpu.memref_slice %arg6[%mul3A_82] : memref<1835008xf32, #tpu.memory_space<hbm>> -> memref<14336xf32, #tpu.memory_space<hbm>>
      tpu.wait_dma2 semaphore(%run_scoped3A : memref<!tpu.dma_semaphore, #tpu.memory_space<semaphore_mem>>) src(%dma_wait3A_103 : memref<14336xf32, #tpu.memory_space<hbm>>) dst(%arg14 : memref<14336xf32, #tpu.memory_space<vmem>>)
      tpu.yield
    }) : () -> ()
    "tpu.region"() ({
      %run_scoped3A = tpu.sem_alloc : memref<!tpu.dma_semaphore, #tpu.memory_space<semaphore_mem>>
      %dma_start3A = tpu.memref_slice %arg7[%add3A_72] : memref<262144xi32, #tpu.memory_space<hbm>> -> memref<2048xi32, #tpu.memory_space<hbm>>
      %dma_start3A_102 = tpu.memref_slice %arg7[%add3A_72] : memref<262144xi32, #tpu.memory_space<hbm>> -> memref<2048xi32, #tpu.memory_space<hbm>>
      tpu.enqueue_dma source(%dma_start3A_102 : memref<2048xi32, #tpu.memory_space<hbm>>) target(%arg15 : memref<2048xi32, #tpu.memory_space<vmem>>) target_semaphore(%run_scoped3A : memref<!tpu.dma_semaphore, #tpu.memory_space<semaphore_mem>>)
      %dma_wait3A = tpu.memref_slice %arg7[%add3A_72] : memref<262144xi32, #tpu.memory_space<hbm>> -> memref<2048xi32, #tpu.memory_space<hbm>>
      %dma_wait3A_103 = tpu.memref_slice %arg7[%add3A_72] : memref<262144xi32, #tpu.memory_space<hbm>> -> memref<2048xi32, #tpu.memory_space<hbm>>
      tpu.wait_dma2 semaphore(%run_scoped3A : memref<!tpu.dma_semaphore, #tpu.memory_space<semaphore_mem>>) src(%dma_wait3A_103 : memref<2048xi32, #tpu.memory_space<hbm>>) dst(%arg15 : memref<2048xi32, #tpu.memory_space<vmem>>)
      tpu.yield
    }) : () -> ()
    "tpu.region"() ({
      %run_scoped3A = tpu.sem_alloc : memref<!tpu.dma_semaphore, #tpu.memory_space<semaphore_mem>>
      %dma_start3A = tpu.memref_slice %arg8[%add3A_72] : memref<262144xi32, #tpu.memory_space<hbm>> -> memref<2048xi32, #tpu.memory_space<hbm>>
      %dma_start3A_102 = tpu.memref_slice %arg8[%add3A_72] : memref<262144xi32, #tpu.memory_space<hbm>> -> memref<2048xi32, #tpu.memory_space<hbm>>
      tpu.enqueue_dma source(%dma_start3A_102 : memref<2048xi32, #tpu.memory_space<hbm>>) target(%arg16 : memref<2048xi32, #tpu.memory_space<vmem>>) target_semaphore(%run_scoped3A : memref<!tpu.dma_semaphore, #tpu.memory_space<semaphore_mem>>)
      %dma_wait3A = tpu.memref_slice %arg8[%add3A_72] : memref<262144xi32, #tpu.memory_space<hbm>> -> memref<2048xi32, #tpu.memory_space<hbm>>
      %dma_wait3A_103 = tpu.memref_slice %arg8[%add3A_72] : memref<262144xi32, #tpu.memory_space<hbm>> -> memref<2048xi32, #tpu.memory_space<hbm>>
      tpu.wait_dma2 semaphore(%run_scoped3A : memref<!tpu.dma_semaphore, #tpu.memory_space<semaphore_mem>>) src(%dma_wait3A_103 : memref<2048xi32, #tpu.memory_space<hbm>>) dst(%arg16 : memref<2048xi32, #tpu.memory_space<vmem>>)
      tpu.yield
    }) : () -> ()
    %scan3A_83 = arith.constant 0 : i32
    %scan3A_84 = arith.constant 128 : i32
    %scan3A_85 = arith.addi %scan3A_83, %scan3A_84 : i32
    %scan3A_86 = arith.constant 1 : i32
    %scan3A_87:5 = scf.for %scan3A_102 = %scan3A_83 to %scan3A_85 step %scan3A_86 iter_args(%scan3A_103 = %scan3A_67#0, %scan3A_104 = %scan3A_67#1, %scan3A_105 = %scan3A_67#2, %scan3A_106 = %scan3A_67#3, %scan3A_107 = %scan3A_67#4) -> (vector<16xf32>, vector<16xf32>, vector<16xf32>, vector<16xf32>, vector<16xf32>)  : i32 {
      %mul3A_108 = arith.constant 16 : i32
      %mul3A_109 = arith.muli %scan3A_102, %mul3A_108 : i32
      %get3A = arith.index_cast %mul3A_109 : i32 to index
      %get3A_110 = tpu.vector_load %arg15[%get3A] {strides = array<i32>} : memref<2048xi32, #tpu.memory_space<vmem>>, vector<16xi32>,
      %get3A_111 = arith.index_cast %mul3A_109 : i32 to index
      %get3A_112 = tpu.vector_load %arg16[%get3A_111] {strides = array<i32>} : memref<2048xi32, #tpu.memory_space<vmem>>, vector<16xi32>,
      %gt3A = arith.constant 0 : i32
      %gt3A_113 = vector.broadcast %gt3A : i32 to vector<16xi32>
      %gt3A_114 = arith.cmpi sgt, %get3A_110, %gt3A_113 : vector<16xi32>
      %select_n3A = arith.select %gt3A_114, %broadcast_in_dim3A_9, %broadcast_in_dim3A_7 : vector<16xi1>, vector<16xf32>
      %gt3A_115 = arith.constant 0 : i32
      %gt3A_116 = vector.broadcast %gt3A_115 : i32 to vector<16xi32>
      %gt3A_117 = arith.cmpi sgt, %get3A_112, %gt3A_116 : vector<16xi32>
      %select_n3A_118 = arith.select %gt3A_117, %broadcast_in_dim3A_9, %broadcast_in_dim3A_7 : vector<16xi1>, vector<16xf32>
      %mul3A_119 = arith.constant 4 : i32
      %mul3A_120 = arith.muli %mul3A_109, %mul3A_119 : i32
      %add3A_121 = vector.broadcast %mul3A_120 : i32 to vector<16xi32>
      %add3A_122 = arith.addi %add3A_121, %mul3A_3 : vector<16xi32>
      %add3A_123 = arith.addi %add3A_122, %get3A_110 : vector<16xi32>
      %gather3A = tpu.vector_load_idx %arg10[%add3A_123] : memref<8192xf32, #tpu.memory_space<vmem>>[vector<16xi32>], vector<16xf32>,
      %max3A = arith.constant 1.000000e-30 : f32
      %max3A_124 = vector.broadcast %max3A : f32 to vector<16xf32>
      %max3A_125 = arith.maximumf %gather3A, %max3A_124 : vector<16xf32>
      %bitcast3A = vector.bitcast %max3A_125 : vector<16xf32> to vector<16xi32>
      %sub3A = arith.constant 1060439283 : i32
      %sub3A_126 = vector.broadcast %sub3A : i32 to vector<16xi32>
      %sub3A_127 = arith.subi %bitcast3A, %sub3A_126 : vector<16xi32>
      %shift_right_arithmetic3A = arith.constant 23 : i32
      %shift_right_arithmetic3A_128 = vector.broadcast %shift_right_arithmetic3A : i32 to vector<16xi32>
      %shift_right_arithmetic3A_129 = arith.shrsi %sub3A_127, %shift_right_arithmetic3A_128 : vector<16xi32>
      %shift_left3A = arith.constant 23 : i32
      %shift_left3A_130 = vector.broadcast %shift_left3A : i32 to vector<16xi32>
      %shift_left3A_131 = arith.shli %shift_right_arithmetic3A_129, %shift_left3A_130 : vector<16xi32>
      %sub3A_132 = arith.subi %bitcast3A, %shift_left3A_131 : vector<16xi32>
      %bitcast3A_133 = vector.bitcast %sub3A_132 : vector<16xi32> to vector<16xf32>
      %convert_element_type3A = arith.sitofp %shift_right_arithmetic3A_129 : vector<16xi32> to vector<16xf32>
      %sub3A_134 = arith.constant 1.000000e+00 : f32
      %sub3A_135 = vector.broadcast %sub3A_134 : f32 to vector<16xf32>
      %sub3A_136 = arith.subf %bitcast3A_133, %sub3A_135 : vector<16xf32>
      %add3A_137 = arith.constant 2.000000e+00 : f32
      %add3A_138 = vector.broadcast %add3A_137 : f32 to vector<16xf32>
      %add3A_139 = arith.addf %add3A_138, %sub3A_136 : vector<16xf32>
      %div3A = arith.divf %sub3A_136, %add3A_139 : vector<16xf32>
      %mul3A_140 = arith.mulf %div3A, %div3A : vector<16xf32>
      %mul3A_141 = arith.constant 0.111111112 : f32
      %mul3A_142 = vector.broadcast %mul3A_141 : f32 to vector<16xf32>
      %mul3A_143 = arith.mulf %mul3A_140, %mul3A_142 : vector<16xf32>
      %add3A_144 = arith.constant 0.142857149 : f32
      %add3A_145 = vector.broadcast %add3A_144 : f32 to vector<16xf32>
      %add3A_146 = arith.addf %mul3A_143, %add3A_145 : vector<16xf32>
      %mul3A_147 = arith.mulf %add3A_146, %mul3A_140 : vector<16xf32>
      %add3A_148 = arith.constant 2.000000e-01 : f32
      %add3A_149 = vector.broadcast %add3A_148 : f32 to vector<16xf32>
      %add3A_150 = arith.addf %mul3A_147, %add3A_149 : vector<16xf32>
      %mul3A_151 = arith.mulf %add3A_150, %mul3A_140 : vector<16xf32>
      %add3A_152 = arith.constant 0.333333343 : f32
      %add3A_153 = vector.broadcast %add3A_152 : f32 to vector<16xf32>
      %add3A_154 = arith.addf %mul3A_151, %add3A_153 : vector<16xf32>
      %mul3A_155 = arith.constant 2.000000e+00 : f32
      %mul3A_156 = vector.broadcast %mul3A_155 : f32 to vector<16xf32>
      %mul3A_157 = arith.mulf %mul3A_156, %div3A : vector<16xf32>
      %mul3A_158 = arith.constant 2.000000e+00 : f32
      %mul3A_159 = vector.broadcast %mul3A_158 : f32 to vector<16xf32>
      %mul3A_160 = arith.mulf %mul3A_159, %div3A : vector<16xf32>
      %mul3A_161 = arith.mulf %mul3A_160, %mul3A_140 : vector<16xf32>
      %mul3A_162 = arith.mulf %mul3A_161, %add3A_154 : vector<16xf32>
      %add3A_163 = arith.addf %mul3A_157, %mul3A_162 : vector<16xf32>
      %mul3A_164 = arith.constant 0.693147182 : f32
      %mul3A_165 = vector.broadcast %mul3A_164 : f32 to vector<16xf32>
      %mul3A_166 = arith.mulf %convert_element_type3A, %mul3A_165 : vector<16xf32>
      %add3A_167 = arith.addf %mul3A_166, %add3A_163 : vector<16xf32>
      %neg3A = arith.constant 0.000000e+00 : f32
      %neg3A_168 = vector.broadcast %neg3A : f32 to vector<16xf32>
      %neg3A_169 = arith.subf %neg3A_168, %add3A_167 : vector<16xf32>
      %add3A_170 = arith.addf %select_n3A, %select_n3A_118 : vector<16xf32>
      %mul3A_171 = arith.mulf %neg3A_169, %add3A_170 : vector<16xf32>
      %add3A_172 = arith.addf %scan3A_103, %mul3A_171 : vector<16xf32>
      %add3A_173 = arith.addf %scan3A_104, %add3A_170 : vector<16xf32>
      %add3A_174 = arith.addf %scan3A_105, %select_n3A : vector<16xf32>
      %gather3A_175 = tpu.vector_load_idx %arg11[%add3A_122] : memref<8192xf32, #tpu.memory_space<vmem>>[vector<16xi32>], vector<16xf32>,
      %gather3A_176 = tpu.vector_load_idx %arg12[%add3A_122] : memref<8192xf32, #tpu.memory_space<vmem>>[vector<16xi32>], vector<16xf32>,
      %sub3A_177 = arith.subf %gather3A_175, %gather3A_176 : vector<16xf32>
      %abs3A = math.absf %sub3A_177 : vector<16xf32>
      %lt3A = arith.constant 1.000000e+00 : f32
      %lt3A_178 = vector.broadcast %lt3A : f32 to vector<16xf32>
      %lt3A_179 = arith.cmpf olt, %abs3A, %lt3A_178 : vector<16xf32>
      %mul3A_180 = arith.constant 5.000000e-01 : f32
      %mul3A_181 = vector.broadcast %mul3A_180 : f32 to vector<16xf32>
      %mul3A_182 = arith.mulf %mul3A_181, %sub3A_177 : vector<16xf32>
      %mul3A_183 = arith.mulf %mul3A_182, %sub3A_177 : vector<16xf32>
      %sub3A_184 = arith.constant 5.000000e-01 : f32
      %sub3A_185 = vector.broadcast %sub3A_184 : f32 to vector<16xf32>
      %sub3A_186 = arith.subf %abs3A, %sub3A_185 : vector<16xf32>
      %select_n3A_187 = arith.select %lt3A_179, %mul3A_183, %sub3A_186 : vector<16xi1>, vector<16xf32>
      %add3A_188 = arith.constant 1 : i32
      %add3A_189 = vector.broadcast %add3A_188 : i32 to vector<16xi32>
      %add3A_190 = arith.addi %add3A_122, %add3A_189 : vector<16xi32>
      %gather3A_191 = tpu.vector_load_idx %arg11[%add3A_190] : memref<8192xf32, #tpu.memory_space<vmem>>[vector<16xi32>], vector<16xf32>,
      %add3A_192 = arith.constant 1 : i32
      %add3A_193 = vector.broadcast %add3A_192 : i32 to vector<16xi32>
      %add3A_194 = arith.addi %add3A_122, %add3A_193 : vector<16xi32>
      %gather3A_195 = tpu.vector_load_idx %arg12[%add3A_194] : memref<8192xf32, #tpu.memory_space<vmem>>[vector<16xi32>], vector<16xf32>,
      %sub3A_196 = arith.subf %gather3A_191, %gather3A_195 : vector<16xf32>
      %abs3A_197 = math.absf %sub3A_196 : vector<16xf32>
      %lt3A_198 = arith.constant 1.000000e+00 : f32
      %lt3A_199 = vector.broadcast %lt3A_198 : f32 to vector<16xf32>
      %lt3A_200 = arith.cmpf olt, %abs3A_197, %lt3A_199 : vector<16xf32>
      %mul3A_201 = arith.constant 5.000000e-01 : f32
      %mul3A_202 = vector.broadcast %mul3A_201 : f32 to vector<16xf32>
      %mul3A_203 = arith.mulf %mul3A_202, %sub3A_196 : vector<16xf32>
      %mul3A_204 = arith.mulf %mul3A_203, %sub3A_196 : vector<16xf32>
      %sub3A_205 = arith.constant 5.000000e-01 : f32
      %sub3A_206 = vector.broadcast %sub3A_205 : f32 to vector<16xf32>
      %sub3A_207 = arith.subf %abs3A_197, %sub3A_206 : vector<16xf32>
      %select_n3A_208 = arith.select %lt3A_200, %mul3A_204, %sub3A_207 : vector<16xi1>, vector<16xf32>
      %add3A_209 = arith.addf %select_n3A_187, %select_n3A_208 : vector<16xf32>
      %add3A_210 = arith.constant 2 : i32
      %add3A_211 = vector.broadcast %add3A_210 : i32 to vector<16xi32>
      %add3A_212 = arith.addi %add3A_122, %add3A_211 : vector<16xi32>
      %gather3A_213 = tpu.vector_load_idx %arg11[%add3A_212] : memref<8192xf32, #tpu.memory_space<vmem>>[vector<16xi32>], vector<16xf32>,
      %add3A_214 = arith.constant 2 : i32
      %add3A_215 = vector.broadcast %add3A_214 : i32 to vector<16xi32>
      %add3A_216 = arith.addi %add3A_122, %add3A_215 : vector<16xi32>
      %gather3A_217 = tpu.vector_load_idx %arg12[%add3A_216] : memref<8192xf32, #tpu.memory_space<vmem>>[vector<16xi32>], vector<16xf32>,
      %sub3A_218 = arith.subf %gather3A_213, %gather3A_217 : vector<16xf32>
      %abs3A_219 = math.absf %sub3A_218 : vector<16xf32>
      %lt3A_220 = arith.constant 1.000000e+00 : f32
      %lt3A_221 = vector.broadcast %lt3A_220 : f32 to vector<16xf32>
      %lt3A_222 = arith.cmpf olt, %abs3A_219, %lt3A_221 : vector<16xf32>
      %mul3A_223 = arith.constant 5.000000e-01 : f32
      %mul3A_224 = vector.broadcast %mul3A_223 : f32 to vector<16xf32>
      %mul3A_225 = arith.mulf %mul3A_224, %sub3A_218 : vector<16xf32>
      %mul3A_226 = arith.mulf %mul3A_225, %sub3A_218 : vector<16xf32>
      %sub3A_227 = arith.constant 5.000000e-01 : f32
      %sub3A_228 = vector.broadcast %sub3A_227 : f32 to vector<16xf32>
      %sub3A_229 = arith.subf %abs3A_219, %sub3A_228 : vector<16xf32>
      %select_n3A_230 = arith.select %lt3A_222, %mul3A_226, %sub3A_229 : vector<16xi1>, vector<16xf32>
      %add3A_231 = arith.addf %add3A_209, %select_n3A_230 : vector<16xf32>
      %add3A_232 = arith.constant 3 : i32
      %add3A_233 = vector.broadcast %add3A_232 : i32 to vector<16xi32>
      %add3A_234 = arith.addi %add3A_122, %add3A_233 : vector<16xi32>
      %gather3A_235 = tpu.vector_load_idx %arg11[%add3A_234] : memref<8192xf32, #tpu.memory_space<vmem>>[vector<16xi32>], vector<16xf32>,
      %add3A_236 = arith.constant 3 : i32
      %add3A_237 = vector.broadcast %add3A_236 : i32 to vector<16xi32>
      %add3A_238 = arith.addi %add3A_122, %add3A_237 : vector<16xi32>
      %gather3A_239 = tpu.vector_load_idx %arg12[%add3A_238] : memref<8192xf32, #tpu.memory_space<vmem>>[vector<16xi32>], vector<16xf32>,
      %sub3A_240 = arith.subf %gather3A_235, %gather3A_239 : vector<16xf32>
      %abs3A_241 = math.absf %sub3A_240 : vector<16xf32>
      %lt3A_242 = arith.constant 1.000000e+00 : f32
      %lt3A_243 = vector.broadcast %lt3A_242 : f32 to vector<16xf32>
      %lt3A_244 = arith.cmpf olt, %abs3A_241, %lt3A_243 : vector<16xf32>
      %mul3A_245 = arith.constant 5.000000e-01 : f32
      %mul3A_246 = vector.broadcast %mul3A_245 : f32 to vector<16xf32>
      %mul3A_247 = arith.mulf %mul3A_246, %sub3A_240 : vector<16xf32>
      %mul3A_248 = arith.mulf %mul3A_247, %sub3A_240 : vector<16xf32>
      %sub3A_249 = arith.constant 5.000000e-01 : f32
      %sub3A_250 = vector.broadcast %sub3A_249 : f32 to vector<16xf32>
      %sub3A_251 = arith.subf %abs3A_241, %sub3A_250 : vector<16xf32>
      %select_n3A_252 = arith.select %lt3A_244, %mul3A_248, %sub3A_251 : vector<16xi1>, vector<16xf32>
      %add3A_253 = arith.addf %add3A_231, %select_n3A_252 : vector<16xf32>
      %mul3A_254 = arith.mulf %add3A_253, %select_n3A : vector<16xf32>
      %add3A_255 = arith.addf %scan3A_106, %mul3A_254 : vector<16xf32>
      %mul3A_256 = arith.constant 7 : i32
      %mul3A_257 = arith.muli %mul3A_109, %mul3A_256 : i32
      %add3A_258 = vector.broadcast %mul3A_257 : i32 to vector<16xi32>
      %add3A_259 = arith.addi %add3A_258, %mul3A_6 : vector<16xi32>
      %gather3A_260 = tpu.vector_load_idx %arg13[%add3A_259] : memref<14336xf32, #tpu.memory_space<vmem>>[vector<16xi32>], vector<16xf32>,
      %gather3A_261 = tpu.vector_load_idx %arg14[%add3A_259] : memref<14336xf32, #tpu.memory_space<vmem>>[vector<16xi32>], vector<16xf32>,
      %sub3A_262 = arith.subf %gather3A_260, %gather3A_261 : vector<16xf32>
      %abs3A_263 = math.absf %sub3A_262 : vector<16xf32>
      %lt3A_264 = arith.constant 1.000000e+00 : f32
      %lt3A_265 = vector.broadcast %lt3A_264 : f32 to vector<16xf32>
      %lt3A_266 = arith.cmpf olt, %abs3A_263, %lt3A_265 : vector<16xf32>
      %mul3A_267 = arith.constant 5.000000e-01 : f32
      %mul3A_268 = vector.broadcast %mul3A_267 : f32 to vector<16xf32>
      %mul3A_269 = arith.mulf %mul3A_268, %sub3A_262 : vector<16xf32>
      %mul3A_270 = arith.mulf %mul3A_269, %sub3A_262 : vector<16xf32>
      %sub3A_271 = arith.constant 5.000000e-01 : f32
      %sub3A_272 = vector.broadcast %sub3A_271 : f32 to vector<16xf32>
      %sub3A_273 = arith.subf %abs3A_263, %sub3A_272 : vector<16xf32>
      %select_n3A_274 = arith.select %lt3A_266, %mul3A_270, %sub3A_273 : vector<16xi1>, vector<16xf32>
      %add3A_275 = arith.constant 1 : i32
      %add3A_276 = vector.broadcast %add3A_275 : i32 to vector<16xi32>
      %add3A_277 = arith.addi %add3A_259, %add3A_276 : vector<16xi32>
      %gather3A_278 = tpu.vector_load_idx %arg13[%add3A_277] : memref<14336xf32, #tpu.memory_space<vmem>>[vector<16xi32>], vector<16xf32>,
      %add3A_279 = arith.constant 1 : i32
      %add3A_280 = vector.broadcast %add3A_279 : i32 to vector<16xi32>
      %add3A_281 = arith.addi %add3A_259, %add3A_280 : vector<16xi32>
      %gather3A_282 = tpu.vector_load_idx %arg14[%add3A_281] : memref<14336xf32, #tpu.memory_space<vmem>>[vector<16xi32>], vector<16xf32>,
      %sub3A_283 = arith.subf %gather3A_278, %gather3A_282 : vector<16xf32>
      %abs3A_284 = math.absf %sub3A_283 : vector<16xf32>
      %lt3A_285 = arith.constant 1.000000e+00 : f32
      %lt3A_286 = vector.broadcast %lt3A_285 : f32 to vector<16xf32>
      %lt3A_287 = arith.cmpf olt, %abs3A_284, %lt3A_286 : vector<16xf32>
      %mul3A_288 = arith.constant 5.000000e-01 : f32
      %mul3A_289 = vector.broadcast %mul3A_288 : f32 to vector<16xf32>
      %mul3A_290 = arith.mulf %mul3A_289, %sub3A_283 : vector<16xf32>
      %mul3A_291 = arith.mulf %mul3A_290, %sub3A_283 : vector<16xf32>
      %sub3A_292 = arith.constant 5.000000e-01 : f32
      %sub3A_293 = vector.broadcast %sub3A_292 : f32 to vector<16xf32>
      %sub3A_294 = arith.subf %abs3A_284, %sub3A_293 : vector<16xf32>
      %select_n3A_295 = arith.select %lt3A_287, %mul3A_291, %sub3A_294 : vector<16xi1>, vector<16xf32>
      %add3A_296 = arith.addf %select_n3A_274, %select_n3A_295 : vector<16xf32>
      %add3A_297 = arith.constant 2 : i32
      %add3A_298 = vector.broadcast %add3A_297 : i32 to vector<16xi32>
      %add3A_299 = arith.addi %add3A_259, %add3A_298 : vector<16xi32>
      %gather3A_300 = tpu.vector_load_idx %arg13[%add3A_299] : memref<14336xf32, #tpu.memory_space<vmem>>[vector<16xi32>], vector<16xf32>,
      %add3A_301 = arith.constant 2 : i32
      %add3A_302 = vector.broadcast %add3A_301 : i32 to vector<16xi32>
      %add3A_303 = arith.addi %add3A_259, %add3A_302 : vector<16xi32>
      %gather3A_304 = tpu.vector_load_idx %arg14[%add3A_303] : memref<14336xf32, #tpu.memory_space<vmem>>[vector<16xi32>], vector<16xf32>,
      %sub3A_305 = arith.subf %gather3A_300, %gather3A_304 : vector<16xf32>
      %abs3A_306 = math.absf %sub3A_305 : vector<16xf32>
      %lt3A_307 = arith.constant 1.000000e+00 : f32
      %lt3A_308 = vector.broadcast %lt3A_307 : f32 to vector<16xf32>
      %lt3A_309 = arith.cmpf olt, %abs3A_306, %lt3A_308 : vector<16xf32>
      %mul3A_310 = arith.constant 5.000000e-01 : f32
      %mul3A_311 = vector.broadcast %mul3A_310 : f32 to vector<16xf32>
      %mul3A_312 = arith.mulf %mul3A_311, %sub3A_305 : vector<16xf32>
      %mul3A_313 = arith.mulf %mul3A_312, %sub3A_305 : vector<16xf32>
      %sub3A_314 = arith.constant 5.000000e-01 : f32
      %sub3A_315 = vector.broadcast %sub3A_314 : f32 to vector<16xf32>
      %sub3A_316 = arith.subf %abs3A_306, %sub3A_315 : vector<16xf32>
      %select_n3A_317 = arith.select %lt3A_309, %mul3A_313, %sub3A_316 : vector<16xi1>, vector<16xf32>
      %add3A_318 = arith.addf %add3A_296, %select_n3A_317 : vector<16xf32>
      %add3A_319 = arith.constant 3 : i32
      %add3A_320 = vector.broadcast %add3A_319 : i32 to vector<16xi32>
      %add3A_321 = arith.addi %add3A_259, %add3A_320 : vector<16xi32>
      %gather3A_322 = tpu.vector_load_idx %arg13[%add3A_321] : memref<14336xf32, #tpu.memory_space<vmem>>[vector<16xi32>], vector<16xf32>,
      %add3A_323 = arith.constant 3 : i32
      %add3A_324 = vector.broadcast %add3A_323 : i32 to vector<16xi32>
      %add3A_325 = arith.addi %add3A_259, %add3A_324 : vector<16xi32>
      %gather3A_326 = tpu.vector_load_idx %arg14[%add3A_325] : memref<14336xf32, #tpu.memory_space<vmem>>[vector<16xi32>], vector<16xf32>,
      %sub3A_327 = arith.subf %gather3A_322, %gather3A_326 : vector<16xf32>
      %abs3A_328 = math.absf %sub3A_327 : vector<16xf32>
      %lt3A_329 = arith.constant 1.000000e+00 : f32
      %lt3A_330 = vector.broadcast %lt3A_329 : f32 to vector<16xf32>
      %lt3A_331 = arith.cmpf olt, %abs3A_328, %lt3A_330 : vector<16xf32>
      %mul3A_332 = arith.constant 5.000000e-01 : f32
      %mul3A_333 = vector.broadcast %mul3A_332 : f32 to vector<16xf32>
      %mul3A_334 = arith.mulf %mul3A_333, %sub3A_327 : vector<16xf32>
      %mul3A_335 = arith.mulf %mul3A_334, %sub3A_327 : vector<16xf32>
      %sub3A_336 = arith.constant 5.000000e-01 : f32
      %sub3A_337 = vector.broadcast %sub3A_336 : f32 to vector<16xf32>
      %sub3A_338 = arith.subf %abs3A_328, %sub3A_337 : vector<16xf32>
      %select_n3A_339 = arith.select %lt3A_331, %mul3A_335, %sub3A_338 : vector<16xi1>, vector<16xf32>
      %add3A_340 = arith.addf %add3A_318, %select_n3A_339 : vector<16xf32>
      %add3A_341 = arith.constant 4 : i32
      %add3A_342 = vector.broadcast %add3A_341 : i32 to vector<16xi32>
      %add3A_343 = arith.addi %add3A_259, %add3A_342 : vector<16xi32>
      %gather3A_344 = tpu.vector_load_idx %arg13[%add3A_343] : memref<14336xf32, #tpu.memory_space<vmem>>[vector<16xi32>], vector<16xf32>,
      %add3A_345 = arith.constant 4 : i32
      %add3A_346 = vector.broadcast %add3A_345 : i32 to vector<16xi32>
      %add3A_347 = arith.addi %add3A_259, %add3A_346 : vector<16xi32>
      %gather3A_348 = tpu.vector_load_idx %arg14[%add3A_347] : memref<14336xf32, #tpu.memory_space<vmem>>[vector<16xi32>], vector<16xf32>,
      %sub3A_349 = arith.subf %gather3A_344, %gather3A_348 : vector<16xf32>
      %abs3A_350 = math.absf %sub3A_349 : vector<16xf32>
      %lt3A_351 = arith.constant 1.000000e+00 : f32
      %lt3A_352 = vector.broadcast %lt3A_351 : f32 to vector<16xf32>
      %lt3A_353 = arith.cmpf olt, %abs3A_350, %lt3A_352 : vector<16xf32>
      %mul3A_354 = arith.constant 5.000000e-01 : f32
      %mul3A_355 = vector.broadcast %mul3A_354 : f32 to vector<16xf32>
      %mul3A_356 = arith.mulf %mul3A_355, %sub3A_349 : vector<16xf32>
      %mul3A_357 = arith.mulf %mul3A_356, %sub3A_349 : vector<16xf32>
      %sub3A_358 = arith.constant 5.000000e-01 : f32
      %sub3A_359 = vector.broadcast %sub3A_358 : f32 to vector<16xf32>
      %sub3A_360 = arith.subf %abs3A_350, %sub3A_359 : vector<16xf32>
      %select_n3A_361 = arith.select %lt3A_353, %mul3A_357, %sub3A_360 : vector<16xi1>, vector<16xf32>
      %add3A_362 = arith.addf %add3A_340, %select_n3A_361 : vector<16xf32>
      %add3A_363 = arith.constant 5 : i32
      %add3A_364 = vector.broadcast %add3A_363 : i32 to vector<16xi32>
      %add3A_365 = arith.addi %add3A_259, %add3A_364 : vector<16xi32>
      %gather3A_366 = tpu.vector_load_idx %arg13[%add3A_365] : memref<14336xf32, #tpu.memory_space<vmem>>[vector<16xi32>], vector<16xf32>,
      %add3A_367 = arith.constant 5 : i32
      %add3A_368 = vector.broadcast %add3A_367 : i32 to vector<16xi32>
      %add3A_369 = arith.addi %add3A_259, %add3A_368 : vector<16xi32>
      %gather3A_370 = tpu.vector_load_idx %arg14[%add3A_369] : memref<14336xf32, #tpu.memory_space<vmem>>[vector<16xi32>], vector<16xf32>,
      %sub3A_371 = arith.subf %gather3A_366, %gather3A_370 : vector<16xf32>
      %abs3A_372 = math.absf %sub3A_371 : vector<16xf32>
      %lt3A_373 = arith.constant 1.000000e+00 : f32
      %lt3A_374 = vector.broadcast %lt3A_373 : f32 to vector<16xf32>
      %lt3A_375 = arith.cmpf olt, %abs3A_372, %lt3A_374 : vector<16xf32>
      %mul3A_376 = arith.constant 5.000000e-01 : f32
      %mul3A_377 = vector.broadcast %mul3A_376 : f32 to vector<16xf32>
      %mul3A_378 = arith.mulf %mul3A_377, %sub3A_371 : vector<16xf32>
      %mul3A_379 = arith.mulf %mul3A_378, %sub3A_371 : vector<16xf32>
      %sub3A_380 = arith.constant 5.000000e-01 : f32
      %sub3A_381 = vector.broadcast %sub3A_380 : f32 to vector<16xf32>
      %sub3A_382 = arith.subf %abs3A_372, %sub3A_381 : vector<16xf32>
      %select_n3A_383 = arith.select %lt3A_375, %mul3A_379, %sub3A_382 : vector<16xi1>, vector<16xf32>
      %add3A_384 = arith.addf %add3A_362, %select_n3A_383 : vector<16xf32>
      %add3A_385 = arith.constant 6 : i32
      %add3A_386 = vector.broadcast %add3A_385 : i32 to vector<16xi32>
      %add3A_387 = arith.addi %add3A_259, %add3A_386 : vector<16xi32>
      %gather3A_388 = tpu.vector_load_idx %arg13[%add3A_387] : memref<14336xf32, #tpu.memory_space<vmem>>[vector<16xi32>], vector<16xf32>,
      %add3A_389 = arith.constant 6 : i32
      %add3A_390 = vector.broadcast %add3A_389 : i32 to vector<16xi32>
      %add3A_391 = arith.addi %add3A_259, %add3A_390 : vector<16xi32>
      %gather3A_392 = tpu.vector_load_idx %arg14[%add3A_391] : memref<14336xf32, #tpu.memory_space<vmem>>[vector<16xi32>], vector<16xf32>,
      %sub3A_393 = arith.subf %gather3A_388, %gather3A_392 : vector<16xf32>
      %abs3A_394 = math.absf %sub3A_393 : vector<16xf32>
      %lt3A_395 = arith.constant 1.000000e+00 : f32
      %lt3A_396 = vector.broadcast %lt3A_395 : f32 to vector<16xf32>
      %lt3A_397 = arith.cmpf olt, %abs3A_394, %lt3A_396 : vector<16xf32>
      %mul3A_398 = arith.constant 5.000000e-01 : f32
      %mul3A_399 = vector.broadcast %mul3A_398 : f32 to vector<16xf32>
      %mul3A_400 = arith.mulf %mul3A_399, %sub3A_393 : vector<16xf32>
      %mul3A_401 = arith.mulf %mul3A_400, %sub3A_393 : vector<16xf32>
      %sub3A_402 = arith.constant 5.000000e-01 : f32
      %sub3A_403 = vector.broadcast %sub3A_402 : f32 to vector<16xf32>
      %sub3A_404 = arith.subf %abs3A_394, %sub3A_403 : vector<16xf32>
      %select_n3A_405 = arith.select %lt3A_397, %mul3A_401, %sub3A_404 : vector<16xi1>, vector<16xf32>
      %add3A_406 = arith.addf %add3A_384, %select_n3A_405 : vector<16xf32>
      %mul3A_407 = arith.mulf %add3A_406, %select_n3A : vector<16xf32>
      %add3A_408 = arith.addf %scan3A_107, %mul3A_407 : vector<16xf32>
      scf.yield %add3A_172, %add3A_173, %add3A_174, %add3A_255, %add3A_408 : vector<16xf32>, vector<16xf32>, vector<16xf32>, vector<16xf32>, vector<16xf32>
    }
    %scan3A_88 = arith.constant 128 : i32
    %swap3A = arith.constant 0 : index
    %swap3A_89 = tpu.vector_load %arg17[%swap3A] {strides = array<i32>} : memref<80xf32, #tpu.memory_space<vmem>>, vector<16xf32>,
    tpu.vector_store %arg17[%swap3A], %scan3A_87#0 {strides = array<i32>} : memref<80xf32, #tpu.memory_space<vmem>>, vector<16xf32>,
    %swap3A_90 = arith.constant 16 : index
    %swap3A_91 = tpu.vector_load %arg17[%swap3A_90] {strides = array<i32>} : memref<80xf32, #tpu.memory_space<vmem>>, vector<16xf32>,
    tpu.vector_store %arg17[%swap3A_90], %scan3A_87#1 {strides = array<i32>} : memref<80xf32, #tpu.memory_space<vmem>>, vector<16xf32>,
    %swap3A_92 = arith.constant 32 : index
    %swap3A_93 = tpu.vector_load %arg17[%swap3A_92] {strides = array<i32>} : memref<80xf32, #tpu.memory_space<vmem>>, vector<16xf32>,
    tpu.vector_store %arg17[%swap3A_92], %scan3A_87#2 {strides = array<i32>} : memref<80xf32, #tpu.memory_space<vmem>>, vector<16xf32>,
    %swap3A_94 = arith.constant 48 : index
    %swap3A_95 = tpu.vector_load %arg17[%swap3A_94] {strides = array<i32>} : memref<80xf32, #tpu.memory_space<vmem>>, vector<16xf32>,
    tpu.vector_store %arg17[%swap3A_94], %scan3A_87#3 {strides = array<i32>} : memref<80xf32, #tpu.memory_space<vmem>>, vector<16xf32>,
    %swap3A_96 = arith.constant 64 : index
    %swap3A_97 = tpu.vector_load %arg17[%swap3A_96] {strides = array<i32>} : memref<80xf32, #tpu.memory_space<vmem>>, vector<16xf32>,
    tpu.vector_store %arg17[%swap3A_96], %scan3A_87#4 {strides = array<i32>} : memref<80xf32, #tpu.memory_space<vmem>>, vector<16xf32>,
    %mul3A_98 = arith.constant 5 : i32
    %mul3A_99 = arith.muli %add3A, %mul3A_98 : i32
    %mul3A_100 = arith.constant 16 : i32
    %mul3A_101 = arith.muli %mul3A_99, %mul3A_100 : i32
    "tpu.region"() ({
      %run_scoped3A = tpu.sem_alloc : memref<!tpu.dma_semaphore, #tpu.memory_space<semaphore_mem>>
      %dma_start3A = tpu.memref_slice %arg9[%mul3A_101] : memref<2560xf32, #tpu.memory_space<hbm>> -> memref<80xf32, #tpu.memory_space<hbm>>
      %dma_start3A_102 = tpu.memref_slice %arg9[%mul3A_101] : memref<2560xf32, #tpu.memory_space<hbm>> -> memref<80xf32, #tpu.memory_space<hbm>>
      tpu.enqueue_dma source(%arg17 : memref<80xf32, #tpu.memory_space<vmem>>) target(%dma_start3A_102 : memref<80xf32, #tpu.memory_space<hbm>>) target_semaphore(%run_scoped3A : memref<!tpu.dma_semaphore, #tpu.memory_space<semaphore_mem>>)
      %dma_wait3A = tpu.memref_slice %arg9[%mul3A_101] : memref<2560xf32, #tpu.memory_space<hbm>> -> memref<80xf32, #tpu.memory_space<hbm>>
      %dma_wait3A_103 = tpu.memref_slice %arg9[%mul3A_101] : memref<2560xf32, #tpu.memory_space<hbm>> -> memref<80xf32, #tpu.memory_space<hbm>>
      tpu.wait_dma2 semaphore(%run_scoped3A : memref<!tpu.dma_semaphore, #tpu.memory_space<semaphore_mem>>) src(%arg17 : memref<80xf32, #tpu.memory_space<vmem>>) dst(%dma_wait3A_103 : memref<80xf32, #tpu.memory_space<hbm>>)
      tpu.yield
    }) : () -> ()
    return
  }
}

</mosaic_0001>

<sc_bundles>
// kernel: kernel.3.cloned.1.call-start
scs
__scs_entry_jumppad:
0x0: {  	(pc) =	sbr.rel $0x88, $3  }
0x1: {  	(tag) =	ssettag $0x0;
	lr =	simm.s32 $0x1  }
0x2: {  	[smem:$0x3F9A] =	sst lr;
	_ =	strace $0xD0000000  }
0x3: {  	_ = 	snop  }
0x4: {  	_ = 	snop  }
0x5: {  	_ = 	snop  }
0x6: {  	_ = 	snop  }
0x7: {  	_ = 	snop  }
__scs_overlays_trampoline_lowered:
0x8: {  	[smem:$0x3FA9] =	sst s0  }
0x9: {  	[smem:$0x3FAA] =	sst s1  }
0xa: {  	[smem:$0x3FAB] =	sst s2  }
0xb: {  	[smem:$0x3FAC] =	sst s3  }
0xc: {  	[smem:$0x3FAD] =	sst s4  }
0xd: {  	[smem:$0x3FAE] =	sst s5  }
0xe: {  	[smem:$0x3FAF] =	sst s6  }
0xf: {  	[smem:$0x3FB0] =	sst s7  }
0x10: {  	[smem:$0x3FB1] =	sst s8  }
0x11: {  	[smem:$0x3FB2] =	sst s9;
	s0 =	simm.s32 @!p0 $0x0  }
0x12: {  	s1 =	sld [smem:$0x3F98];
	s0 =	simm.s32 @p0 $0x1  }
0x13: {  	[smem:$0x3FB3] =	sst s0;
	s0 =	simm.s32 @!p1 $0x0  }
0x14: {  	s2 =	sld [smem:$0x3F97];
	s0 =	simm.s32 @p1 $0x1  }
0x15: {  	[smem:$0x3FB4] =	sst s0;
	s0 =	simm.s32 @!p2 $0x0  }
0x16: {  	s3 =	sld [smem:$0x3FDB];
	s0 =	simm.s32 @p2 $0x1  }
0x17: {  	s4 =	simm.s32 $0x1BF5;
	[smem:$0x3FB6] =	sst s0  }
0x18: {  	s0 =	sld [smem:$0x3F99];
	_ =	swait.ge [sflag:s4], $0x0  }
0x19: {  	s7 =	sld [smem:$0x3F9A]  }
0x1a: {  	s8 =	sadd.s32 $0xFFFFE003, lr  }
0x1b: {  	s9 =	sadd.s32 $0xFFFFFEF7, lr;
	s5 =	simm.s32 $0xFFFFFFFF;
	p2 =	slt.u32 s8, $0xFFFFF086  }
0x1c: {  	p1 =	slt.u32 s9, $0xF7A;
	s5 =	simm.s32 @!p2 $0x0  }
0x1d: {  	s5 =	simm.s32 @p1 $0x1;
	p0 =	seq.s32 s7, s2  }
0x1e: {  	s7 =	smul.u32 @!p0 $0xF7A, s2;
	p2 =	seq.s32 @!p0 s5, $0x0  }
0x1f: {  	s9 =	smul.u32 $0xF7A, s1;
	s8 =	simm.s32 @!p0 $0x1BF5;
	p2 =	por !p2, p0  }
0x20: {  	[sflag:s8] =	ssyncset.s32 @!p0 $0xFFFFF086;
	s6 =	sadd.s32 @!p0 s3, s7;
	s7 =	simm.s32 @!p0 $0x108  }
0x21: {  	s3 =	sadd.s32 s3, s9;
	s6 =	sadd.s32 @!p0 $0x88, s6;
	s7 =	simm.s32 @p2 $0x1082  }
0x22: {  	[simem:s7], [sflag:s8] =	dma.local @!p0 [hbm:s6], $0xF7A  }
0x23: {  	s9 =	sor.u32 $0xD0000000, s2;
	s6 =	simm.s32 $0x108;
	_ =	swait.ge @!p0 [sflag:s8], $0x0  }
0x24: {  	s3 =	sadd.s32 $0x88, s3;
	s6 =	simm.s32 @!p1 $0x1082;
	[sflag:s4] =	ssyncset.s32 $0xFFFFF086  }
0x25: {  	[simem:s6], [sflag:s4] =	dma.local [hbm:s3], $0xF7A  }
0x26: {  	[smem:$0x3F9A] =	sst s1;
	(tag) =	ssettag s2;
	_ =	strace s9  }
0x27: {  	s1 =	sld [smem:$0x3FAA]  }
0x28: {  	s2 =	sld [smem:$0x3FAB]  }
0x29: {  	s4 =	sld [smem:$0x3FAD]  }
0x2a: {  	p0 =	seq.s32 s5, $0x0;
	s5 =	sld [smem:$0x3FAE]  }
0x2b: {  	s6 =	sld [smem:$0x3FAF]  }
0x2c: {  	s7 =	sld [smem:$0x3FB0]  }
0x2d: {  	s3 =	simm.s32 $0x108;
	s8 =	sld [smem:$0x3FB1]  }
0x2e: {  	s3 =	simm.s32 @!p0 $0x1082;
	s9 =	sld [smem:$0x3FB2]  }
0x2f: {  	lr =	sadd.s32 s0, s3;
	s0 =	sld [smem:$0x3FA9]  }
0x30: {  	s3 =	sld [smem:$0x3FAC]  }
0x31: {  	[smem:$0x3FB5] =	sst s10  }
0x32: {  	s10 =	sld [smem:$0x3FB3];
	_ =	sdelay $0x3  }
0x33: {  	p0 =	seq.s32 s10, $0x1;
	s10 =	sld [smem:$0x3FB5];
	_ =	sdelay $0x3  }
0x34: {  	[smem:$0x3FB5] =	sst s10  }
0x35: {  	s10 =	sld [smem:$0x3FB4];
	_ =	sdelay $0x3  }
0x36: {  	p1 =	seq.s32 s10, $0x1;
	s10 =	sld [smem:$0x3FB5];
	_ =	sdelay $0x3  }
0x37: {  	[smem:$0x3FB5] =	sst s10  }
0x38: {  	s10 =	sld [smem:$0x3FB6]  }
0x39: {  	_ = 	snop;
	(pc) =	sbr.ind lr, $3  }
0x3a: {  	_ = 	snop  }
0x3b: {  	_ = 	snop  }
0x3c: {  	p2 =	seq.s32 s10, $0x1;
	s10 =	sld [smem:$0x3FB5]  }
0x3d: {  	_ =	shalt  }
0x3e: {  	_ =	shalt  }
0x3f: {  	_ =	shalt  }
0x40: {  	_ =	shalt  }
0x41: {  	_ =	shalt  }
0x42: {  	_ =	shalt  }
0x43: {  	_ =	shalt  }
0x44: {  	_ =	shalt  }
0x45: {  	_ =	shalt  }
0x46: {  	_ =	shalt  }
0x47: {  	_ =	shalt  }
0x48: {  	_ =	shalt  }
0x49: {  	_ =	shalt  }
0x4a: {  	_ =	shalt  }
0x4b: {  	_ =	shalt  }
0x4c: {  	_ =	shalt  }
0x4d: {  	_ =	shalt  }
0x4e: {  	_ =	shalt  }
0x4f: {  	_ =	shalt  }
0x50: {  	_ =	shalt  }
0x51: {  	_ =	shalt  }
0x52: {  	_ =	shalt  }
0x53: {  	_ =	shalt  }
0x54: {  	_ =	shalt  }
0x55: {  	_ =	shalt  }
0x56: {  	_ =	shalt  }
0x57: {  	_ =	shalt  }
0x58: {  	_ =	shalt  }
0x59: {  	_ =	shalt  }
0x5a: {  	_ =	shalt  }
0x5b: {  	_ =	shalt  }
0x5c: {  	_ =	shalt  }
0x5d: {  	_ =	shalt  }
0x5e: {  	_ =	shalt  }
0x5f: {  	_ =	shalt  }
0x60: {  	_ =	shalt  }
0x61: {  	_ =	shalt  }
0x62: {  	_ =	shalt  }
0x63: {  	_ =	shalt  }
0x64: {  	_ =	shalt  }
0x65: {  	_ =	shalt  }
0x66: {  	_ =	shalt  }
0x67: {  	_ =	shalt  }
0x68: {  	_ =	shalt  }
0x69: {  	_ =	shalt  }
0x6a: {  	_ =	shalt  }
0x6b: {  	_ =	shalt  }
0x6c: {  	_ =	shalt  }
0x6d: {  	_ =	shalt  }
0x6e: {  	_ =	shalt  }
0x6f: {  	_ =	shalt  }
0x70: {  	_ =	shalt  }
0x71: {  	_ =	shalt  }
0x72: {  	_ =	shalt  }
0x73: {  	_ =	shalt  }
0x74: {  	_ =	shalt  }
0x75: {  	_ =	shalt  }
0x76: {  	_ =	shalt  }
0x77: {  	_ =	shalt  }
0x78: {  	_ =	shalt  }
0x79: {  	_ =	shalt  }
0x7a: {  	_ =	shalt  }
0x7b: {  	_ =	shalt  }
0x7c: {  	_ =	shalt  }
0x7d: {  	_ =	shalt  }
0x7e: {  	_ =	shalt  }
0x7f: {  	_ =	shalt  }
0x80: {  	_ =	shalt  }
0x81: {  	_ =	shalt  }
0x82: {  	_ =	shalt  }
0x83: {  	_ =	shalt  }
0x84: {  	_ =	shalt  }
0x85: {  	_ =	shalt  }
0x86: {  	_ =	shalt  }
0x87: {  	_ =	shalt  }
.Lfunc_end0:
.L_simem_size_0:
called_computation_lowered:
.L_overlay_start_0:
0x88: {  	s2 =	sld [smem:$0x3FD9]  }
0x89: {  	s3 =	sld [smem:$0x3FFE];
	_ =	sdelay $0x1  }
0x8a: {  	s1 =	srdreg.scid  }
0x8b: {  	s0 =	sand.u32 $0x1, s1  }
0x8c: {  	s16 =	sshll.u32 s0, $0xA;
	s2 =	sadd.s32 s3, s2  }
0x8d: {  	s2 =	sadd.s32 s2, s16  }
0x8e: {  	[smem:$0x3FC1] =	sst s2  }
0x8f: {  	_ = 	snop  }
0x90: {  	(tm) =	ssettm $0x1  }
0x91: {  	s17 =	sld [smem:$0x3FFB];
	_ =	sdelay $0x3  }
0x92: {  	_ =	strace s17  }
0x93: {  	s2 =	sld [smem:$0x3FFC];
	_ =	sdelay $0x3  }
0x94: {  	_ =	strace s2  }
0x95: {  	s2 =	sld [smem:$0x3FFD];
	_ =	sdelay $0x3  }
0x96: {  	_ =	strace s2  }
0x97: {  	_ =	strace $0x8FFFFFFF  }
0x98: {  	s18 =	sld [smem:$0x3FDB];
	_ =	sdelay $0x1  }
0x99: {  	s19 =	simm.s32 $_scs_section_size  }
0x9a: {  	s4 =	simm.s32 $_size__tile_overlayer_lowered;
	s5 =	simm.s32 $_tile_overlayer_lowered  }
0x9b: {  	s22 =	simm.s32 $0x1BFF;
	s21 =	sshll.u32 s5, $0x1;
	s2 =	sadd.s32 s19, s18  }
0x9c: {  	s6 =	simm.s32 $0x0;
	s20 =	sshll.u32 s4, $0x1;
	s4 =	sadd.s32 s21, s2  }
0x9d: {  	[timem:s6], [sflag:s22] =	dma.local [hbm:s4], s20  }
0x9e: {  	_ =	swait.ge [sflag:s22], s20  }
0x9f: {  	s3 =	ssub.s32 $0x0, s20;
	[sflag:s22] =	ssyncset.done $0x0  }
0xa0: {  	[sflag:s22] =	ssyncadd.s32 s3;
	_ =	sdelay $0x1  }
0xa1: {  	s23 =	simm.s32 $0x1B8B  }
0xa2: {  	_ =	swait.ge [sflag:s23], $0x1  }
0xa3: {  	[sflag:s23] =	ssyncset.done $0x0  }
0xa4: {  	s25 =	simm.s32 $0x1B8E;
	s24 =	sld [smem:$0x3FFE];
	[sflag:s23] =	ssyncadd.s32 $0xFFFFFFFF  }
0xa5: {  	s26 =	simm.s32 $execute0_lowered;
	[smem:$0x3FD2] =	sst s25  }
0xa6: {  	s4 =	sshll.u32 s26, $0x1;
	_ =	strace $0x80000046;
	[dreg:$0x1] =	wrdreg $0xFFFFFFFF  }
0xa7: {  	s28 =	simm.s32 $_size_execute0_lowered;
	s2 =	sadd.s32 s2, s4;
	[dreg:$0x0] =	wrdreg $0x0  }
0xa8: {  	s4 =	sshll.u32 s28, $0x1;
	[dreg:$0x2] =	wrdreg s2  }
0xa9: {  	[dreg:$0x3] =	wrdreg s4  }
0xaa: {  	[dreg:$0x4] =	wrdreg $0xC0  }
0xab: {  	_ =	task [dreg:s6], $0x5FFFF  }
0xac: {  	[dreg:$0x1] =	wrdreg $0xFFFFFFFF  }
0xad: {  	[dreg:$0x0] =	wrdreg $0x60  }
0xae: {  	[dreg:$0x2] =	wrdreg s24  }
0xaf: {  	[dreg:$0x3] =	wrdreg $0x9  }
0xb0: {  	_ =	task.clear_ibuf [dreg:s6], $0x4FFFF;
	_ =	strace $0x90000046  }
0xb1: {  	s29 =	simm.s32 $0x9;
	_ =	strace $0x80000048  }
0xb2: {  	_ =	swait.ge [sflag:s29], $0x1  }
0xb3: {  	[sflag:s29] =	ssyncadd.s32 $0xFFFFFFFF  }
0xb4: {  	_ =	strace $0x90000048  }
0xb5: {  	_ =	sfence  }
0xb6: {  	s30 =	sld [smem:$0x0];
	_ =	sdelay $0x2  }
0xb7: {  	s31 =	sshll.u32 s1, $0xD;
	s1 =	sshrl.u32 s1, $0x2  }
0xb8: {  	s3 =	sand.u32 $0x4000, s31;
	s1 =	sadd.s32 s1, s30  }
0xb9: {  	s0 =	sor.u32 s3, s0;
	s1 =	sshll.u32 s1, $0x11  }
0xba: {  	s0 =	sor.u32 s1, s0  }
0xbb: {  	s0 =	sadd.s32 $0x8F2B, s0  }
0xbc: {  	[sflag:s0] =	ssyncadd.remote.s32 $0x1  }
0xbd: {  	_ =	sfence.sel $0xFFFF  }
0xbe: {  	[dreg:$0x0] =	wrdreg $0xFFFFFFFF;
	(pc) =	sbr.abs _section_cstart, $3  }
0xbf: {  	[dreg:$0x1] =	wrdreg $0xFFFFFFFF  }
0xc0: {  	_ =	task.clear_ibuf [dreg:s6], $0x2FFFF;
	_ =	strace $0x9FFFFFFF  }
0xc1: {  	(tm) =	ssettm $0x7FFFFFFF  }
tec
execute0_lowered:
.L_overlay_start_1:
0x0: {  	(tag) =	ssettag $0x1  }
0x1: {  	s0 =	rddreg [dreg:$0x0];
	s1 =	srdreg.scid  }
0x2: {  	s7 =	stileid.u32;
	s2 =	sadd.s32 $0x491400, s0;
	s3 =	sadd.s32 $0x4B1400, s0  }
0x3: {  	s1 =	sand.u32 $0x1, s1;
	s4 =	sadd.s32 $0x471400, s0;
	s7 =	sshll.u32 s7, $0x1  }
0x4: {  	s6 =	sadd.s32 $0x401400, s0;
	s5 =	ssub.s32 $0x2, s1;
	s1 =	sor.u32 s1, s7  }
0x5: {  	s9 =	sadd.s32 $0x439400, s0;
	s13 =	sshll.u32 s1, $0xC  }
0x6: {  	s8 =	sshrl.u32 s5, $0x1;
	s7 =	sshll.u32 s1, $0xD;
	s11 =	sadd.s32 s2, s13  }
0x7: {  	s10 =	smul.u32 $0x1C00, s1;
	s14 =	sadd.s32 s3, s13;
	[dreg:$0x2] =	wrdreg s11  }
0x8: {  	s5 =	ssub.s32 s5, s8;
	s8 =	sadd.s32 s4, s13;
	[dreg:$0x3] =	wrdreg s14  }
0x9: {  	s11 =	sor.u32 $0x800, s7;
	[dreg:$0x4] =	wrdreg s8;
	s15 =	sadd.s32 s6, s10  }
0xa: {  	s10 =	sadd.s32 s9, s10;
	[dreg:$0x5] =	wrdreg s15;
	s16 =	sshrl.u32 s11, $0x1  }
0xb: {  	s26 =	smul.u32 $0xA, s1;
	[dreg:$0x6] =	wrdreg s10;
	s17 =	sadd.s32 s2, s16  }
0xc: {  	s1 =	sshll.u32 s1, $0xA;
	s12 =	sadd.s32 s3, s16;
	[dreg:$0x7] =	wrdreg s17  }
0xd: {  	s18 =	smul.u32 $0x7, s11;
	s8 =	sadd.s32 s4, s16;
	[dreg:$0x8] =	wrdreg s12  }
0xe: {  	s11 =	sshrl.u32 s11, $0x3;
	[dreg:$0x9] =	wrdreg s8;
	s8 =	sor.u32 $0x1000, s7  }
0xf: {  	s10 =	sshrl.u32 s18, $0x3;
	s7 =	sor.u32 $0x1800, s7;
	s22 =	smul.u32 $0x7, s8  }
0x10: {  	s19 =	sshrl.u32 s8, $0x1;
	s21 =	sshrl.u32 s7, $0x1;
	s24 =	smul.u32 $0x7, s7  }
0x11: {  	s15 =	sadd.s32 s6, s10;
	s16 =	sadd.s32 s9, s10;
	s13 =	sadd.s32 s2, s19  }
0x12: {  	s10 =	sadd.s32 $0x9400, s0;
	s20 =	sadd.s32 s3, s19;
	[dreg:$0xa] =	wrdreg s13  }
0x13: {  	s12 =	sadd.s32 s4, s19;
	s2 =	sadd.s32 s2, s21;
	[dreg:$0xb] =	wrdreg s20  }
0x14: {  	s23 =	sadd.s32 s3, s21;
	s14 =	sadd.s32 s4, s21;
	[dreg:$0xc] =	wrdreg s12  }
0x15: {  	s3 =	simm.s32 $0x4000;
	s4 =	simm.s32 $0x6000;
	[dreg:$0xd] =	wrdreg s2  }
0x16: {  	[dreg:$0xe] =	wrdreg s23;
	s25 =	sshrl.u32 s22, $0x3;
	s2 =	sshrl.u32 s24, $0x3  }
0x17: {  	s20 =	simm.s32 $0x0;
	s22 =	sadd.s32 s10, s1;
	s24 =	sadd.s32 s10, s11  }
0x18: {  	s12 =	sshrl.u32 s8, $0x3;
	s13 =	sshrl.u32 s7, $0x3;
	s7 =	simm.s32 $0xD800  }
0x19: {  	s8 =	simm.s32 $0x0;
	s17 =	sadd.s32 s6, s25;
	s18 =	sadd.s32 s9, s25  }
0x1a: {  	v2 =	vlaneseq.u32;
	s19 =	sadd.s32 s6, s2;
	s21 =	sadd.s32 s9, s2;
	[smem:$0x7FF] =	sst s20  }
0x1b: {  	v0 =	vmul.u32 $0x4, v2;
	s9 =	sadd.s32 s26, s0;
	s0 =	sadd.s32 $0x1400, s0;
	s26 =	sadd.s32 s10, s12  }
0x1c: {  	v1 =	vimm.f32 $0.0e+00;
	v2 =	vmul.u32 $0x7, v2;
	s30 =	sadd.s32 s10, s13;
	s2 =	simm.s32 $0x2000;
	s6 =	simm.s32 $0xD000  }
0x1d: {  	v3 =	vor.u32 $0x1, v0;
	v4 =	vor.u32 $0x2, v0;
	v5 =	vor.u32 $0x3, v0;
	s23 =	sadd.s32 s0, s1;
	s25 =	sadd.s32 s0, s11;
	s29 =	sadd.s32 s0, s12  }
0x1e: {  	v6 =	vadd.s32 $0x1, v2;
	v7 =	vadd.s32 $0x2, v2;
	v8 =	vadd.s32 $0x3, v2;
	s31 =	sadd.s32 s0, s13;
	_ =	strace $0x80000047;
	s28 =	sadd.s32 $0x11400, s9  }
0x1f: {  	v9 =	vadd.s32 $0x4, v2;
	v10 =	vadd.s32 $0x5, v2;
	v11 =	vadd.s32 $0x6, v2;
	s0 =	smax.u32 s5, $0x1;
	s1 =	simm.s32 $0x1;
	s5 =	simm.s32 $0x9800  }
.LBB2_1:
0x20: {  	s9 =	rddreg [dreg:$0x2]  }
0x21: {  	[tilespmem:s20], [sflag:$0x1] =	stream.linear.gather [hbm4b:s9+s20], $0x2000, $0x38;
	[tilespmem:$0xE080] =	vst v63  }
0x22: {  	_ =	swait.ge [sflag:s1], $0x2000  }
0x23: {  	[sflag:s1] =	ssyncset.done $0x0  }
0x24: {  	s10 =	rddreg [dreg:$0x3];
	[sflag:s1] =	ssyncadd.s32 $0xFFFFE000  }
0x25: {  	[tilespmem:s2], [sflag:$0x1] =	stream.linear.gather [hbm4b:s10+s20], $0x2000, $0x38;
	[tilespmem:$0xE080] =	vst v63  }
0x26: {  	_ =	swait.ge [sflag:s1], $0x2000  }
0x27: {  	[sflag:s1] =	ssyncset.done $0x0  }
0x28: {  	s11 =	rddreg [dreg:$0x4];
	[sflag:s1] =	ssyncadd.s32 $0xFFFFE000  }
0x29: {  	[tilespmem:s3], [sflag:$0x1] =	stream.linear.gather [hbm4b:s11+s20], $0x2000, $0x38;
	[tilespmem:$0xE080] =	vst v63  }
0x2a: {  	_ =	swait.ge [sflag:s1], $0x2000  }
0x2b: {  	[sflag:s1] =	ssyncset.done $0x0  }
0x2c: {  	s12 =	rddreg [dreg:$0x5];
	[sflag:s1] =	ssyncadd.s32 $0xFFFFE000  }
0x2d: {  	[tilespmem:s4], [sflag:$0x1] =	stream.linear.gather [hbm4b:s12+s20], $0x3800, $0x38;
	[tilespmem:$0xE080] =	vst v63  }
0x2e: {  	_ =	swait.ge [sflag:s1], $0x3800  }
0x2f: {  	[sflag:s1] =	ssyncset.done $0x0  }
0x30: {  	s13 =	rddreg [dreg:$0x6];
	[sflag:s1] =	ssyncadd.s32 $0xFFFFC800  }
0x31: {  	[tilespmem:s5], [sflag:$0x1] =	stream.linear.gather [hbm4b:s13+s20], $0x3800, $0x38;
	[tilespmem:$0xE080] =	vst v63  }
0x32: {  	_ =	swait.ge [sflag:s1], $0x3800  }
0x33: {  	[sflag:s1] =	ssyncset.done $0x0  }
0x34: {  	[sflag:s1] =	ssyncadd.s32 $0xFFFFC800  }
0x35: {  	[tilespmem:s6], [sflag:$0x1] =	stream.linear.gather [hbm4b:s22+s20], $0x800, $0x38;
	[tilespmem:$0xE080] =	vst v63  }
0x36: {  	_ =	swait.ge [sflag:s1], $0x800  }
0x37: {  	[sflag:s1] =	ssyncset.done $0x0  }
0x38: {  	[sflag:s1] =	ssyncadd.s32 $0xFFFFF800  }
0x39: {  	v13 =	vor.u32 s20, v5;
	[tilespmem:s7], [sflag:$0x1] =	stream.linear.gather [hbm4b:s23+s20], $0x800, $0x38;
	[tilespmem:$0xE080] =	vst v63  }
0x3a: {  	_ =	swait.ge [sflag:s1], $0x800  }
0x3b: {  	v14 =	vor.u32 s20, v4;
	[sflag:s1] =	ssyncset.done $0x0  }
0x3c: {  	s9 =	simm.s32 $0x0;
	[sflag:s1] =	ssyncadd.s32 $0xFFFFF800  }
0x3d: {  	v15 =	vor.u32 s20, v3;
	v12 =	vld [tilespmem:s9+$0xD000]  }
0x3e: {  	v16 =	vld.idx.msk [tilespmem:v13+s2+$0x0], $0xffff  }
0x3f: {  	v17 =	vor.u32 s20, v0;
	v13 =	vld.idx.msk [tilespmem:v13+s3+$0x0], $0xffff  }
0x40: {  	v24 =	vadd.s32 s20, v9;
	v19 =	vld.idx.msk [tilespmem:v14+s2+$0x0], $0xffff  }
0x41: {  	v14 =	vld.idx.msk [tilespmem:v14+s3+$0x0], $0xffff  }
0x42: {  	v27 =	vadd.s32 s20, v2;
	v21 =	vld.idx.msk [tilespmem:v15+s2+$0x0], $0xffff  }
0x43: {  	v15 =	vld.idx.msk [tilespmem:v15+s3+$0x0], $0xffff;
	v18 =	vadd.s32 v17, v12  }
0x44: {  	v23 =	vld.idx.msk [tilespmem:v17+s2+$0x0], $0xffff  }
0x45: {  	v32 =	vld.idx.msk [tilespmem:v24+s4+$0x0], $0xffff  }
0x46: {  	v24 =	vld.idx.msk [tilespmem:v24+s5+$0x0], $0xffff  }
0x47: {  	v22 =	vadd.s32 s20, v10;
	v60 =	vld.idx.msk [tilespmem:v27+s4+$0x0], $0xffff  }
0x48: {  	v20 =	vadd.s32 s20, v11;
	v18 =	vld.idx.msk [tilespmem:v18+s20+$0x0], $0xffff  }
0x49: {  	v26 =	vadd.s32 s20, v8;
	s11 =	simm.s32 $0x40;
	v17 =	vld.idx.msk [tilespmem:v17+s3+$0x0], $0xffff;
	v13 =	vsub.f32 v16, v13;
	v14 =	vsub.f32 v19, v14  }
0x4a: {  	v25 =	vadd.s32 s20, v7;
	v40 =	vld.idx.msk [tilespmem:v27+s5+$0x0], $0xffff;
	v27 =	vor.u32 s11, v5;
	v15 =	vsub.f32 v21, v15  }
0x4b: {  	v19 =	vadd.s32 s20, v6;
	v21 =	vand.u32 $0x7FFFFFFF, v13;
	v30 =	vand.u32 $0x7FFFFFFF, v14  }
0x4c: {  	v28 =	vld.idx.msk [tilespmem:v22+s4+$0x0], $0xffff;
	v31 =	vmul.f32 $5.000000000e-01, v13;
	v34 =	vand.u32 $0x7FFFFFFF, v15;
	v35 =	vmul.f32 $5.000000000e-01, v15  }
0x4d: {  	v22 =	vld.idx.msk [tilespmem:v22+s5+$0x0], $0xffff;
	vm1 =	vlt.f32 v34, $1.000000000e+00;
	v59 =	vadd.f32 $-5.000000000e-01, v30;
	v29 =	vmax.f32 v18, $1.000000000e-30  }
0x4e: {  	v36 =	vld.idx.msk [tilespmem:v26+s4+$0x0], $0xffff;
	v15 =	vmul.f32 v35, v15;
	v17 =	vsub.f32 v23, v17;
	v18 =	vadd.s32 $0xC0CAFB0D, v29  }
0x4f: {  	v16 =	vld.idx.msk [tilespmem:v20+s4+$0x0], $0xffff;
	v13 =	vmul.f32 v31, v13;
	v31 =	vsub.f32 v32, v24;
	v33 =	vand.u32 $0xFF800000, v18  }
0x50: {  	v20 =	vld.idx.msk [tilespmem:v20+s5+$0x0], $0xffff;
	v23 =	vmul.f32 $5.000000000e-01, v14;
	v37 =	vmul.f32 $5.000000000e-01, v17;
	v29 =	vsub.s32 v29, v33  }
0x51: {  	v38 =	vld.idx.msk [tilespmem:v26+s5+$0x0], $0xffff;
	v35 =	vmul.f32 $5.000000000e-01, v31;
	v56 =	vand.u32 $0x7FFFFFFF, v17;
	v39 =	vadd.f32 $-1.000000000e+00, v29  }
0x52: {  	v57 =	vld.idx.msk [tilespmem:v25+s4+$0x0], $0xffff;
	v14 =	vmul.f32 v23, v14;
	v26 =	vadd.f32 $-5.000000000e-01, v56;
	v17 =	vmul.f32 v37, v17  }
0x53: {  	v58 =	vld.idx.msk [tilespmem:v25+s5+$0x0], $0xffff;
	v23 =	vadd.f32 $-5.000000000e-01, v21;
	vm0 =	vlt.f32 v56, $1.000000000e+00;
	v25 =	vadd.f32 $2.000000000e+00, v39  }
0x54: {  	s10 =	simm.s32 $0x70;
	v17 =	vsel vm0, v17, v26;
	vm0 =	vlt.f32 v30, $1.000000000e+00;
	v29 =	vadd.f32 $-5.000000000e-01, v34  }
0x55: {  	v26 =	vsub.f32 v16, v20;
	v20 =	vadd.s32 s10, v10;
	(erf) = vrcp.f32 v25  }
0x56: {  	v14 =	vsel vm0, v14, v59;
	vm0 =	vlt.f32 v21, $1.000000000e+00;
	v15 =	vsel vm1, v15, v29  }
0x57: {  	v30 =	vld.idx.msk [tilespmem:v19+s5+$0x0], $0xffff;
	v21 =	vadd.s32 s10, v11;
	v29 =	vsub.f32 v28, v22;
	v15 =	vadd.f32 v15, v17  }
0x58: {  	v13 =	vsel vm0, v13, v23;
	v23 =	vor.u32 s11, v3;
	v24 =	vand.u32 $0x7FFFFFFF, v26;
	v17 =	vld.idx.msk [tilespmem:v19+s4+$0x0], $0xffff  }
0x59: {  	v25 =	vor.u32 s11, v4;
	v22 =	vand.u32 $0x7FFFFFFF, v29;
	v14 =	vadd.f32 v14, v15  }
0x5a: {  	v33 =	vmul.f32 $5.000000000e-01, v29;
	v15 =	vsub.f32 v57, v58;
	v37 =	vadd.f32 $-5.000000000e-01, v22  }
0x5b: {  	vm1 =	vlt.f32 v22, $1.000000000e+00;
	v19 =	vadd.f32 v13, v14;
	v13 =	vsub.f32 v36, v38  }
0x5c: {  	v14 =	vsub.f32 v60, v40;
	v61 =	vand.u32 $0x7FFFFFFF, v15;
	v62 =	vmul.f32 $5.000000000e-01, v15  }
0x5d: {  	v16 =	vsub.f32 v17, v30;
	v30 =	vmul.f32 $5.000000000e-01, v26;
	v17 =	vand.u32 $0x7FFFFFFF, v31  }
0x5e: {  	v47 =	vadd.f32 $-5.000000000e-01, v61;
	v38 =	vand.u32 $0x7FFFFFFF, v13;
	v41 =	vmul.f32 $5.000000000e-01, v13;
	v28 =	vpop (erf)  }
0x5f: {  	v42 =	vand.u32 $0x7FFFFFFF, v14;
	v43 =	vmul.f32 $5.000000000e-01, v14;
	v34 =	vmul.f32 v28, v39  }
0x60: {  	vm0 =	vlt.f32 v17, $1.000000000e+00;
	v36 =	vadd.f32 $-5.000000000e-01, v17;
	v15 =	vmul.f32 v62, v15  }
0x61: {  	v44 =	vand.u32 $0x7FFFFFFF, v16;
	v45 =	vmul.f32 $5.000000000e-01, v16;
	v32 =	vmul.f32 v34, v34  }
0x62: {  	v17 =	vadd.f32 $-5.000000000e-01, v42;
	vm2 =	vlt.f32 v42, $1.000000000e+00;
	v22 =	vadd.f32 $-5.000000000e-01, v44  }
0x63: {  	v14 =	vmul.f32 v43, v14;
	vm3 =	vlt.f32 v44, $1.000000000e+00;
	v46 =	vmul.f32 $1.111111120e-01, v32  }
0x64: {  	v41 =	vmul.f32 v41, v13;
	v13 =	vimm.f32 $0.0e+00;
	v16 =	vmul.f32 v45, v16  }
0x65: {  	v14 =	vsel vm2, v14, v17;
	vm2 =	vlt.f32 v38, $1.000000000e+00;
	v46 =	vadd.f32 $1.428571490e-01, v46  }
0x66: {  	v38 =	vadd.f32 $-5.000000000e-01, v38;
	v17 =	vimm.f32 $0.0e+00;
	v28 =	vadd.f32 $-5.000000000e-01, v24  }
0x67: {  	v16 =	vsel vm3, v16, v22;
	vm3 =	vlt.f32 v61, $1.000000000e+00;
	v63 =	vmul.f32 v46, v32  }
0x68: {  	v39 =	vadd.f32 v16, v14;
	v42 =	vsel vm3, v15, v47;
	v15 =	vimm.f32 $0.0e+00  }
0x69: {  	s12 =	simm.s32 $0x80;
	s13 =	simm.s32 $0x10;
	v16 =	vimm.f32 $0.0e+00;
	v14 =	vimm.f32 $0.0e+00;
	v40 =	vadd.f32 $2.000000030e-01, v63  }
.LBB2_2:
0x6a: {  	p0 =	sne.s32 s12, $0x1FC0;
	v22 =	vld [tilespmem:s13+$0xD000];
	v39 =	vadd.f32 v42, v39;
	v31 =	vmul.f32 v35, v31;
	v29 =	vmul.f32 v33, v29  }
0x6b: {  	v34 =	vadd.f32 v34, v34;
	v33 =	vmul.f32 v40, v32;
	v35 =	vsel vm2, v41, v38  }
0x6c: {  	v26 =	vmul.f32 v30, v26;
	v38 =	vld.idx.msk [tilespmem:v27+s2+$0x0], $0xffff;
	v35 =	vadd.f32 v35, v39;
	v29 =	vsel vm1, v29, v37  }
0x6d: {  	v32 =	vmul.f32 v32, v34;
	v31 =	vsel vm0, v31, v36;
	v27 =	vld.idx.msk [tilespmem:v27+s3+$0x0], $0xffff;
	v30 =	vadd.f32 $3.333333430e-01, v33  }
0x6e: {  	v18 =	vshra.s32 v18, $0x17;
	v33 =	vor.u32 s11, v0;
	s11 =	smov.u32 s12;
	v36 =	vld [tilespmem:s9+$0xD800];
	v31 =	vadd.f32 v31, v35;
	s9 =	smov.u32 s13  }
0x6f: {  	v18 =	vcvt.s32.f32 v18;
	v35 =	vadd.s32 v33, v22;
	v37 =	vld.idx.msk [tilespmem:v25+s2+$0x0], $0xffff;
	v30 =	vmul.f32 v30, v32  }
0x70: {  	vm0 =	vlt.f32 v24, $1.000000000e+00;
	v32 =	vadd.s32 s10, v9;
	v25 =	vld.idx.msk [tilespmem:v25+s3+$0x0], $0xffff;
	v29 =	vadd.f32 v29, v31  }
0x71: {  	v18 =	vmul.f32 $6.931471820e-01, v18;
	v26 =	vsel vm0, v26, v28;
	v24 =	vld.idx.msk [tilespmem:v23+s2+$0x0], $0xffff;
	v30 =	vadd.f32 v30, v34  }
0x72: {  	v28 =	vadd.s32 s10, v7;
	v31 =	vadd.s32 s10, v8;
	v23 =	vld.idx.msk [tilespmem:v23+s3+$0x0], $0xffff;
	v26 =	vadd.f32 v26, v29  }
0x73: {  	vm0 =	vgt.s32 v12, $0x0;
	v12 =	vmovc v22;
	v29 =	vld.idx.msk [tilespmem:v33+s2+$0x0], $0xffff;
	vm1 =	vgt.s32 v36, $0x0;
	v18 =	vadd.f32 v30, v18  }
0x74: {  	v34 =	vsel vm0, $0x3F800000, v1;
	v30 =	vadd.s32 s10, v2;
	v22 =	vld.idx.msk [tilespmem:v35+s20+$0x0], $0xffff;
	v35 =	vsel vm1, $0x3F800000, v1  }
0x75: {  	v26 =	vmul.f32 v26, v34;
	v33 =	vld.idx.msk [tilespmem:v33+s3+$0x0], $0xffff;
	v18 =	vsub.f32 $0.0e+00, v18;
	v35 =	vadd.f32 v35, v34  }
0x76: {  	v27 =	vsub.f32 v38, v27;
	v15 =	vadd.f32 v34, v15;
	v19 =	vmul.f32 v19, v34;
	v36 =	vld.idx.msk [tilespmem:v21+s4+$0x0], $0xffff  }
0x77: {  	v17 =	vadd.f32 v26, v17;
	v21 =	vld.idx.msk [tilespmem:v21+s5+$0x0], $0xffff;
	v18 =	vmul.f32 v18, v35;
	v16 =	vadd.f32 v35, v16  }
0x78: {  	v14 =	vadd.f32 v19, v14;
	v25 =	vsub.f32 v37, v25;
	v26 =	vadd.s32 s10, v6;
	v34 =	vld.idx.msk [tilespmem:v20+s4+$0x0], $0xffff  }
0x79: {  	v19 =	vsub.f32 v24, v23;
	v23 =	vand.u32 $0x7FFFFFFF, v27;
	v20 =	vld.idx.msk [tilespmem:v20+s5+$0x0], $0xffff;
	v13 =	vadd.f32 v18, v13  }
0x7a: {  	v24 =	vand.u32 $0x7FFFFFFF, v25;
	v35 =	vmul.f32 $5.000000000e-01, v27;
	v22 =	vmax.f32 v22, $1.000000000e-30;
	v37 =	vld.idx.msk [tilespmem:v32+s4+$0x0], $0xffff  }
0x7b: {  	v18 =	vadd.s32 $0xC0CAFB0D, v22;
	v29 =	vsub.f32 v29, v33;
	v33 =	vmul.f32 $5.000000000e-01, v25;
	v32 =	vld.idx.msk [tilespmem:v32+s5+$0x0], $0xffff  }
0x7c: {  	v39 =	vand.u32 $0x7FFFFFFF, v19;
	v40 =	vmul.f32 $5.000000000e-01, v19;
	v38 =	vand.u32 $0xFF800000, v18;
	v41 =	vld.idx.msk [tilespmem:v31+s4+$0x0], $0xffff  }
0x7d: {  	v22 =	vsub.s32 v22, v38;
	v38 =	vand.u32 $0x7FFFFFFF, v29;
	v42 =	vmul.f32 $5.000000000e-01, v29;
	v31 =	vld.idx.msk [tilespmem:v31+s5+$0x0], $0xffff  }
0x7e: {  	v22 =	vadd.f32 $-1.000000000e+00, v22;
	vm0 =	vlt.f32 v38, $1.000000000e+00;
	v38 =	vadd.f32 $-5.000000000e-01, v38;
	v43 =	vld.idx.msk [tilespmem:v28+s4+$0x0], $0xffff  }
0x7f: {  	v19 =	vmul.f32 v40, v19;
	v40 =	vadd.f32 $-5.000000000e-01, v39;
	v29 =	vmul.f32 v42, v29;
	v28 =	vld.idx.msk [tilespmem:v28+s5+$0x0], $0xffff  }
0x80: {  	vm1 =	vlt.f32 v39, $1.000000000e+00;
	v39 =	vadd.f32 $-5.000000000e-01, v24;
	v42 =	vadd.f32 $2.000000000e+00, v22;
	v44 =	vld.idx.msk [tilespmem:v30+s4+$0x0], $0xffff  }
0x81: {  	v25 =	vmul.f32 v33, v25;
	v19 =	vsel vm1, v19, v40;
	v29 =	vsel vm0, v29, v38;
	v30 =	vld.idx.msk [tilespmem:v30+s5+$0x0], $0xffff  }
0x82: {  	vm0 =	vlt.f32 v24, $1.000000000e+00;
	v19 =	vadd.f32 v19, v29;
	v24 =	vld.idx.msk [tilespmem:v26+s4+$0x0], $0xffff;
	(erf) = vrcp.f32 v42  }
0x83: {  	v33 =	vadd.f32 $-5.000000000e-01, v23;
	v25 =	vsel vm0, v25, v39;
	v29 =	vmul.f32 v35, v27;
	v35 =	vld.idx.msk [tilespmem:v26+s5+$0x0], $0xffff  }
0x84: {  	v27 =	vor.u32 s12, v5;
	vm0 =	vlt.f32 v23, $1.000000000e+00;
	v19 =	vadd.f32 v25, v19  }
0x85: {  	v25 =	vor.u32 s12, v4;
	v29 =	vsel vm0, v29, v33;
	v26 =	vsub.f32 v36, v21  }
0x86: {  	s10 =	sadd.s32 $0x70, s10;
	v23 =	vor.u32 s12, v3;
	v19 =	vadd.f32 v29, v19;
	v29 =	vsub.f32 v34, v20  }
0x87: {  	v41 =	vsub.f32 v41, v31;
	v31 =	vsub.f32 v37, v32;
	v21 =	vadd.s32 s10, v11  }
0x88: {  	v39 =	vsub.f32 v43, v28;
	v20 =	vadd.s32 s10, v10;
	v38 =	vsub.f32 v44, v30  }
0x89: {  	v30 =	vmul.f32 $5.000000000e-01, v26;
	v40 =	vsub.f32 v24, v35;
	v24 =	vand.u32 $0x7FFFFFFF, v26  }
0x8a: {  	v36 =	vand.u32 $0x7FFFFFFF, v31;
	v37 =	vand.u32 $0x7FFFFFFF, v29;
	v33 =	vmul.f32 $5.000000000e-01, v29  }
0x8b: {  	v42 =	vand.u32 $0x7FFFFFFF, v41;
	v43 =	vmul.f32 $5.000000000e-01, v41;
	v35 =	vmul.f32 $5.000000000e-01, v31;
	v28 =	vpop (erf)  }
0x8c: {  	v44 =	vmul.f32 $5.000000000e-01, v39;
	v34 =	vmul.f32 v28, v22;
	v22 =	vand.u32 $0x7FFFFFFF, v39  }
0x8d: {  	v45 =	vand.u32 $0x7FFFFFFF, v38;
	v46 =	vmul.f32 $5.000000000e-01, v38;
	v47 =	vand.u32 $0x7FFFFFFF, v40  }
0x8e: {  	v48 =	vmul.f32 $5.000000000e-01, v40;
	v28 =	vadd.f32 $-5.000000000e-01, v24;
	v32 =	vmul.f32 v34, v34  }
0x8f: {  	vm0 =	vlt.f32 v36, $1.000000000e+00;
	vm1 =	vlt.f32 v37, $1.000000000e+00;
	v37 =	vadd.f32 $-5.000000000e-01, v37  }
0x90: {  	v36 =	vadd.f32 $-5.000000000e-01, v36;
	v50 =	vadd.f32 $-5.000000000e-01, v22;
	v49 =	vmul.f32 $1.111111120e-01, v32  }
0x91: {  	vm2 =	vlt.f32 v42, $1.000000000e+00;
	v51 =	vadd.f32 $-5.000000000e-01, v45;
	v52 =	vadd.f32 $-5.000000000e-01, v47  }
.Ltmp0:
0x92: {  	v38 =	vmul.f32 v46, v38;
	v40 =	vmul.f32 v48, v40;
	v49 =	vadd.f32 $1.428571490e-01, v49;
	(pc) =	sbr.rel @p0 .LBB2_2-.Ltmp0, $4  }
0x93: {  	v44 =	vmul.f32 v44, v39;
	vm3 =	vlt.f32 v45, $1.000000000e+00;
	vm4 =	vlt.f32 v47, $1.000000000e+00  }
0x94: {  	v38 =	vsel vm3, v38, v51;
	v39 =	vsel vm4, v40, v52;
	v45 =	vmul.f32 v49, v32  }
0x95: {  	vm3 =	vlt.f32 v22, $1.000000000e+00;
	v39 =	vadd.f32 v39, v38;
	v38 =	vadd.f32 $-5.000000000e-01, v42  }
0x96: {  	s13 =	sshra.s32 s11, $0x2;
	s12 =	sadd.s32 $0x40, s12;
	v41 =	vmul.f32 v43, v41;
	v42 =	vsel vm3, v44, v50;
	v40 =	vadd.f32 $2.000000030e-01, v45  }
0x97: {  	v22 =	vld [tilespmem:s13+$0xD000];
	_ =	sdelay $0x3  }
0x98: {  	v43 =	vor.u32 s11, v0  }
0x99: {  	v44 =	vadd.s32 v43, v22  }
0x9a: {  	v45 =	vld.idx.msk [tilespmem:v27+s2+$0x0], $0xffff  }
0x9b: {  	v27 =	vld.idx.msk [tilespmem:v27+s3+$0x0], $0xffff  }
0x9c: {  	v46 =	vld [tilespmem:s9+$0xD800]  }
0x9d: {  	v47 =	vld.idx.msk [tilespmem:v25+s2+$0x0], $0xffff  }
0x9e: {  	v44 =	vld.idx.msk [tilespmem:v44+s20+$0x0], $0xffff  }
0x9f: {  	v25 =	vld.idx.msk [tilespmem:v25+s3+$0x0], $0xffff;
	v39 =	vadd.f32 v42, v39;
	v31 =	vmul.f32 v35, v31;
	v29 =	vmul.f32 v33, v29  }
0xa0: {  	v60 =	vld.idx.msk [tilespmem:v23+s2+$0x0], $0xffff;
	v34 =	vadd.f32 v34, v34;
	v26 =	vmul.f32 v30, v26;
	v30 =	vadd.s32 s10, v9  }
0xa1: {  	v62 =	vld.idx.msk [tilespmem:v23+s3+$0x0], $0xffff;
	v52 =	vadd.s32 s10, v8;
	v18 =	vshra.s32 v18, $0x17;
	v38 =	vsel vm2, v41, v38  }
0xa2: {  	v42 =	vld.idx.msk [tilespmem:v21+s4+$0x0], $0xffff;
	v53 =	vadd.s32 s10, v7;
	v61 =	vmul.f32 v40, v32;
	v38 =	vadd.f32 v38, v39  }
0xa3: {  	v21 =	vld.idx.msk [tilespmem:v21+s5+$0x0], $0xffff;
	v18 =	vcvt.s32.f32 v18;
	v31 =	vsel vm0, v31, v36;
	v48 =	vmax.f32 v44, $1.000000000e-30  }
0xa4: {  	v29 =	vsel vm1, v29, v37;
	v31 =	vadd.f32 v31, v38;
	v38 =	vld.idx.msk [tilespmem:v20+s4+$0x0], $0xffff;
	v23 =	vadd.s32 $0xC0CAFB0D, v48  }
0xa5: {  	v50 =	vmul.f32 v32, v34;
	vm0 =	vlt.f32 v24, $1.000000000e+00;
	v20 =	vld.idx.msk [tilespmem:v20+s5+$0x0], $0xffff;
	v51 =	vand.u32 $0xFF800000, v23  }
0xa6: {  	v35 =	vadd.f32 $3.333333430e-01, v61;
	v26 =	vsel vm0, v26, v28;
	v63 =	vld.idx.msk [tilespmem:v43+s2+$0x0], $0xffff;
	v39 =	vsub.s32 v48, v51  }
0xa7: {  	v28 =	vadd.s32 s10, v2;
	v18 =	vmul.f32 $6.931471820e-01, v18;
	v49 =	vld.idx.msk [tilespmem:v43+s3+$0x0], $0xffff;
	v39 =	vadd.f32 $-1.000000000e+00, v39  }
0xa8: {  	v32 =	vmul.f32 v35, v50;
	v24 =	vld.idx.msk [tilespmem:v30+s4+$0x0], $0xffff;
	v27 =	vsub.f32 v45, v27;
	v57 =	vsub.f32 v60, v62  }
0xa9: {  	vm0 =	vgt.s32 v12, $0x0;
	v30 =	vld.idx.msk [tilespmem:v30+s5+$0x0], $0xffff;
	v29 =	vadd.f32 v29, v31;
	v31 =	vadd.f32 $2.000000000e+00, v39  }
0xaa: {  	vm1 =	vgt.s32 v46, $0x0;
	v36 =	vld.idx.msk [tilespmem:v53+s4+$0x0], $0xffff;
	v21 =	vsub.f32 v42, v21;
	v32 =	vadd.f32 v32, v34  }
0xab: {  	v54 =	vsel vm1, $0x3F800000, v1;
	v34 =	vld.idx.msk [tilespmem:v52+s5+$0x0], $0xffff;
	v59 =	vand.u32 $0x7FFFFFFF, v27;
	(erf) = vrcp.f32 v31  }
0xac: {  	v26 =	vadd.f32 v26, v29;
	v29 =	vld.idx.msk [tilespmem:v52+s4+$0x0], $0xffff;
	v52 =	vand.u32 $0x7FFFFFFF, v57;
	v12 =	vadd.f32 v32, v18  }
0xad: {  	v35 =	vld.idx.msk [tilespmem:v53+s5+$0x0], $0xffff;
	v18 =	vsel vm0, $0x3F800000, v1;
	v53 =	vadd.f32 $-5.000000000e-01, v52;
	v20 =	vsub.f32 v38, v20  }
0xae: {  	v32 =	vadd.f32 v54, v18;
	v26 =	vmul.f32 v26, v18;
	v31 =	vadd.s32 s10, v6  }
0xaf: {  	v15 =	vadd.f32 v18, v15;
	v18 =	vmul.f32 v19, v18;
	v19 =	vsub.f32 v47, v25  }
0xb0: {  	v56 =	vld.idx.msk [tilespmem:v28+s4+$0x0], $0xffff;
	vm1 =	vlt.f32 v52, $1.000000000e+00;
	v58 =	vsub.f32 v63, v49;
	v24 =	vsub.f32 v24, v30  }
0xb1: {  	v28 =	vld.idx.msk [tilespmem:v28+s5+$0x0], $0xffff;
	v30 =	vmul.f32 $5.000000000e-01, v21;
	v55 =	vsub.f32 $0.0e+00, v12;
	v12 =	vadd.f32 v32, v16  }
0xb2: {  	v16 =	vadd.f32 v26, v17;
	v14 =	vadd.f32 v18, v14;
	v60 =	vand.u32 $0x7FFFFFFF, v19;
	v17 =	vld [tilespmem:s13+$0xD800]  }
0xb3: {  	s11 =	rddreg [dreg:$0x7];
	v18 =	vmul.f32 $5.000000000e-01, v57;
	v41 =	vand.u32 $0x7FFFFFFF, v58;
	v61 =	vmul.f32 $5.000000000e-01, v58;
	s10 =	simm.s32 $0x0;
	v25 =	vld.idx.msk [tilespmem:v31+s4+$0x0], $0xffff  }
0xb4: {  	v63 =	vmul.f32 $5.000000000e-01, v19;
	v26 =	vmul.f32 v55, v32;
	vm0 =	vlt.f32 v41, $1.000000000e+00;
	v31 =	vld.idx.msk [tilespmem:v31+s5+$0x0], $0xffff;
	[tilespmem:s10], [sflag:$0x1] =	stream.linear.gather [hbm4b:s11+s10], $0x2000, $0x38;
	v62 =	vpop (erf)  }
0xb5: {  	v54 =	vadd.f32 $-5.000000000e-01, v60;
	v55 =	vadd.f32 $-5.000000000e-01, v59;
	v18 =	vmul.f32 v18, v57;
	_ =	swait.ge [sflag:s1], $0x2000  }
0xb6: {  	v33 =	vmul.f32 v61, v58;
	v23 =	vshra.s32 v23, $0x17;
	v48 =	vadd.f32 $-5.000000000e-01, v41;
	[sflag:s1] =	ssyncset.done $0x0  }
0xb7: {  	v19 =	vmul.f32 v63, v19;
	v32 =	vsel vm1, v18, v53;
	v23 =	vcvt.s32.f32 v23;
	s12 =	rddreg [dreg:$0x8];
	[sflag:s1] =	ssyncadd.s32 $0xFFFFE000  }
0xb8: {  	v18 =	vadd.f32 v26, v13;
	v26 =	vmul.f32 $5.000000000e-01, v27;
	v33 =	vsel vm0, v33, v48;
	[tilespmem:s2], [sflag:$0x1] =	stream.linear.gather [hbm4b:s12+s10], $0x2000, $0x38;
	[tilespmem:$0xE080] =	vst v63  }
0xb9: {  	vm0 =	vlt.f32 v60, $1.000000000e+00;
	v23 =	vmul.f32 $6.931471820e-01, v23;
	v13 =	vadd.f32 v32, v33;
	_ =	swait.ge [sflag:s1], $0x2000  }
0xba: {  	v19 =	vsel vm0, v19, v54;
	vm0 =	vlt.f32 v59, $1.000000000e+00;
	v33 =	vmul.f32 $5.000000000e-01, v20;
	[sflag:s1] =	ssyncset.done $0x0  }
0xbb: {  	v19 =	vadd.f32 v19, v13;
	v13 =	vmul.f32 v26, v27;
	v26 =	vsub.f32 v29, v34;
	s13 =	rddreg [dreg:$0x9];
	[sflag:s1] =	ssyncadd.s32 $0xFFFFE000  }
0xbc: {  	v27 =	vsub.f32 v56, v28;
	v29 =	vand.u32 $0x7FFFFFFF, v21;
	v56 =	vand.u32 $0x7FFFFFFF, v20;
	[tilespmem:s3], [sflag:$0x1] =	stream.linear.gather [hbm4b:s13+s10], $0x2000, $0x38;
	[tilespmem:$0xE080] =	vst v63  }
0xbd: {  	v52 =	vadd.f32 $-5.000000000e-01, v56;
	vm1 =	vlt.f32 v56, $1.000000000e+00;
	v28 =	vsel vm0, v13, v55;
	_ =	swait.ge [sflag:s1], $0x2000  }
0xbe: {  	v13 =	vsub.f32 v36, v35;
	v34 =	vmul.f32 $5.000000000e-01, v26;
	v37 =	vmul.f32 v62, v39;
	[sflag:s1] =	ssyncset.done $0x0  }
0xbf: {  	v35 =	vand.u32 $0x7FFFFFFF, v26;
	v36 =	vmul.f32 $5.000000000e-01, v24;
	v58 =	vand.u32 $0x7FFFFFFF, v27;
	[sflag:s1] =	ssyncadd.s32 $0xFFFFE000  }
0xc0: {  	v59 =	vmul.f32 $5.000000000e-01, v27;
	v55 =	vadd.f32 $-5.000000000e-01, v58;
	v61 =	vmul.f32 v37, v37;
	[tilespmem:s4], [sflag:$0x1] =	stream.linear.gather [hbm4b:s15+s10], $0x3800, $0x38;
	[tilespmem:$0xE080] =	vst v63  }
0xc1: {  	vm2 =	vlt.f32 v58, $1.000000000e+00;
	v58 =	vor.u32 s10, v5;
	v25 =	vsub.f32 v25, v31;
	_ =	swait.ge [sflag:s1], $0x3800  }
0xc2: {  	v38 =	vand.u32 $0x7FFFFFFF, v13;
	v57 =	vmul.f32 $5.000000000e-01, v13;
	v53 =	vmul.f32 $1.111111120e-01, v61;
	[sflag:s1] =	ssyncset.done $0x0  }
0xc3: {  	v27 =	vmul.f32 v59, v27;
	v60 =	vand.u32 $0x7FFFFFFF, v25;
	v62 =	vmul.f32 $5.000000000e-01, v25;
	[sflag:s1] =	ssyncadd.s32 $0xFFFFC800  }
0xc4: {  	v26 =	vmul.f32 v34, v26;
	v54 =	vadd.f32 $-5.000000000e-01, v38;
	v47 =	vadd.f32 $1.428571490e-01, v53;
	[tilespmem:s5], [sflag:$0x1] =	stream.linear.gather [hbm4b:s16+s10], $0x3800, $0x38;
	[tilespmem:$0xE080] =	vst v63  }
0xc5: {  	v13 =	vmul.f32 v57, v13;
	v49 =	vadd.f32 $-5.000000000e-01, v60;
	v25 =	vmul.f32 v62, v25;
	_ =	swait.ge [sflag:s1], $0x3800  }
0xc6: {  	v27 =	vsel vm2, v27, v55;
	vm3 =	vlt.f32 v60, $1.000000000e+00;
	v56 =	vmul.f32 v47, v61;
	[sflag:s1] =	ssyncset.done $0x0  }
0xc7: {  	vm2 =	vlt.f32 v38, $1.000000000e+00;
	v57 =	vadd.f32 $-5.000000000e-01, v35;
	v25 =	vsel vm3, v25, v49;
	[sflag:s1] =	ssyncadd.s32 $0xFFFFC800  }
0xc8: {  	v13 =	vsel vm2, v13, v54;
	v25 =	vadd.f32 v25, v27;
	v27 =	vadd.f32 $2.000000030e-01, v56;
	[tilespmem:s6], [sflag:$0x1] =	stream.linear.gather [hbm4b:s24+s10], $0x800, $0x38;
	[tilespmem:$0xE080] =	vst v63  }
0xc9: {  	v31 =	vand.u32 $0x7FFFFFFF, v24;
	v24 =	vmul.f32 v36, v24;
	vm3 =	vlt.f32 v35, $1.000000000e+00;
	_ =	swait.ge [sflag:s1], $0x800  }
0xca: {  	v13 =	vadd.f32 v13, v25;
	v25 =	vmul.f32 v27, v61;
	v27 =	vadd.f32 v37, v37;
	[sflag:s1] =	ssyncset.done $0x0  }
0xcb: {  	vm0 =	vlt.f32 v31, $1.000000000e+00;
	v31 =	vadd.f32 $-5.000000000e-01, v31;
	v26 =	vsel vm3, v26, v57;
	[sflag:s1] =	ssyncadd.s32 $0xFFFFF800  }
0xcc: {  	v26 =	vadd.f32 v26, v13;
	v25 =	vadd.f32 $3.333333430e-01, v25;
	v59 =	vmul.f32 v61, v27;
	[tilespmem:s7], [sflag:$0x1] =	stream.linear.gather [hbm4b:s25+s10], $0x800, $0x38;
	[tilespmem:$0xE080] =	vst v63  }
0xcd: {  	v20 =	vmul.f32 v33, v20;
	v21 =	vmul.f32 v30, v21;
	v24 =	vsel vm0, v24, v31;
	_ =	swait.ge [sflag:s1], $0x800  }
0xce: {  	v63 =	vadd.f32 $-5.000000000e-01, v29;
	v24 =	vadd.f32 v24, v26;
	v25 =	vmul.f32 v25, v59;
	[sflag:s1] =	ssyncset.done $0x0  }
0xcf: {  	s9 =	simm.s32 $0x0;
	v20 =	vsel vm1, v20, v52;
	v19 =	vadd.f32 v28, v19;
	v31 =	vor.u32 s10, v4;
	[sflag:s1] =	ssyncadd.s32 $0xFFFFF800  }
0xd0: {  	vm1 =	vgt.s32 v17, $0x0;
	v20 =	vadd.f32 v20, v24;
	v24 =	vadd.f32 v25, v27;
	v13 =	vld [tilespmem:s9+$0xD000]  }
0xd1: {  	vm0 =	vlt.f32 v29, $1.000000000e+00;
	v29 =	vor.u32 s10, v0;
	v26 =	vor.u32 s10, v3;
	v25 =	vld.idx.msk [tilespmem:v58+s2+$0x0], $0xffff  }
0xd2: {  	v21 =	vsel vm0, v21, v63;
	vm0 =	vgt.s32 v22, $0x0;
	v17 =	vadd.f32 v24, v23;
	v27 =	vld.idx.msk [tilespmem:v58+s3+$0x0], $0xffff  }
0xd3: {  	v20 =	vadd.f32 v21, v20;
	v23 =	vsel vm0, $0x3F800000, v1;
	v24 =	vsel vm1, $0x3F800000, v1  }
0xd4: {  	v24 =	vadd.f32 v24, v23;
	v17 =	vsub.f32 $0.0e+00, v17;
	v28 =	vld.idx.msk [tilespmem:v31+s2+$0x0], $0xffff  }
0xd5: {  	v20 =	vmul.f32 v20, v23;
	v22 =	vld.idx.msk [tilespmem:v31+s3+$0x0], $0xffff;
	v21 =	vadd.s32 v29, v13  }
0xd6: {  	v19 =	vmul.f32 v19, v23;
	v15 =	vadd.f32 v23, v15;
	v23 =	vmul.f32 v17, v24;
	v31 =	vld.idx.msk [tilespmem:v26+s2+$0x0], $0xffff  }
0xd7: {  	v17 =	vadd.f32 v24, v12;
	v26 =	vld.idx.msk [tilespmem:v26+s3+$0x0], $0xffff;
	v24 =	vsub.f32 v25, v27;
	v25 =	vadd.s32 s10, v8  }
0xd8: {  	v61 =	vld.idx.msk [tilespmem:v29+s2+$0x0], $0xffff  }
0xd9: {  	v16 =	vadd.f32 v20, v16;
	v20 =	vld.idx.msk [tilespmem:v29+s3+$0x0], $0xffff  }
0xda: {  	v21 =	vld.idx.msk [tilespmem:v21+s20+$0x0], $0xffff  }
0xdb: {  	v14 =	vadd.f32 v19, v14;
	v19 =	vadd.s32 s10, v9  }
0xdc: {  	v30 =	vadd.s32 s10, v11;
	v60 =	vadd.s32 s10, v10;
	v12 =	vadd.f32 v23, v18;
	v54 =	vld.idx.msk [tilespmem:v25+s4+$0x0], $0xffff  }
0xdd: {  	v23 =	vadd.s32 s10, v7;
	v27 =	vadd.s32 s10, v2;
	v22 =	vsub.f32 v28, v22;
	v56 =	vld.idx.msk [tilespmem:v25+s5+$0x0], $0xffff  }
0xde: {  	v28 =	vadd.s32 s10, v6;
	v26 =	vsub.f32 v31, v26;
	v20 =	vsub.f32 v61, v20  }
0xdf: {  	v31 =	vand.u32 $0x7FFFFFFF, v24;
	v63 =	vand.u32 $0x7FFFFFFF, v22;
	v21 =	vmax.f32 v21, $1.000000000e-30  }
0xe0: {  	v49 =	vld.idx.msk [tilespmem:v19+s4+$0x0], $0xffff;
	v48 =	vmul.f32 $5.000000000e-01, v24;
	v50 =	vmul.f32 $5.000000000e-01, v22;
	v18 =	vadd.s32 $0xC0CAFB0D, v21  }
0xe1: {  	v51 =	vld.idx.msk [tilespmem:v19+s5+$0x0], $0xffff;
	v52 =	vand.u32 $0x7FFFFFFF, v26;
	v53 =	vmul.f32 $5.000000000e-01, v26;
	v19 =	vand.u32 $0xFF800000, v18  }
0xe2: {  	v62 =	vld.idx.msk [tilespmem:v60+s4+$0x0], $0xffff;
	v55 =	vmul.f32 $5.000000000e-01, v20;
	v41 =	vsub.f32 v54, v56;
	v19 =	vsub.s32 v21, v19  }
0xe3: {  	v58 =	vld.idx.msk [tilespmem:v23+s4+$0x0], $0xffff;
	vm1 =	vlt.f32 v52, $1.000000000e+00;
	v25 =	vadd.f32 $-5.000000000e-01, v52;
	v57 =	vadd.f32 $-1.000000000e+00, v19  }
0xe4: {  	v59 =	vld.idx.msk [tilespmem:v23+s5+$0x0], $0xffff;
	v40 =	vand.u32 $0x7FFFFFFF, v41;
	v43 =	vmul.f32 $5.000000000e-01, v41;
	v21 =	vand.u32 $0x7FFFFFFF, v20  }
0xe5: {  	v29 =	vld.idx.msk [tilespmem:v30+s4+$0x0], $0xffff;
	v20 =	vmul.f32 v55, v20;
	vm2 =	vlt.f32 v40, $1.000000000e+00;
	v23 =	vadd.f32 $2.000000000e+00, v57  }
0xe6: {  	v30 =	vld.idx.msk [tilespmem:v30+s5+$0x0], $0xffff;
	vm0 =	vlt.f32 v21, $1.000000000e+00;
	v19 =	vadd.f32 $-5.000000000e-01, v21;
	v21 =	vmul.f32 v53, v26  }
0xe7: {  	v32 =	vld.idx.msk [tilespmem:v60+s5+$0x0], $0xffff;
	v38 =	vadd.f32 $-5.000000000e-01, v40;
	v26 =	vadd.f32 $-5.000000000e-01, v63;
	(erf) = vrcp.f32 v23  }
0xe8: {  	s11 =	simm.s32 $0x40;
	v60 =	vld.idx.msk [tilespmem:v27+s4+$0x0], $0xffff;
	v19 =	vsel vm0, v20, v19;
	v20 =	vsel vm1, v21, v25;
	v21 =	vmul.f32 v50, v22  }
0xe9: {  	v41 =	vmul.f32 v43, v41;
	v22 =	vld.idx.msk [tilespmem:v27+s5+$0x0], $0xffff;
	vm0 =	vlt.f32 v63, $1.000000000e+00;
	v27 =	vor.u32 s11, v5  }
0xea: {  	v25 =	vor.u32 s11, v4;
	v19 =	vadd.f32 v20, v19;
	v20 =	vsel vm0, v21, v26  }
0xeb: {  	v21 =	vmul.f32 v48, v24;
	v23 =	vadd.f32 $-5.000000000e-01, v31;
	v26 =	vsub.f32 v29, v30  }
0xec: {  	v61 =	vld.idx.msk [tilespmem:v28+s4+$0x0], $0xffff;
	vm0 =	vlt.f32 v31, $1.000000000e+00;
	v29 =	vsub.f32 v62, v32;
	v31 =	vsub.f32 v49, v51  }
0xed: {  	s10 =	simm.s32 $0x70;
	v24 =	vld.idx.msk [tilespmem:v28+s5+$0x0], $0xffff;
	v62 =	vsub.f32 v58, v59;
	v19 =	vadd.f32 v20, v19;
	v20 =	vsel vm0, v21, v23  }
0xee: {  	v23 =	vor.u32 s11, v3;
	v21 =	vadd.s32 s10, v11;
	v30 =	vmul.f32 $5.000000000e-01, v26  }
0xef: {  	v54 =	vand.u32 $0x7FFFFFFF, v31;
	v55 =	vand.u32 $0x7FFFFFFF, v29;
	v33 =	vmul.f32 $5.000000000e-01, v29  }
0xf0: {  	v35 =	vmul.f32 $5.000000000e-01, v31;
	v42 =	vand.u32 $0x7FFFFFFF, v62;
	v56 =	vmul.f32 $5.000000000e-01, v62;
	v28 =	vpop (erf)  }
0xf1: {  	v19 =	vadd.f32 v20, v19;
	v20 =	vadd.s32 s10, v10;
	v34 =	vmul.f32 v28, v57  }
0xf2: {  	v22 =	vsub.f32 v60, v22;
	vm0 =	vlt.f32 v54, $1.000000000e+00;
	v63 =	vsub.f32 v61, v24  }
0xf3: {  	vm1 =	vlt.f32 v55, $1.000000000e+00;
	v37 =	vadd.f32 $-5.000000000e-01, v55;
	v32 =	vmul.f32 v34, v34  }
0xf4: {  	v50 =	vadd.f32 $-5.000000000e-01, v42;
	v36 =	vadd.f32 $-5.000000000e-01, v54;
	v60 =	vmul.f32 $5.000000000e-01, v63  }
0xf5: {  	v58 =	vmul.f32 $5.000000000e-01, v22;
	v59 =	vand.u32 $0x7FFFFFFF, v63;
	v61 =	vmul.f32 $1.111111120e-01, v32  }
0xf6: {  	v52 =	vadd.f32 $-5.000000000e-01, v59;
	v39 =	vmul.f32 v60, v63;
	v57 =	vand.u32 $0x7FFFFFFF, v22  }
0xf7: {  	v22 =	vmul.f32 v58, v22;
	v51 =	vadd.f32 $-5.000000000e-01, v57;
	v49 =	vadd.f32 $1.428571490e-01, v61  }
0xf8: {  	v44 =	vmul.f32 v56, v62;
	vm4 =	vlt.f32 v59, $1.000000000e+00;
	vm3 =	vlt.f32 v57, $1.000000000e+00  }
0xf9: {  	v63 =	vsel vm4, v39, v52;
	v22 =	vsel vm3, v22, v51;
	v62 =	vmul.f32 v49, v32  }
0xfa: {  	v24 =	vand.u32 $0x7FFFFFFF, v26;
	vm3 =	vlt.f32 v42, $1.000000000e+00;
	v39 =	vadd.f32 v63, v22  }
0xfb: {  	s12 =	simm.s32 $0x80;
	s13 =	simm.s32 $0x10;
	v28 =	vadd.f32 $-5.000000000e-01, v24;
	v42 =	vsel vm3, v44, v50;
	v40 =	vadd.f32 $2.000000030e-01, v62  }
.LBB2_4:
0xfc: {  	p0 =	sne.s32 s12, $0x1FC0;
	v22 =	vld [tilespmem:s13+$0xD000];
	v39 =	vadd.f32 v42, v39;
	v31 =	vmul.f32 v35, v31;
	v29 =	vmul.f32 v33, v29  }
0xfd: {  	v34 =	vadd.f32 v34, v34;
	v33 =	vmul.f32 v40, v32;
	v35 =	vsel vm2, v41, v38  }
0xfe: {  	v26 =	vmul.f32 v30, v26;
	v38 =	vld.idx.msk [tilespmem:v27+s2+$0x0], $0xffff;
	v35 =	vadd.f32 v35, v39;
	v29 =	vsel vm1, v29, v37  }
0xff: {  	v32 =	vmul.f32 v32, v34;
	v31 =	vsel vm0, v31, v36;
	v27 =	vld.idx.msk [tilespmem:v27+s3+$0x0], $0xffff;
	v30 =	vadd.f32 $3.333333430e-01, v33  }
0x100: {  	v18 =	vshra.s32 v18, $0x17;
	v33 =	vor.u32 s11, v0;
	s11 =	smov.u32 s12;
	v36 =	vld [tilespmem:s9+$0xD800];
	v31 =	vadd.f32 v31, v35;
	s9 =	smov.u32 s13  }
0x101: {  	v18 =	vcvt.s32.f32 v18;
	v35 =	vadd.s32 v33, v22;
	v37 =	vld.idx.msk [tilespmem:v25+s2+$0x0], $0xffff;
	v30 =	vmul.f32 v30, v32  }
0x102: {  	vm0 =	vlt.f32 v24, $1.000000000e+00;
	v32 =	vadd.s32 s10, v9;
	v25 =	vld.idx.msk [tilespmem:v25+s3+$0x0], $0xffff;
	v29 =	vadd.f32 v29, v31  }
0x103: {  	v18 =	vmul.f32 $6.931471820e-01, v18;
	v26 =	vsel vm0, v26, v28;
	v24 =	vld.idx.msk [tilespmem:v23+s2+$0x0], $0xffff;
	v30 =	vadd.f32 v30, v34  }
0x104: {  	v28 =	vadd.s32 s10, v7;
	v31 =	vadd.s32 s10, v8;
	v23 =	vld.idx.msk [tilespmem:v23+s3+$0x0], $0xffff;
	v26 =	vadd.f32 v26, v29  }
0x105: {  	vm0 =	vgt.s32 v13, $0x0;
	v13 =	vmovc v22;
	v29 =	vld.idx.msk [tilespmem:v33+s2+$0x0], $0xffff;
	vm1 =	vgt.s32 v36, $0x0;
	v18 =	vadd.f32 v30, v18  }
0x106: {  	v34 =	vsel vm0, $0x3F800000, v1;
	v30 =	vadd.s32 s10, v2;
	v22 =	vld.idx.msk [tilespmem:v35+s20+$0x0], $0xffff;
	v35 =	vsel vm1, $0x3F800000, v1  }
0x107: {  	v26 =	vmul.f32 v26, v34;
	v33 =	vld.idx.msk [tilespmem:v33+s3+$0x0], $0xffff;
	v18 =	vsub.f32 $0.0e+00, v18;
	v35 =	vadd.f32 v35, v34  }
0x108: {  	v27 =	vsub.f32 v38, v27;
	v15 =	vadd.f32 v34, v15;
	v19 =	vmul.f32 v19, v34;
	v36 =	vld.idx.msk [tilespmem:v21+s4+$0x0], $0xffff  }
0x109: {  	v16 =	vadd.f32 v26, v16;
	v21 =	vld.idx.msk [tilespmem:v21+s5+$0x0], $0xffff;
	v18 =	vmul.f32 v18, v35;
	v17 =	vadd.f32 v35, v17  }
0x10a: {  	v14 =	vadd.f32 v19, v14;
	v25 =	vsub.f32 v37, v25;
	v26 =	vadd.s32 s10, v6;
	v34 =	vld.idx.msk [tilespmem:v20+s4+$0x0], $0xffff  }
0x10b: {  	v19 =	vsub.f32 v24, v23;
	v23 =	vand.u32 $0x7FFFFFFF, v27;
	v20 =	vld.idx.msk [tilespmem:v20+s5+$0x0], $0xffff;
	v12 =	vadd.f32 v18, v12  }
0x10c: {  	v24 =	vand.u32 $0x7FFFFFFF, v25;
	v35 =	vmul.f32 $5.000000000e-01, v27;
	v22 =	vmax.f32 v22, $1.000000000e-30;
	v37 =	vld.idx.msk [tilespmem:v32+s4+$0x0], $0xffff  }
0x10d: {  	v18 =	vadd.s32 $0xC0CAFB0D, v22;
	v29 =	vsub.f32 v29, v33;
	v33 =	vmul.f32 $5.000000000e-01, v25;
	v32 =	vld.idx.msk [tilespmem:v32+s5+$0x0], $0xffff  }
0x10e: {  	v39 =	vand.u32 $0x7FFFFFFF, v19;
	v40 =	vmul.f32 $5.000000000e-01, v19;
	v38 =	vand.u32 $0xFF800000, v18;
	v41 =	vld.idx.msk [tilespmem:v31+s4+$0x0], $0xffff  }
0x10f: {  	v22 =	vsub.s32 v22, v38;
	v38 =	vand.u32 $0x7FFFFFFF, v29;
	v42 =	vmul.f32 $5.000000000e-01, v29;
	v31 =	vld.idx.msk [tilespmem:v31+s5+$0x0], $0xffff  }
0x110: {  	v22 =	vadd.f32 $-1.000000000e+00, v22;
	vm0 =	vlt.f32 v38, $1.000000000e+00;
	v38 =	vadd.f32 $-5.000000000e-01, v38;
	v43 =	vld.idx.msk [tilespmem:v28+s4+$0x0], $0xffff  }
0x111: {  	v19 =	vmul.f32 v40, v19;
	v40 =	vadd.f32 $-5.000000000e-01, v39;
	v29 =	vmul.f32 v42, v29;
	v28 =	vld.idx.msk [tilespmem:v28+s5+$0x0], $0xffff  }
0x112: {  	vm1 =	vlt.f32 v39, $1.000000000e+00;
	v39 =	vadd.f32 $-5.000000000e-01, v24;
	v42 =	vadd.f32 $2.000000000e+00, v22;
	v44 =	vld.idx.msk [tilespmem:v30+s4+$0x0], $0xffff  }
0x113: {  	v25 =	vmul.f32 v33, v25;
	v19 =	vsel vm1, v19, v40;
	v29 =	vsel vm0, v29, v38;
	v30 =	vld.idx.msk [tilespmem:v30+s5+$0x0], $0xffff  }
0x114: {  	vm0 =	vlt.f32 v24, $1.000000000e+00;
	v19 =	vadd.f32 v19, v29;
	v24 =	vld.idx.msk [tilespmem:v26+s4+$0x0], $0xffff;
	(erf) = vrcp.f32 v42  }
0x115: {  	v33 =	vadd.f32 $-5.000000000e-01, v23;
	v25 =	vsel vm0, v25, v39;
	v29 =	vmul.f32 v35, v27;
	v35 =	vld.idx.msk [tilespmem:v26+s5+$0x0], $0xffff  }
0x116: {  	v27 =	vor.u32 s12, v5;
	vm0 =	vlt.f32 v23, $1.000000000e+00;
	v19 =	vadd.f32 v25, v19  }
0x117: {  	v25 =	vor.u32 s12, v4;
	v29 =	vsel vm0, v29, v33;
	v26 =	vsub.f32 v36, v21  }
0x118: {  	s10 =	sadd.s32 $0x70, s10;
	v23 =	vor.u32 s12, v3;
	v19 =	vadd.f32 v29, v19;
	v29 =	vsub.f32 v34, v20  }
0x119: {  	v41 =	vsub.f32 v41, v31;
	v31 =	vsub.f32 v37, v32;
	v21 =	vadd.s32 s10, v11  }
0x11a: {  	v39 =	vsub.f32 v43, v28;
	v20 =	vadd.s32 s10, v10;
	v38 =	vsub.f32 v44, v30  }
0x11b: {  	v30 =	vmul.f32 $5.000000000e-01, v26;
	v40 =	vsub.f32 v24, v35;
	v24 =	vand.u32 $0x7FFFFFFF, v26  }
0x11c: {  	v36 =	vand.u32 $0x7FFFFFFF, v31;
	v37 =	vand.u32 $0x7FFFFFFF, v29;
	v33 =	vmul.f32 $5.000000000e-01, v29  }
0x11d: {  	v42 =	vand.u32 $0x7FFFFFFF, v41;
	v43 =	vmul.f32 $5.000000000e-01, v41;
	v35 =	vmul.f32 $5.000000000e-01, v31;
	v28 =	vpop (erf)  }
0x11e: {  	v44 =	vmul.f32 $5.000000000e-01, v39;
	v34 =	vmul.f32 v28, v22;
	v22 =	vand.u32 $0x7FFFFFFF, v39  }
0x11f: {  	v45 =	vand.u32 $0x7FFFFFFF, v38;
	v46 =	vmul.f32 $5.000000000e-01, v38;
	v47 =	vand.u32 $0x7FFFFFFF, v40  }
0x120: {  	v48 =	vmul.f32 $5.000000000e-01, v40;
	v28 =	vadd.f32 $-5.000000000e-01, v24;
	v32 =	vmul.f32 v34, v34  }
0x121: {  	vm0 =	vlt.f32 v36, $1.000000000e+00;
	vm1 =	vlt.f32 v37, $1.000000000e+00;
	v37 =	vadd.f32 $-5.000000000e-01, v37  }
0x122: {  	v36 =	vadd.f32 $-5.000000000e-01, v36;
	v50 =	vadd.f32 $-5.000000000e-01, v22;
	v49 =	vmul.f32 $1.111111120e-01, v32  }
0x123: {  	vm2 =	vlt.f32 v42, $1.000000000e+00;
	v51 =	vadd.f32 $-5.000000000e-01, v45;
	v52 =	vadd.f32 $-5.000000000e-01, v47  }
.Ltmp1:
0x124: {  	v38 =	vmul.f32 v46, v38;
	v40 =	vmul.f32 v48, v40;
	v49 =	vadd.f32 $1.428571490e-01, v49;
	(pc) =	sbr.rel @p0 .LBB2_4-.Ltmp1, $4  }
0x125: {  	v44 =	vmul.f32 v44, v39;
	vm3 =	vlt.f32 v45, $1.000000000e+00;
	vm4 =	vlt.f32 v47, $1.000000000e+00  }
0x126: {  	v38 =	vsel vm3, v38, v51;
	v39 =	vsel vm4, v40, v52;
	v45 =	vmul.f32 v49, v32  }
0x127: {  	vm3 =	vlt.f32 v22, $1.000000000e+00;
	v39 =	vadd.f32 v39, v38;
	v38 =	vadd.f32 $-5.000000000e-01, v42  }
0x128: {  	s13 =	sshra.s32 s11, $0x2;
	s12 =	sadd.s32 $0x40, s12;
	v41 =	vmul.f32 v43, v41;
	v42 =	vsel vm3, v44, v50;
	v40 =	vadd.f32 $2.000000030e-01, v45  }
0x129: {  	v22 =	vld [tilespmem:s13+$0xD000];
	_ =	sdelay $0x3  }
0x12a: {  	v43 =	vor.u32 s11, v0  }
0x12b: {  	v44 =	vadd.s32 v43, v22;
	_ =	sdelay $0x2  }
0x12c: {  	v45 =	vld.idx.msk [tilespmem:v27+s2+$0x0], $0xffff  }
0x12d: {  	v27 =	vld.idx.msk [tilespmem:v27+s3+$0x0], $0xffff  }
0x12e: {  	v44 =	vld.idx.msk [tilespmem:v44+s20+$0x0], $0xffff  }
0x12f: {  	v46 =	vld [tilespmem:s9+$0xD800];
	v39 =	vadd.f32 v42, v39;
	v31 =	vmul.f32 v35, v31;
	v29 =	vmul.f32 v33, v29  }
0x130: {  	v47 =	vld.idx.msk [tilespmem:v25+s2+$0x0], $0xffff;
	v34 =	vadd.f32 v34, v34;
	v26 =	vmul.f32 v30, v26;
	v30 =	vadd.s32 s10, v9  }
0x131: {  	v25 =	vld.idx.msk [tilespmem:v25+s3+$0x0], $0xffff;
	v53 =	vadd.s32 s10, v8;
	v18 =	vshra.s32 v18, $0x17;
	v54 =	vadd.s32 s10, v7  }
0x132: {  	v61 =	vld.idx.msk [tilespmem:v23+s2+$0x0], $0xffff;
	v62 =	vmul.f32 v40, v32;
	v38 =	vsel vm2, v41, v38;
	v18 =	vcvt.s32.f32 v18  }
0x133: {  	v63 =	vld.idx.msk [tilespmem:v23+s3+$0x0], $0xffff;
	v38 =	vadd.f32 v38, v39;
	v29 =	vsel vm1, v29, v37;
	v49 =	vmax.f32 v44, $1.000000000e-30  }
0x134: {  	v42 =	vld.idx.msk [tilespmem:v21+s4+$0x0], $0xffff;
	v51 =	vmul.f32 v32, v34;
	v31 =	vsel vm0, v31, v36;
	v23 =	vadd.s32 $0xC0CAFB0D, v49  }
0x135: {  	v21 =	vld.idx.msk [tilespmem:v21+s5+$0x0], $0xffff;
	vm0 =	vlt.f32 v24, $1.000000000e+00;
	v35 =	vadd.f32 $3.333333430e-01, v62;
	v52 =	vand.u32 $0xFF800000, v23  }
0x136: {  	v26 =	vsel vm0, v26, v28;
	v31 =	vadd.f32 v31, v38;
	v38 =	vld.idx.msk [tilespmem:v20+s4+$0x0], $0xffff;
	v39 =	vsub.s32 v49, v52  }
0x137: {  	v28 =	vadd.s32 s10, v2;
	vm0 =	vgt.s32 v13, $0x0;
	v20 =	vld.idx.msk [tilespmem:v20+s5+$0x0], $0xffff;
	v39 =	vadd.f32 $-1.000000000e+00, v39  }
0x138: {  	v13 =	vadd.s32 s10, v6;
	v55 =	vsel vm0, $0x3F800000, v1;
	v48 =	vld.idx.msk [tilespmem:v43+s2+$0x0], $0xffff;
	v32 =	vmul.f32 v35, v51  }
0x139: {  	v50 =	vld.idx.msk [tilespmem:v43+s3+$0x0], $0xffff;
	vm1 =	vgt.s32 v46, $0x0;
	v29 =	vadd.f32 v29, v31;
	v31 =	vadd.f32 $2.000000000e+00, v39  }
0x13a: {  	v24 =	vld.idx.msk [tilespmem:v30+s4+$0x0], $0xffff;
	v27 =	vsub.f32 v45, v27;
	v15 =	vadd.f32 v55, v15;
	v19 =	vmul.f32 v19, v55  }
0x13b: {  	v30 =	vld.idx.msk [tilespmem:v30+s5+$0x0], $0xffff;
	v25 =	vsub.f32 v47, v25;
	v33 =	vsub.f32 v61, v63;
	(erf) = vrcp.f32 v31  }
0x13c: {  	v36 =	vld.idx.msk [tilespmem:v54+s4+$0x0], $0xffff;
	v21 =	vsub.f32 v42, v21;
	v56 =	vsel vm1, $0x3F800000, v1;
	v32 =	vadd.f32 v32, v34  }
0x13d: {  	v18 =	vmul.f32 $6.931471820e-01, v18;
	v35 =	vld.idx.msk [tilespmem:v54+s5+$0x0], $0xffff;
	v34 =	vadd.f32 v56, v55;
	v26 =	vadd.f32 v26, v29  }
0x13e: {  	v14 =	vadd.f32 v19, v14;
	v19 =	vand.u32 $0x7FFFFFFF, v27;
	v59 =	vand.u32 $0x7FFFFFFF, v25;
	v29 =	vld.idx.msk [tilespmem:v53+s4+$0x0], $0xffff  }
0x13f: {  	v40 =	vmul.f32 $5.000000000e-01, v33;
	v43 =	vld.idx.msk [tilespmem:v28+s4+$0x0], $0xffff;
	v18 =	vadd.f32 v32, v18;
	v26 =	vmul.f32 v26, v55  }
0x140: {  	v62 =	vmul.f32 $5.000000000e-01, v25;
	v63 =	vand.u32 $0x7FFFFFFF, v33;
	v28 =	vld.idx.msk [tilespmem:v28+s5+$0x0], $0xffff;
	v58 =	vsub.f32 v48, v50  }
0x141: {  	vm1 =	vlt.f32 v63, $1.000000000e+00;
	v18 =	vsub.f32 $0.0e+00, v18;
	v16 =	vadd.f32 v26, v16;
	v26 =	vld.idx.msk [tilespmem:v13+s4+$0x0], $0xffff  }
0x142: {  	v56 =	vadd.f32 $-5.000000000e-01, v19;
	v33 =	vmul.f32 v40, v33;
	v55 =	vmul.f32 $5.000000000e-01, v27;
	v13 =	vld.idx.msk [tilespmem:v13+s5+$0x0], $0xffff  }
0x143: {  	s11 =	rddreg [dreg:$0xa];
	s10 =	simm.s32 $0x0;
	v17 =	vadd.f32 v34, v17;
	v60 =	vmul.f32 $5.000000000e-01, v58;
	v57 =	vmul.f32 v18, v34;
	v18 =	vld [tilespmem:s13+$0xD800]  }
0x144: {  	v25 =	vmul.f32 v62, v25;
	v20 =	vsub.f32 v38, v20;
	v41 =	vand.u32 $0x7FFFFFFF, v58;
	v31 =	vld.idx.msk [tilespmem:v53+s5+$0x0], $0xffff;
	[tilespmem:s10], [sflag:$0x1] =	stream.linear.gather [hbm4b:s11+s10], $0x2000, $0x38;
	v61 =	vpop (erf)  }
0x145: {  	v27 =	vmul.f32 v55, v27;
	v48 =	vadd.f32 $-5.000000000e-01, v41;
	v34 =	vmul.f32 v60, v58;
	_ =	swait.ge [sflag:s1], $0x2000  }
0x146: {  	vm0 =	vlt.f32 v41, $1.000000000e+00;
	v12 =	vadd.f32 v57, v12;
	v52 =	vadd.f32 $-5.000000000e-01, v63;
	[sflag:s1] =	ssyncset.done $0x0  }
0x147: {  	v57 =	vand.u32 $0x7FFFFFFF, v20;
	v34 =	vsel vm0, v34, v48;
	vm0 =	vlt.f32 v59, $1.000000000e+00;
	s12 =	rddreg [dreg:$0xb];
	[sflag:s1] =	ssyncadd.s32 $0xFFFFE000  }
0x148: {  	v13 =	vsub.f32 v26, v13;
	v26 =	vand.u32 $0x7FFFFFFF, v21;
	v33 =	vsel vm1, v33, v52;
	[tilespmem:s2], [sflag:$0x1] =	stream.linear.gather [hbm4b:s12+s10], $0x2000, $0x38;
	[tilespmem:$0xE080] =	vst v63  }
0x149: {  	v23 =	vshra.s32 v23, $0x17;
	v54 =	vadd.f32 v33, v34;
	v33 =	vmul.f32 $5.000000000e-01, v20;
	_ =	swait.ge [sflag:s1], $0x2000  }
0x14a: {  	v23 =	vcvt.s32.f32 v23;
	v63 =	vmul.f32 $5.000000000e-01, v13;
	v53 =	vadd.f32 $-5.000000000e-01, v59;
	[sflag:s1] =	ssyncset.done $0x0  }
0x14b: {  	v52 =	vadd.f32 $-5.000000000e-01, v26;
	vm1 =	vlt.f32 v57, $1.000000000e+00;
	v20 =	vmul.f32 v33, v20;
	s13 =	rddreg [dreg:$0xc];
	[sflag:s1] =	ssyncadd.s32 $0xFFFFE000  }
0x14c: {  	v25 =	vsel vm0, v25, v53;
	vm0 =	vlt.f32 v19, $1.000000000e+00;
	v19 =	vsub.f32 v24, v30;
	[tilespmem:s3], [sflag:$0x1] =	stream.linear.gather [hbm4b:s13+s10], $0x2000, $0x38;
	[tilespmem:$0xE080] =	vst v63  }
0x14d: {  	v24 =	vsub.f32 v43, v28;
	v28 =	vsub.f32 v36, v35;
	v30 =	vmul.f32 $5.000000000e-01, v21;
	_ =	swait.ge [sflag:s1], $0x2000  }
0x14e: {  	v53 =	vadd.f32 $-5.000000000e-01, v57;
	v25 =	vadd.f32 v25, v54;
	v27 =	vsel vm0, v27, v56;
	[sflag:s1] =	ssyncset.done $0x0  }
0x14f: {  	v36 =	vmul.f32 $5.000000000e-01, v19;
	v38 =	vand.u32 $0x7FFFFFFF, v28;
	v37 =	vmul.f32 v61, v39;
	[sflag:s1] =	ssyncadd.s32 $0xFFFFE000  }
0x150: {  	v58 =	vmul.f32 $5.000000000e-01, v28;
	v59 =	vand.u32 $0x7FFFFFFF, v24;
	v60 =	vmul.f32 $5.000000000e-01, v24;
	[tilespmem:s4], [sflag:$0x1] =	stream.linear.gather [hbm4b:s17+s10], $0x3800, $0x38;
	[tilespmem:$0xE080] =	vst v63  }
0x151: {  	v20 =	vsel vm1, v20, v53;
	v21 =	vmul.f32 v30, v21;
	v62 =	vmul.f32 v37, v37;
	_ =	swait.ge [sflag:s1], $0x3800  }
0x152: {  	v29 =	vsub.f32 v29, v31;
	v31 =	vand.u32 $0x7FFFFFFF, v19;
	v55 =	vadd.f32 $-5.000000000e-01, v38;
	[sflag:s1] =	ssyncset.done $0x0  }
0x153: {  	v56 =	vadd.f32 $-5.000000000e-01, v59;
	vm2 =	vlt.f32 v59, $1.000000000e+00;
	v54 =	vmul.f32 $1.111111120e-01, v62;
	[sflag:s1] =	ssyncadd.s32 $0xFFFFC800  }
0x154: {  	v59 =	vor.u32 s10, v5;
	vm0 =	vlt.f32 v31, $1.000000000e+00;
	v24 =	vmul.f32 v60, v24;
	[tilespmem:s5], [sflag:$0x1] =	stream.linear.gather [hbm4b:s18+s10], $0x3800, $0x38;
	[tilespmem:$0xE080] =	vst v63  }
0x155: {  	v28 =	vmul.f32 v58, v28;
	v61 =	vand.u32 $0x7FFFFFFF, v13;
	v47 =	vadd.f32 $1.428571490e-01, v54;
	_ =	swait.ge [sflag:s1], $0x3800  }
0x156: {  	v34 =	vmul.f32 $5.000000000e-01, v29;
	v13 =	vmul.f32 v63, v13;
	v49 =	vadd.f32 $-5.000000000e-01, v61;
	[sflag:s1] =	ssyncset.done $0x0  }
0x157: {  	v35 =	vand.u32 $0x7FFFFFFF, v29;
	vm3 =	vlt.f32 v61, $1.000000000e+00;
	v57 =	vmul.f32 v47, v62;
	[sflag:s1] =	ssyncadd.s32 $0xFFFFC800  }
0x158: {  	v24 =	vsel vm2, v24, v56;
	v58 =	vadd.f32 $-5.000000000e-01, v35;
	v13 =	vsel vm3, v13, v49;
	[tilespmem:s6], [sflag:$0x1] =	stream.linear.gather [hbm4b:s26+s10], $0x800, $0x38;
	[tilespmem:$0xE080] =	vst v63  }
0x159: {  	vm2 =	vlt.f32 v38, $1.000000000e+00;
	v13 =	vadd.f32 v13, v24;
	v24 =	vadd.f32 $2.000000030e-01, v57;
	_ =	swait.ge [sflag:s1], $0x800  }
0x15a: {  	v28 =	vsel vm2, v28, v55;
	v29 =	vmul.f32 v34, v29;
	vm3 =	vlt.f32 v35, $1.000000000e+00;
	[sflag:s1] =	ssyncset.done $0x0  }
0x15b: {  	v13 =	vadd.f32 v28, v13;
	v28 =	vadd.f32 v37, v37;
	v24 =	vmul.f32 v24, v62;
	[sflag:s1] =	ssyncadd.s32 $0xFFFFF800  }
0x15c: {  	v31 =	vadd.f32 $-5.000000000e-01, v31;
	v19 =	vmul.f32 v36, v19;
	v29 =	vsel vm3, v29, v58;
	[tilespmem:s7], [sflag:$0x1] =	stream.linear.gather [hbm4b:s29+s10], $0x800, $0x38;
	[tilespmem:$0xE080] =	vst v63  }
0x15d: {  	v29 =	vadd.f32 v29, v13;
	v60 =	vmul.f32 v62, v28;
	v24 =	vadd.f32 $3.333333430e-01, v24;
	_ =	swait.ge [sflag:s1], $0x800  }
0x15e: {  	v25 =	vadd.f32 v27, v25;
	v19 =	vsel vm0, v19, v31;
	v31 =	vor.u32 s10, v4;
	[sflag:s1] =	ssyncset.done $0x0  }
0x15f: {  	s9 =	simm.s32 $0x0;
	vm0 =	vlt.f32 v26, $1.000000000e+00;
	v19 =	vadd.f32 v19, v29;
	v24 =	vmul.f32 v24, v60;
	[sflag:s1] =	ssyncadd.s32 $0xFFFFF800  }
0x160: {  	v21 =	vsel vm0, v21, v52;
	vm0 =	vgt.s32 v22, $0x0;
	v29 =	vor.u32 s10, v3;
	v13 =	vld [tilespmem:s9+$0xD000]  }
0x161: {  	v22 =	vsel vm0, $0x3F800000, v1;
	v19 =	vadd.f32 v20, v19;
	v20 =	vadd.f32 v24, v28;
	v24 =	vld.idx.msk [tilespmem:v59+s2+$0x0], $0xffff  }
0x162: {  	v23 =	vmul.f32 $6.931471820e-01, v23;
	v25 =	vmul.f32 v25, v22;
	v28 =	vor.u32 s10, v0;
	v26 =	vld.idx.msk [tilespmem:v59+s3+$0x0], $0xffff  }
0x163: {  	vm1 =	vgt.s32 v18, $0x0;
	v27 =	vld.idx.msk [tilespmem:v31+s2+$0x0], $0xffff  }
0x164: {  	v14 =	vadd.f32 v25, v14;
	v25 =	vadd.s32 s10, v8;
	v18 =	vadd.f32 v20, v23;
	v20 =	vld.idx.msk [tilespmem:v31+s3+$0x0], $0xffff  }
0x165: {  	v31 =	vld.idx.msk [tilespmem:v29+s2+$0x0], $0xffff  }
0x166: {  	v19 =	vadd.f32 v21, v19;
	v23 =	vsel vm1, $0x3F800000, v1;
	v29 =	vld.idx.msk [tilespmem:v29+s3+$0x0], $0xffff;
	v21 =	vadd.s32 v28, v13  }
0x167: {  	v23 =	vadd.f32 v23, v22;
	v18 =	vsub.f32 $0.0e+00, v18;
	v62 =	vld.idx.msk [tilespmem:v28+s2+$0x0], $0xffff  }
0x168: {  	v15 =	vadd.f32 v22, v15;
	v19 =	vmul.f32 v19, v22;
	v22 =	vld.idx.msk [tilespmem:v28+s3+$0x0], $0xffff  }
0x169: {  	v17 =	vadd.f32 v23, v17;
	v18 =	vmul.f32 v18, v23;
	v23 =	vadd.s32 s10, v7;
	v55 =	vld.idx.msk [tilespmem:v25+s4+$0x0], $0xffff  }
0x16a: {  	v57 =	vld.idx.msk [tilespmem:v25+s5+$0x0], $0xffff  }
0x16b: {  	v21 =	vld.idx.msk [tilespmem:v21+s20+$0x0], $0xffff  }
0x16c: {  	v16 =	vadd.f32 v19, v16;
	v19 =	vadd.s32 s10, v9  }
0x16d: {  	v30 =	vadd.s32 s10, v11;
	v61 =	vadd.s32 s10, v10;
	v12 =	vadd.f32 v18, v12  }
0x16e: {  	v59 =	vld.idx.msk [tilespmem:v23+s4+$0x0], $0xffff;
	v24 =	vsub.f32 v24, v26;
	v28 =	vadd.s32 s10, v2;
	v20 =	vsub.f32 v27, v20  }
0x16f: {  	v60 =	vld.idx.msk [tilespmem:v23+s5+$0x0], $0xffff;
	v27 =	vadd.s32 s10, v6;
	v29 =	vsub.f32 v31, v29;
	v22 =	vsub.f32 v62, v22  }
0x170: {  	v41 =	vsub.f32 v55, v57;
	v31 =	vand.u32 $0x7FFFFFFF, v24;
	v21 =	vmax.f32 v21, $1.000000000e-30  }
0x171: {  	v50 =	vld.idx.msk [tilespmem:v19+s4+$0x0], $0xffff;
	v48 =	vand.u32 $0x7FFFFFFF, v20;
	v49 =	vmul.f32 $5.000000000e-01, v24;
	v18 =	vadd.s32 $0xC0CAFB0D, v21  }
0x172: {  	v52 =	vld.idx.msk [tilespmem:v19+s5+$0x0], $0xffff;
	v51 =	vmul.f32 $5.000000000e-01, v20;
	v53 =	vand.u32 $0x7FFFFFFF, v29;
	v19 =	vand.u32 $0xFF800000, v18  }
0x173: {  	v26 =	vld.idx.msk [tilespmem:v30+s4+$0x0], $0xffff;
	v54 =	vmul.f32 $5.000000000e-01, v29;
	v56 =	vmul.f32 $5.000000000e-01, v22;
	v19 =	vsub.s32 v21, v19  }
0x174: {  	v30 =	vld.idx.msk [tilespmem:v30+s5+$0x0], $0xffff;
	v62 =	vsub.f32 v59, v60;
	v40 =	vand.u32 $0x7FFFFFFF, v41;
	v58 =	vadd.f32 $-1.000000000e+00, v19  }
0x175: {  	v43 =	vmul.f32 $5.000000000e-01, v41;
	v25 =	vadd.f32 $-5.000000000e-01, v53;
	vm1 =	vlt.f32 v53, $1.000000000e+00  }
0x176: {  	vm2 =	vlt.f32 v40, $1.000000000e+00;
	v21 =	vand.u32 $0x7FFFFFFF, v22;
	v23 =	vadd.f32 $2.000000000e+00, v58  }
0x177: {  	v63 =	vld.idx.msk [tilespmem:v61+s4+$0x0], $0xffff;
	vm0 =	vlt.f32 v21, $1.000000000e+00;
	v19 =	vadd.f32 $-5.000000000e-01, v21;
	v21 =	vmul.f32 v56, v22  }
0x178: {  	v32 =	vld.idx.msk [tilespmem:v61+s5+$0x0], $0xffff;
	v38 =	vadd.f32 $-5.000000000e-01, v40;
	v22 =	vmul.f32 v54, v29;
	(erf) = vrcp.f32 v23  }
0x179: {  	v20 =	vmul.f32 v51, v20;
	v42 =	vand.u32 $0x7FFFFFFF, v62;
	v61 =	vld.idx.msk [tilespmem:v28+s4+$0x0], $0xffff;
	v26 =	vsub.f32 v26, v30  }
0x17a: {  	v41 =	vmul.f32 v43, v41;
	v19 =	vsel vm0, v21, v19;
	v21 =	vsel vm1, v22, v25;
	v22 =	vld.idx.msk [tilespmem:v28+s5+$0x0], $0xffff  }
0x17b: {  	v30 =	vmul.f32 $5.000000000e-01, v26;
	v29 =	vadd.f32 $-5.000000000e-01, v48;
	v56 =	vmul.f32 $5.000000000e-01, v62;
	v28 =	vld.idx.msk [tilespmem:v27+s4+$0x0], $0xffff  }
0x17c: {  	s11 =	simm.s32 $0x40;
	vm0 =	vlt.f32 v48, $1.000000000e+00;
	v19 =	vadd.f32 v21, v19;
	v21 =	vmul.f32 v49, v24;
	v24 =	vld.idx.msk [tilespmem:v27+s5+$0x0], $0xffff  }
0x17d: {  	v25 =	vor.u32 s11, v4;
	v44 =	vmul.f32 v56, v62;
	v20 =	vsel vm0, v20, v29  }
0x17e: {  	v27 =	vor.u32 s11, v5;
	v29 =	vsub.f32 v63, v32;
	v23 =	vadd.f32 $-5.000000000e-01, v31  }
0x17f: {  	vm0 =	vlt.f32 v31, $1.000000000e+00;
	v31 =	vsub.f32 v50, v52;
	v50 =	vadd.f32 $-5.000000000e-01, v42  }
0x180: {  	v19 =	vadd.f32 v20, v19;
	v55 =	vand.u32 $0x7FFFFFFF, v29;
	v33 =	vmul.f32 $5.000000000e-01, v29  }
0x181: {  	s10 =	simm.s32 $0x70;
	v20 =	vsel vm0, v21, v23;
	v23 =	vor.u32 s11, v3;
	v63 =	vsub.f32 v28, v24;
	v28 =	vpop (erf)  }
0x182: {  	v21 =	vadd.s32 s10, v11;
	v54 =	vand.u32 $0x7FFFFFFF, v31;
	v34 =	vmul.f32 v28, v58  }
0x183: {  	v35 =	vmul.f32 $5.000000000e-01, v31;
	vm1 =	vlt.f32 v55, $1.000000000e+00;
	v22 =	vsub.f32 v61, v22  }
0x184: {  	v37 =	vadd.f32 $-5.000000000e-01, v55;
	v19 =	vadd.f32 v20, v19;
	v32 =	vmul.f32 v34, v34  }
0x185: {  	v20 =	vadd.s32 s10, v10;
	v57 =	vand.u32 $0x7FFFFFFF, v22;
	v60 =	vmul.f32 $5.000000000e-01, v63  }
0x186: {  	v59 =	vand.u32 $0x7FFFFFFF, v63;
	v58 =	vmul.f32 $5.000000000e-01, v22;
	v61 =	vmul.f32 $1.111111120e-01, v32  }
0x187: {  	vm0 =	vlt.f32 v54, $1.000000000e+00;
	v51 =	vadd.f32 $-5.000000000e-01, v57;
	v52 =	vadd.f32 $-5.000000000e-01, v59  }
0x188: {  	v39 =	vmul.f32 v60, v63;
	v22 =	vmul.f32 v58, v22;
	v49 =	vadd.f32 $1.428571490e-01, v61  }
0x189: {  	v36 =	vadd.f32 $-5.000000000e-01, v54;
	vm3 =	vlt.f32 v57, $1.000000000e+00;
	vm4 =	vlt.f32 v59, $1.000000000e+00  }
0x18a: {  	v63 =	vsel vm4, v39, v52;
	v22 =	vsel vm3, v22, v51;
	v62 =	vmul.f32 v49, v32  }
0x18b: {  	v24 =	vand.u32 $0x7FFFFFFF, v26;
	vm3 =	vlt.f32 v42, $1.000000000e+00;
	v39 =	vadd.f32 v63, v22  }
0x18c: {  	s12 =	simm.s32 $0x80;
	s13 =	simm.s32 $0x10;
	v28 =	vadd.f32 $-5.000000000e-01, v24;
	v42 =	vsel vm3, v44, v50;
	v40 =	vadd.f32 $2.000000030e-01, v62  }
.LBB2_6:
0x18d: {  	p0 =	sne.s32 s12, $0x1FC0;
	v22 =	vld [tilespmem:s13+$0xD000];
	v39 =	vadd.f32 v42, v39;
	v31 =	vmul.f32 v35, v31;
	v29 =	vmul.f32 v33, v29  }
0x18e: {  	v34 =	vadd.f32 v34, v34;
	v33 =	vmul.f32 v40, v32;
	v35 =	vsel vm2, v41, v38  }
0x18f: {  	v26 =	vmul.f32 v30, v26;
	v38 =	vld.idx.msk [tilespmem:v27+s2+$0x0], $0xffff;
	v35 =	vadd.f32 v35, v39;
	v29 =	vsel vm1, v29, v37  }
0x190: {  	v32 =	vmul.f32 v32, v34;
	v31 =	vsel vm0, v31, v36;
	v27 =	vld.idx.msk [tilespmem:v27+s3+$0x0], $0xffff;
	v30 =	vadd.f32 $3.333333430e-01, v33  }
0x191: {  	v18 =	vshra.s32 v18, $0x17;
	v33 =	vor.u32 s11, v0;
	s11 =	smov.u32 s12;
	v36 =	vld [tilespmem:s9+$0xD800];
	v31 =	vadd.f32 v31, v35;
	s9 =	smov.u32 s13  }
0x192: {  	v18 =	vcvt.s32.f32 v18;
	v35 =	vadd.s32 v33, v22;
	v37 =	vld.idx.msk [tilespmem:v25+s2+$0x0], $0xffff;
	v30 =	vmul.f32 v30, v32  }
0x193: {  	vm0 =	vlt.f32 v24, $1.000000000e+00;
	v32 =	vadd.s32 s10, v9;
	v25 =	vld.idx.msk [tilespmem:v25+s3+$0x0], $0xffff;
	v29 =	vadd.f32 v29, v31  }
0x194: {  	v18 =	vmul.f32 $6.931471820e-01, v18;
	v26 =	vsel vm0, v26, v28;
	v24 =	vld.idx.msk [tilespmem:v23+s2+$0x0], $0xffff;
	v30 =	vadd.f32 v30, v34  }
0x195: {  	v28 =	vadd.s32 s10, v7;
	v31 =	vadd.s32 s10, v8;
	v23 =	vld.idx.msk [tilespmem:v23+s3+$0x0], $0xffff;
	v26 =	vadd.f32 v26, v29  }
0x196: {  	vm0 =	vgt.s32 v13, $0x0;
	v13 =	vmovc v22;
	v29 =	vld.idx.msk [tilespmem:v33+s2+$0x0], $0xffff;
	vm1 =	vgt.s32 v36, $0x0;
	v18 =	vadd.f32 v30, v18  }
0x197: {  	v34 =	vsel vm0, $0x3F800000, v1;
	v30 =	vadd.s32 s10, v2;
	v22 =	vld.idx.msk [tilespmem:v35+s20+$0x0], $0xffff;
	v35 =	vsel vm1, $0x3F800000, v1  }
0x198: {  	v26 =	vmul.f32 v26, v34;
	v33 =	vld.idx.msk [tilespmem:v33+s3+$0x0], $0xffff;
	v18 =	vsub.f32 $0.0e+00, v18;
	v35 =	vadd.f32 v35, v34  }
0x199: {  	v27 =	vsub.f32 v38, v27;
	v15 =	vadd.f32 v34, v15;
	v19 =	vmul.f32 v19, v34;
	v36 =	vld.idx.msk [tilespmem:v21+s4+$0x0], $0xffff  }
0x19a: {  	v16 =	vadd.f32 v26, v16;
	v21 =	vld.idx.msk [tilespmem:v21+s5+$0x0], $0xffff;
	v18 =	vmul.f32 v18, v35;
	v17 =	vadd.f32 v35, v17  }
0x19b: {  	v14 =	vadd.f32 v19, v14;
	v25 =	vsub.f32 v37, v25;
	v26 =	vadd.s32 s10, v6;
	v34 =	vld.idx.msk [tilespmem:v20+s4+$0x0], $0xffff  }
0x19c: {  	v19 =	vsub.f32 v24, v23;
	v23 =	vand.u32 $0x7FFFFFFF, v27;
	v20 =	vld.idx.msk [tilespmem:v20+s5+$0x0], $0xffff;
	v12 =	vadd.f32 v18, v12  }
0x19d: {  	v24 =	vand.u32 $0x7FFFFFFF, v25;
	v35 =	vmul.f32 $5.000000000e-01, v27;
	v22 =	vmax.f32 v22, $1.000000000e-30;
	v37 =	vld.idx.msk [tilespmem:v32+s4+$0x0], $0xffff  }
0x19e: {  	v18 =	vadd.s32 $0xC0CAFB0D, v22;
	v29 =	vsub.f32 v29, v33;
	v33 =	vmul.f32 $5.000000000e-01, v25;
	v32 =	vld.idx.msk [tilespmem:v32+s5+$0x0], $0xffff  }
0x19f: {  	v39 =	vand.u32 $0x7FFFFFFF, v19;
	v40 =	vmul.f32 $5.000000000e-01, v19;
	v38 =	vand.u32 $0xFF800000, v18;
	v41 =	vld.idx.msk [tilespmem:v31+s4+$0x0], $0xffff  }
0x1a0: {  	v22 =	vsub.s32 v22, v38;
	v38 =	vand.u32 $0x7FFFFFFF, v29;
	v42 =	vmul.f32 $5.000000000e-01, v29;
	v31 =	vld.idx.msk [tilespmem:v31+s5+$0x0], $0xffff  }
0x1a1: {  	v22 =	vadd.f32 $-1.000000000e+00, v22;
	vm0 =	vlt.f32 v38, $1.000000000e+00;
	v38 =	vadd.f32 $-5.000000000e-01, v38;
	v43 =	vld.idx.msk [tilespmem:v28+s4+$0x0], $0xffff  }
0x1a2: {  	v19 =	vmul.f32 v40, v19;
	v40 =	vadd.f32 $-5.000000000e-01, v39;
	v29 =	vmul.f32 v42, v29;
	v28 =	vld.idx.msk [tilespmem:v28+s5+$0x0], $0xffff  }
0x1a3: {  	vm1 =	vlt.f32 v39, $1.000000000e+00;
	v39 =	vadd.f32 $-5.000000000e-01, v24;
	v42 =	vadd.f32 $2.000000000e+00, v22;
	v44 =	vld.idx.msk [tilespmem:v30+s4+$0x0], $0xffff  }
0x1a4: {  	v25 =	vmul.f32 v33, v25;
	v19 =	vsel vm1, v19, v40;
	v29 =	vsel vm0, v29, v38;
	v30 =	vld.idx.msk [tilespmem:v30+s5+$0x0], $0xffff  }
0x1a5: {  	vm0 =	vlt.f32 v24, $1.000000000e+00;
	v19 =	vadd.f32 v19, v29;
	v24 =	vld.idx.msk [tilespmem:v26+s4+$0x0], $0xffff;
	(erf) = vrcp.f32 v42  }
0x1a6: {  	v33 =	vadd.f32 $-5.000000000e-01, v23;
	v25 =	vsel vm0, v25, v39;
	v29 =	vmul.f32 v35, v27;
	v35 =	vld.idx.msk [tilespmem:v26+s5+$0x0], $0xffff  }
0x1a7: {  	v27 =	vor.u32 s12, v5;
	vm0 =	vlt.f32 v23, $1.000000000e+00;
	v19 =	vadd.f32 v25, v19  }
0x1a8: {  	v25 =	vor.u32 s12, v4;
	v29 =	vsel vm0, v29, v33;
	v26 =	vsub.f32 v36, v21  }
0x1a9: {  	s10 =	sadd.s32 $0x70, s10;
	v23 =	vor.u32 s12, v3;
	v19 =	vadd.f32 v29, v19;
	v29 =	vsub.f32 v34, v20  }
0x1aa: {  	v41 =	vsub.f32 v41, v31;
	v31 =	vsub.f32 v37, v32;
	v21 =	vadd.s32 s10, v11  }
0x1ab: {  	v39 =	vsub.f32 v43, v28;
	v20 =	vadd.s32 s10, v10;
	v38 =	vsub.f32 v44, v30  }
0x1ac: {  	v30 =	vmul.f32 $5.000000000e-01, v26;
	v40 =	vsub.f32 v24, v35;
	v24 =	vand.u32 $0x7FFFFFFF, v26  }
0x1ad: {  	v36 =	vand.u32 $0x7FFFFFFF, v31;
	v37 =	vand.u32 $0x7FFFFFFF, v29;
	v33 =	vmul.f32 $5.000000000e-01, v29  }
0x1ae: {  	v42 =	vand.u32 $0x7FFFFFFF, v41;
	v43 =	vmul.f32 $5.000000000e-01, v41;
	v35 =	vmul.f32 $5.000000000e-01, v31;
	v28 =	vpop (erf)  }
0x1af: {  	v44 =	vmul.f32 $5.000000000e-01, v39;
	v34 =	vmul.f32 v28, v22;
	v22 =	vand.u32 $0x7FFFFFFF, v39  }
0x1b0: {  	v45 =	vand.u32 $0x7FFFFFFF, v38;
	v46 =	vmul.f32 $5.000000000e-01, v38;
	v47 =	vand.u32 $0x7FFFFFFF, v40  }
0x1b1: {  	v48 =	vmul.f32 $5.000000000e-01, v40;
	v28 =	vadd.f32 $-5.000000000e-01, v24;
	v32 =	vmul.f32 v34, v34  }
0x1b2: {  	vm0 =	vlt.f32 v36, $1.000000000e+00;
	vm1 =	vlt.f32 v37, $1.000000000e+00;
	v37 =	vadd.f32 $-5.000000000e-01, v37  }
0x1b3: {  	v36 =	vadd.f32 $-5.000000000e-01, v36;
	v50 =	vadd.f32 $-5.000000000e-01, v22;
	v49 =	vmul.f32 $1.111111120e-01, v32  }
0x1b4: {  	vm2 =	vlt.f32 v42, $1.000000000e+00;
	v51 =	vadd.f32 $-5.000000000e-01, v45;
	v52 =	vadd.f32 $-5.000000000e-01, v47  }
.Ltmp2:
0x1b5: {  	v38 =	vmul.f32 v46, v38;
	v40 =	vmul.f32 v48, v40;
	v49 =	vadd.f32 $1.428571490e-01, v49;
	(pc) =	sbr.rel @p0 .LBB2_6-.Ltmp2, $4  }
0x1b6: {  	v44 =	vmul.f32 v44, v39;
	vm3 =	vlt.f32 v45, $1.000000000e+00;
	vm4 =	vlt.f32 v47, $1.000000000e+00  }
0x1b7: {  	v38 =	vsel vm3, v38, v51;
	v39 =	vsel vm4, v40, v52;
	v45 =	vmul.f32 v49, v32  }
0x1b8: {  	vm3 =	vlt.f32 v22, $1.000000000e+00;
	v39 =	vadd.f32 v39, v38;
	v38 =	vadd.f32 $-5.000000000e-01, v42  }
0x1b9: {  	s13 =	sshra.s32 s11, $0x2;
	s12 =	sadd.s32 $0x40, s12;
	v41 =	vmul.f32 v43, v41;
	v42 =	vsel vm3, v44, v50;
	v40 =	vadd.f32 $2.000000030e-01, v45  }
0x1ba: {  	v22 =	vld [tilespmem:s13+$0xD000];
	_ =	sdelay $0x3  }
0x1bb: {  	v43 =	vor.u32 s11, v0  }
0x1bc: {  	v44 =	vadd.s32 v43, v22;
	_ =	sdelay $0x1  }
0x1bd: {  	v45 =	vld.idx.msk [tilespmem:v27+s2+$0x0], $0xffff  }
0x1be: {  	v27 =	vld.idx.msk [tilespmem:v27+s3+$0x0], $0xffff  }
0x1bf: {  	v46 =	vld [tilespmem:s9+$0xD800]  }
0x1c0: {  	v44 =	vld.idx.msk [tilespmem:v44+s20+$0x0], $0xffff  }
0x1c1: {  	v39 =	vadd.f32 v42, v39;
	v31 =	vmul.f32 v35, v31;
	v29 =	vmul.f32 v33, v29;
	v60 =	vld.idx.msk [tilespmem:v23+s2+$0x0], $0xffff  }
0x1c2: {  	v34 =	vadd.f32 v34, v34;
	v62 =	vld.idx.msk [tilespmem:v23+s3+$0x0], $0xffff;
	v26 =	vmul.f32 v30, v26;
	v38 =	vsel vm2, v41, v38  }
0x1c3: {  	v30 =	vadd.s32 s10, v9;
	v42 =	vld.idx.msk [tilespmem:v21+s4+$0x0], $0xffff;
	v52 =	vadd.s32 s10, v8;
	v38 =	vadd.f32 v38, v39  }
0x1c4: {  	v21 =	vld.idx.msk [tilespmem:v21+s5+$0x0], $0xffff;
	v18 =	vshra.s32 v18, $0x17;
	v61 =	vmul.f32 v40, v32;
	v31 =	vsel vm0, v31, v36  }
0x1c5: {  	v53 =	vadd.s32 s10, v7;
	v31 =	vadd.f32 v31, v38;
	v38 =	vld.idx.msk [tilespmem:v20+s4+$0x0], $0xffff;
	v48 =	vmax.f32 v44, $1.000000000e-30  }
0x1c6: {  	v50 =	vmul.f32 v32, v34;
	v35 =	vadd.f32 $3.333333430e-01, v61;
	v63 =	vld.idx.msk [tilespmem:v43+s2+$0x0], $0xffff;
	v23 =	vadd.s32 $0xC0CAFB0D, v48  }
0x1c7: {  	v18 =	vcvt.s32.f32 v18;
	v29 =	vsel vm1, v29, v37;
	v49 =	vld.idx.msk [tilespmem:v43+s3+$0x0], $0xffff;
	v51 =	vand.u32 $0xFF800000, v23  }
0x1c8: {  	vm0 =	vlt.f32 v24, $1.000000000e+00;
	v32 =	vmul.f32 v35, v50;
	v43 =	vld.idx.msk [tilespmem:v20+s5+$0x0], $0xffff;
	v39 =	vsub.s32 v48, v51  }
0x1c9: {  	v26 =	vsel vm0, v26, v28;
	v28 =	vadd.s32 s10, v2;
	v24 =	vld.idx.msk [tilespmem:v30+s4+$0x0], $0xffff;
	v39 =	vadd.f32 $-1.000000000e+00, v39  }
0x1ca: {  	v18 =	vmul.f32 $6.931471820e-01, v18;
	v30 =	vld.idx.msk [tilespmem:v30+s5+$0x0], $0xffff;
	v20 =	vadd.f32 v29, v31;
	v31 =	vadd.f32 v32, v34  }
0x1cb: {  	v47 =	vld.idx.msk [tilespmem:v25+s2+$0x0], $0xffff;
	vm0 =	vgt.s32 v13, $0x0;
	v27 =	vsub.f32 v45, v27;
	v29 =	vadd.f32 $2.000000000e+00, v39  }
0x1cc: {  	v25 =	vld.idx.msk [tilespmem:v25+s3+$0x0], $0xffff;
	vm1 =	vgt.s32 v46, $0x0;
	v20 =	vadd.f32 v26, v20;
	v13 =	vadd.f32 v31, v18  }
0x1cd: {  	v18 =	vsel vm0, $0x3F800000, v1;
	v31 =	vsel vm1, $0x3F800000, v1;
	(erf) = vrcp.f32 v29  }
0x1ce: {  	v21 =	vsub.f32 v42, v21;
	v32 =	vld.idx.msk [tilespmem:v52+s5+$0x0], $0xffff;
	v31 =	vadd.f32 v31, v18;
	v20 =	vmul.f32 v20, v18  }
0x1cf: {  	v26 =	vld.idx.msk [tilespmem:v52+s4+$0x0], $0xffff;
	v15 =	vadd.f32 v18, v15;
	v19 =	vmul.f32 v19, v18;
	v24 =	vsub.f32 v24, v30  }
0x1d0: {  	v54 =	vld.idx.msk [tilespmem:v53+s4+$0x0], $0xffff;
	v55 =	vsub.f32 $0.0e+00, v13;
	v13 =	vadd.f32 v31, v17;
	v29 =	vadd.s32 s10, v6  }
0x1d1: {  	v57 =	vand.u32 $0x7FFFFFFF, v27;
	v56 =	vld.idx.msk [tilespmem:v28+s4+$0x0], $0xffff;
	v18 =	vadd.f32 v20, v16;
	v16 =	vsub.f32 v47, v25  }
0x1d2: {  	v30 =	vmul.f32 $5.000000000e-01, v21;
	v17 =	vld.idx.msk [tilespmem:v28+s5+$0x0], $0xffff;
	v28 =	vsub.f32 v60, v62;
	v19 =	vadd.f32 v19, v14  }
0x1d3: {  	v35 =	vld.idx.msk [tilespmem:v53+s5+$0x0], $0xffff;
	v36 =	vmul.f32 $5.000000000e-01, v24;
	v20 =	vmul.f32 v55, v31;
	v31 =	vsub.f32 v63, v49  }
0x1d4: {  	v14 =	vld [tilespmem:s13+$0xD800];
	v26 =	vsub.f32 v26, v32;
	v58 =	vand.u32 $0x7FFFFFFF, v16;
	v59 =	vmul.f32 $5.000000000e-01, v28  }
0x1d5: {  	s11 =	simm.s32 $0x0;
	s12 =	rddreg [dreg:$0xd];
	v62 =	vmul.f32 $5.000000000e-01, v16;
	v63 =	vand.u32 $0x7FFFFFFF, v28;
	v60 =	vand.u32 $0x7FFFFFFF, v31;
	v25 =	vld.idx.msk [tilespmem:v29+s4+$0x0], $0xffff  }
0x1d6: {  	v41 =	vmul.f32 $5.000000000e-01, v31;
	v52 =	vadd.f32 $-5.000000000e-01, v63;
	vm1 =	vlt.f32 v63, $1.000000000e+00;
	v29 =	vld.idx.msk [tilespmem:v29+s5+$0x0], $0xffff;
	[tilespmem:s11], [sflag:$0x1] =	stream.linear.gather [hbm4b:s12+s11], $0x2000, $0x38;
	v61 =	vpop (erf)  }
0x1d7: {  	v53 =	vadd.f32 $-5.000000000e-01, v58;
	v20 =	vadd.f32 v20, v12;
	v34 =	vmul.f32 $5.000000000e-01, v26;
	_ =	swait.ge [sflag:s1], $0x2000  }
0x1d8: {  	v28 =	vmul.f32 v59, v28;
	vm0 =	vlt.f32 v60, $1.000000000e+00;
	v31 =	vmul.f32 v41, v31;
	[sflag:s1] =	ssyncset.done $0x0  }
0x1d9: {  	v17 =	vsub.f32 v56, v17;
	v23 =	vshra.s32 v23, $0x17;
	v48 =	vadd.f32 $-5.000000000e-01, v60;
	s13 =	rddreg [dreg:$0xe];
	[sflag:s1] =	ssyncadd.s32 $0xFFFFE000  }
0x1da: {  	v16 =	vmul.f32 v62, v16;
	v28 =	vsel vm1, v28, v52;
	v23 =	vcvt.s32.f32 v23;
	[tilespmem:s2], [sflag:$0x1] =	stream.linear.gather [hbm4b:s13+s11], $0x2000, $0x38;
	[tilespmem:$0xE080] =	vst v63  }
0x1db: {  	v56 =	vand.u32 $0x7FFFFFFF, v17;
	v31 =	vsel vm0, v31, v48;
	vm0 =	vlt.f32 v58, $1.000000000e+00;
	_ =	swait.ge [sflag:s1], $0x2000  }
0x1dc: {  	vm2 =	vlt.f32 v56, $1.000000000e+00;
	v23 =	vmul.f32 $6.931471820e-01, v23;
	v12 =	vadd.f32 v28, v31;
	[sflag:s1] =	ssyncset.done $0x0  }
0x1dd: {  	v28 =	vmul.f32 $5.000000000e-01, v27;
	v16 =	vsel vm0, v16, v53;
	v31 =	vadd.f32 $-5.000000000e-01, v57;
	[sflag:s1] =	ssyncadd.s32 $0xFFFFE000  }
0x1de: {  	vm0 =	vlt.f32 v57, $1.000000000e+00;
	v57 =	vmul.f32 $5.000000000e-01, v17;
	v53 =	vadd.f32 $-5.000000000e-01, v56;
	[tilespmem:s3], [sflag:$0x1] =	stream.linear.gather [hbm4b:s14+s11], $0x2000, $0x38;
	[tilespmem:$0xE080] =	vst v63  }
0x1df: {  	v56 =	vor.u32 s11, v5;
	v12 =	vadd.f32 v16, v12;
	v16 =	vmul.f32 v28, v27;
	_ =	swait.ge [sflag:s1], $0x2000  }
0x1e0: {  	v27 =	vsub.f32 v38, v43;
	v17 =	vmul.f32 v57, v17;
	v37 =	vmul.f32 v61, v39;
	[sflag:s1] =	ssyncset.done $0x0  }
0x1e1: {  	v28 =	vsel vm0, v16, v31;
	v16 =	vsub.f32 v54, v35;
	v31 =	vand.u32 $0x7FFFFFFF, v24;
	[sflag:s1] =	ssyncadd.s32 $0xFFFFE000  }
0x1e2: {  	v54 =	vand.u32 $0x7FFFFFFF, v27;
	v25 =	vsub.f32 v25, v29;
	v59 =	vmul.f32 v37, v37;
	[tilespmem:s4], [sflag:$0x1] =	stream.linear.gather [hbm4b:s19+s11], $0x3800, $0x38;
	[tilespmem:$0xE080] =	vst v63  }
0x1e3: {  	v33 =	vmul.f32 $5.000000000e-01, v27;
	v35 =	vand.u32 $0x7FFFFFFF, v26;
	v17 =	vsel vm2, v17, v53;
	_ =	swait.ge [sflag:s1], $0x3800  }
0x1e4: {  	v62 =	vadd.f32 $-5.000000000e-01, v54;
	v60 =	vmul.f32 $5.000000000e-01, v25;
	v63 =	vmul.f32 $1.111111120e-01, v59;
	[sflag:s1] =	ssyncset.done $0x0  }
0x1e5: {  	v38 =	vand.u32 $0x7FFFFFFF, v16;
	v55 =	vmul.f32 $5.000000000e-01, v16;
	v58 =	vand.u32 $0x7FFFFFFF, v25;
	[sflag:s1] =	ssyncadd.s32 $0xFFFFC800  }
0x1e6: {  	v49 =	vadd.f32 $-5.000000000e-01, v58;
	v25 =	vmul.f32 v60, v25;
	v47 =	vadd.f32 $1.428571490e-01, v63;
	[tilespmem:s5], [sflag:$0x1] =	stream.linear.gather [hbm4b:s21+s11], $0x3800, $0x38;
	[tilespmem:$0xE080] =	vst v63  }
0x1e7: {  	vm1 =	vlt.f32 v54, $1.000000000e+00;
	v52 =	vadd.f32 $-5.000000000e-01, v38;
	vm3 =	vlt.f32 v58, $1.000000000e+00;
	_ =	swait.ge [sflag:s1], $0x3800  }
0x1e8: {  	v16 =	vmul.f32 v55, v16;
	v25 =	vsel vm3, v25, v49;
	v54 =	vmul.f32 v47, v59;
	[sflag:s1] =	ssyncset.done $0x0  }
0x1e9: {  	vm0 =	vlt.f32 v31, $1.000000000e+00;
	vm2 =	vlt.f32 v38, $1.000000000e+00;
	v17 =	vadd.f32 v25, v17;
	[sflag:s1] =	ssyncadd.s32 $0xFFFFC800  }
0x1ea: {  	v31 =	vadd.f32 $-5.000000000e-01, v31;
	v16 =	vsel vm2, v16, v52;
	v25 =	vadd.f32 $2.000000030e-01, v54;
	[tilespmem:s6], [sflag:$0x1] =	stream.linear.gather [hbm4b:s30+s11], $0x800, $0x38;
	[tilespmem:$0xE080] =	vst v63  }
0x1eb: {  	v26 =	vmul.f32 v34, v26;
	v55 =	vadd.f32 $-5.000000000e-01, v35;
	v16 =	vadd.f32 v16, v17;
	_ =	swait.ge [sflag:s1], $0x800  }
0x1ec: {  	v17 =	vmul.f32 v36, v24;
	v24 =	vmul.f32 v25, v59;
	v25 =	vadd.f32 v37, v37;
	[sflag:s1] =	ssyncset.done $0x0  }
0x1ed: {  	v12 =	vadd.f32 v28, v12;
	v27 =	vmul.f32 v33, v27;
	vm3 =	vlt.f32 v35, $1.000000000e+00;
	[sflag:s1] =	ssyncadd.s32 $0xFFFFF800  }
0x1ee: {  	v26 =	vsel vm3, v26, v55;
	v24 =	vadd.f32 $3.333333430e-01, v24;
	v57 =	vmul.f32 v59, v25;
	[tilespmem:s7], [sflag:$0x1] =	stream.linear.gather [hbm4b:s31+s11], $0x800, $0x38;
	[tilespmem:$0xE080] =	vst v63  }
0x1ef: {  	v27 =	vsel vm1, v27, v62;
	vm1 =	vgt.s32 v14, $0x0;
	v26 =	vadd.f32 v26, v16;
	_ =	swait.ge [sflag:s1], $0x800  }
0x1f0: {  	v29 =	vand.u32 $0x7FFFFFFF, v21;
	v17 =	vsel vm0, v17, v31;
	v24 =	vmul.f32 v24, v57;
	[sflag:s1] =	ssyncset.done $0x0  }
0x1f1: {  	s9 =	simm.s32 $0x0;
	v21 =	vmul.f32 v30, v21;
	v31 =	vor.u32 s11, v4;
	v17 =	vadd.f32 v17, v26;
	[sflag:s1] =	ssyncadd.s32 $0xFFFFF800  }
0x1f2: {  	v61 =	vadd.f32 $-5.000000000e-01, v29;
	vm0 =	vlt.f32 v29, $1.000000000e+00;
	v24 =	vadd.f32 v24, v25;
	v16 =	vld [tilespmem:s9+$0xD000]  }
0x1f3: {  	v29 =	vor.u32 s11, v0;
	v26 =	vor.u32 s11, v3;
	v17 =	vadd.f32 v27, v17;
	v25 =	vld.idx.msk [tilespmem:v56+s2+$0x0], $0xffff  }
0x1f4: {  	v21 =	vsel vm0, v21, v61;
	vm0 =	vgt.s32 v22, $0x0;
	v14 =	vadd.f32 v24, v23;
	v27 =	vld.idx.msk [tilespmem:v56+s3+$0x0], $0xffff  }
0x1f5: {  	v17 =	vadd.f32 v21, v17;
	v23 =	vsel vm0, $0x3F800000, v1;
	v24 =	vsel vm1, $0x3F800000, v1  }
0x1f6: {  	v24 =	vadd.f32 v24, v23;
	v14 =	vsub.f32 $0.0e+00, v14;
	v28 =	vld.idx.msk [tilespmem:v31+s2+$0x0], $0xffff  }
0x1f7: {  	v22 =	vld.idx.msk [tilespmem:v31+s3+$0x0], $0xffff;
	v21 =	vadd.s32 v29, v16  }
0x1f8: {  	v58 =	vmul.f32 v17, v23;
	v17 =	vadd.f32 v23, v15;
	v15 =	vmul.f32 v14, v24;
	v31 =	vld.idx.msk [tilespmem:v26+s2+$0x0], $0xffff  }
0x1f9: {  	v14 =	vadd.f32 v24, v13;
	v26 =	vld.idx.msk [tilespmem:v26+s3+$0x0], $0xffff;
	v24 =	vsub.f32 v25, v27;
	v27 =	vadd.s32 s11, v8  }
0x1fa: {  	v61 =	vld.idx.msk [tilespmem:v29+s2+$0x0], $0xffff  }
0x1fb: {  	v60 =	vadd.s32 s11, v10;
	v59 =	vmul.f32 v12, v23;
	v23 =	vld.idx.msk [tilespmem:v29+s3+$0x0], $0xffff  }
0x1fc: {  	v21 =	vld.idx.msk [tilespmem:v21+s20+$0x0], $0xffff  }
0x1fd: {  	v13 =	vadd.f32 v59, v19;
	v19 =	vadd.s32 s11, v9  }
0x1fe: {  	v30 =	vadd.s32 s11, v11;
	v12 =	vadd.f32 v58, v18;
	v15 =	vadd.f32 v15, v20;
	v54 =	vld.idx.msk [tilespmem:v27+s4+$0x0], $0xffff  }
0x1ff: {  	v20 =	vadd.s32 s11, v7;
	v29 =	vadd.s32 s11, v2;
	v22 =	vsub.f32 v28, v22;
	v56 =	vld.idx.msk [tilespmem:v27+s5+$0x0], $0xffff  }
0x200: {  	v32 =	vld.idx.msk [tilespmem:v60+s4+$0x0], $0xffff;
	v28 =	vadd.s32 s11, v6;
	v26 =	vsub.f32 v31, v26;
	v23 =	vsub.f32 v61, v23  }
0x201: {  	v62 =	vld.idx.msk [tilespmem:v60+s5+$0x0], $0xffff;
	v31 =	vand.u32 $0x7FFFFFFF, v24;
	v63 =	vand.u32 $0x7FFFFFFF, v22;
	v21 =	vmax.f32 v21, $1.000000000e-30  }
0x202: {  	v49 =	vld.idx.msk [tilespmem:v19+s4+$0x0], $0xffff;
	v48 =	vmul.f32 $5.000000000e-01, v24;
	v50 =	vmul.f32 $5.000000000e-01, v22;
	v18 =	vadd.s32 $0xC0CAFB0D, v21  }
0x203: {  	v51 =	vld.idx.msk [tilespmem:v19+s5+$0x0], $0xffff;
	v52 =	vand.u32 $0x7FFFFFFF, v26;
	v53 =	vmul.f32 $5.000000000e-01, v26;
	v19 =	vand.u32 $0xFF800000, v18  }
0x204: {  	v58 =	vld.idx.msk [tilespmem:v20+s4+$0x0], $0xffff;
	v55 =	vmul.f32 $5.000000000e-01, v23;
	v41 =	vsub.f32 v54, v56;
	v19 =	vsub.s32 v21, v19  }
0x205: {  	v59 =	vld.idx.msk [tilespmem:v20+s5+$0x0], $0xffff;
	vm1 =	vlt.f32 v52, $1.000000000e+00;
	v22 =	vmul.f32 v50, v22;
	v57 =	vadd.f32 $-1.000000000e+00, v19  }
0x206: {  	v25 =	vld.idx.msk [tilespmem:v30+s4+$0x0], $0xffff;
	v27 =	vadd.f32 $-5.000000000e-01, v63;
	v40 =	vand.u32 $0x7FFFFFFF, v41;
	v21 =	vand.u32 $0x7FFFFFFF, v23  }
0x207: {  	v30 =	vld.idx.msk [tilespmem:v30+s5+$0x0], $0xffff;
	vm0 =	vlt.f32 v21, $1.000000000e+00;
	v19 =	vadd.f32 $-5.000000000e-01, v21;
	v20 =	vadd.f32 $2.000000000e+00, v57  }
0x208: {  	v60 =	vld.idx.msk [tilespmem:v29+s4+$0x0], $0xffff;
	v21 =	vmul.f32 v55, v23;
	v23 =	vmul.f32 v53, v26;
	v26 =	vadd.f32 $-5.000000000e-01, v52  }
0x209: {  	v61 =	vld.idx.msk [tilespmem:v28+s5+$0x0], $0xffff;
	v43 =	vmul.f32 $5.000000000e-01, v41;
	vm2 =	vlt.f32 v40, $1.000000000e+00;
	(erf) = vrcp.f32 v20  }
0x20a: {  	v38 =	vadd.f32 $-5.000000000e-01, v40;
	v19 =	vsel vm0, v21, v19;
	v21 =	vsel vm1, v23, v26;
	v26 =	vld.idx.msk [tilespmem:v29+s5+$0x0], $0xffff  }
0x20b: {  	s11 =	simm.s32 $0x40;
	v41 =	vmul.f32 v43, v41;
	vm0 =	vlt.f32 v63, $1.000000000e+00;
	v29 =	vld.idx.msk [tilespmem:v28+s4+$0x0], $0xffff;
	v28 =	vsub.f32 v32, v62  }
0x20c: {  	v23 =	vor.u32 s11, v4;
	v62 =	vsub.f32 v58, v59;
	v19 =	vadd.f32 v21, v19  }
0x20d: {  	v21 =	vmul.f32 v48, v24;
	v24 =	vor.u32 s11, v5;
	v20 =	vsel vm0, v22, v27  }
0x20e: {  	v22 =	vadd.f32 $-5.000000000e-01, v31;
	vm0 =	vlt.f32 v31, $1.000000000e+00;
	v27 =	vsub.f32 v25, v30  }
0x20f: {  	v31 =	vsub.f32 v49, v51;
	v55 =	vand.u32 $0x7FFFFFFF, v28;
	v32 =	vmul.f32 $5.000000000e-01, v28  }
0x210: {  	v42 =	vand.u32 $0x7FFFFFFF, v62;
	v56 =	vmul.f32 $5.000000000e-01, v62;
	v19 =	vadd.f32 v20, v19  }
0x211: {  	vm1 =	vlt.f32 v55, $1.000000000e+00;
	v36 =	vadd.f32 $-5.000000000e-01, v55;
	v50 =	vadd.f32 $-5.000000000e-01, v42  }
0x212: {  	s10 =	simm.s32 $0x70;
	v20 =	vsel vm0, v21, v22;
	v22 =	vor.u32 s11, v3;
	v63 =	vsub.f32 v29, v61;
	v29 =	vpop (erf)  }
0x213: {  	v21 =	vadd.s32 s10, v11;
	v25 =	vand.u32 $0x7FFFFFFF, v27;
	v34 =	vmul.f32 v29, v57  }
0x214: {  	v30 =	vmul.f32 $5.000000000e-01, v27;
	v37 =	vand.u32 $0x7FFFFFFF, v31;
	v35 =	vmul.f32 $5.000000000e-01, v31  }
0x215: {  	v44 =	vmul.f32 v56, v62;
	v26 =	vsub.f32 v60, v26;
	v33 =	vmul.f32 v34, v34  }
0x216: {  	v19 =	vadd.f32 v20, v19;
	v20 =	vadd.s32 s10, v10;
	v60 =	vmul.f32 $5.000000000e-01, v63  }
0x217: {  	v58 =	vmul.f32 $5.000000000e-01, v26;
	v59 =	vand.u32 $0x7FFFFFFF, v63;
	v61 =	vmul.f32 $1.111111120e-01, v33  }
0x218: {  	v52 =	vadd.f32 $-5.000000000e-01, v59;
	v39 =	vmul.f32 v60, v63;
	v57 =	vand.u32 $0x7FFFFFFF, v26  }
0x219: {  	v26 =	vmul.f32 v58, v26;
	v51 =	vadd.f32 $-5.000000000e-01, v57;
	v49 =	vadd.f32 $1.428571490e-01, v61  }
0x21a: {  	vm0 =	vlt.f32 v37, $1.000000000e+00;
	vm4 =	vlt.f32 v59, $1.000000000e+00;
	vm3 =	vlt.f32 v57, $1.000000000e+00  }
0x21b: {  	v63 =	vsel vm4, v39, v52;
	v26 =	vsel vm3, v26, v51;
	v62 =	vmul.f32 v49, v33  }
0x21c: {  	v37 =	vadd.f32 $-5.000000000e-01, v37;
	vm3 =	vlt.f32 v42, $1.000000000e+00;
	v39 =	vadd.f32 v63, v26  }
0x21d: {  	s12 =	simm.s32 $0x80;
	s13 =	simm.s32 $0x10;
	v29 =	vadd.f32 $-5.000000000e-01, v25;
	v42 =	vsel vm3, v44, v50;
	v40 =	vadd.f32 $2.000000030e-01, v62  }
.LBB2_8:
0x21e: {  	p0 =	sne.s32 s12, $0x1FC0;
	v26 =	vld [tilespmem:s13+$0xD000];
	v39 =	vadd.f32 v42, v39;
	v31 =	vmul.f32 v35, v31;
	v28 =	vmul.f32 v32, v28  }
0x21f: {  	v34 =	vadd.f32 v34, v34;
	v32 =	vmul.f32 v40, v33;
	v35 =	vsel vm2, v41, v38  }
0x220: {  	v27 =	vmul.f32 v30, v27;
	v38 =	vld.idx.msk [tilespmem:v24+s2+$0x0], $0xffff;
	v35 =	vadd.f32 v35, v39;
	v28 =	vsel vm1, v28, v36  }
0x221: {  	v31 =	vsel vm0, v31, v37;
	v24 =	vld.idx.msk [tilespmem:v24+s3+$0x0], $0xffff;
	v30 =	vadd.f32 $3.333333430e-01, v32;
	v32 =	vmul.f32 v33, v34  }
0x222: {  	v18 =	vshra.s32 v18, $0x17;
	v33 =	vor.u32 s11, v0;
	s11 =	smov.u32 s12;
	v36 =	vld [tilespmem:s9+$0xD800];
	v31 =	vadd.f32 v31, v35;
	s9 =	smov.u32 s13  }
0x223: {  	v18 =	vcvt.s32.f32 v18;
	v35 =	vadd.s32 v33, v26;
	v37 =	vld.idx.msk [tilespmem:v23+s2+$0x0], $0xffff;
	v30 =	vmul.f32 v30, v32  }
0x224: {  	vm0 =	vlt.f32 v25, $1.000000000e+00;
	v32 =	vadd.s32 s10, v9;
	v23 =	vld.idx.msk [tilespmem:v23+s3+$0x0], $0xffff;
	v28 =	vadd.f32 v28, v31  }
0x225: {  	v18 =	vmul.f32 $6.931471820e-01, v18;
	v27 =	vsel vm0, v27, v29;
	v25 =	vld.idx.msk [tilespmem:v22+s2+$0x0], $0xffff;
	v30 =	vadd.f32 v30, v34  }
0x226: {  	v29 =	vadd.s32 s10, v7;
	v31 =	vadd.s32 s10, v8;
	v22 =	vld.idx.msk [tilespmem:v22+s3+$0x0], $0xffff;
	v27 =	vadd.f32 v27, v28  }
0x227: {  	vm0 =	vgt.s32 v16, $0x0;
	v16 =	vmovc v26;
	v28 =	vld.idx.msk [tilespmem:v33+s2+$0x0], $0xffff;
	vm1 =	vgt.s32 v36, $0x0;
	v18 =	vadd.f32 v30, v18  }
0x228: {  	v34 =	vsel vm0, $0x3F800000, v1;
	v30 =	vadd.s32 s10, v2;
	v26 =	vld.idx.msk [tilespmem:v35+s20+$0x0], $0xffff;
	v35 =	vsel vm1, $0x3F800000, v1  }
0x229: {  	v27 =	vmul.f32 v27, v34;
	v33 =	vld.idx.msk [tilespmem:v33+s3+$0x0], $0xffff;
	v18 =	vsub.f32 $0.0e+00, v18;
	v35 =	vadd.f32 v35, v34  }
0x22a: {  	v24 =	vsub.f32 v38, v24;
	v17 =	vadd.f32 v34, v17;
	v19 =	vmul.f32 v19, v34;
	v36 =	vld.idx.msk [tilespmem:v21+s4+$0x0], $0xffff  }
0x22b: {  	v12 =	vadd.f32 v27, v12;
	v21 =	vld.idx.msk [tilespmem:v21+s5+$0x0], $0xffff;
	v18 =	vmul.f32 v18, v35;
	v14 =	vadd.f32 v35, v14  }
0x22c: {  	v13 =	vadd.f32 v19, v13;
	v23 =	vsub.f32 v37, v23;
	v27 =	vadd.s32 s10, v6;
	v34 =	vld.idx.msk [tilespmem:v20+s4+$0x0], $0xffff  }
0x22d: {  	v19 =	vsub.f32 v25, v22;
	v22 =	vand.u32 $0x7FFFFFFF, v24;
	v20 =	vld.idx.msk [tilespmem:v20+s5+$0x0], $0xffff;
	v15 =	vadd.f32 v18, v15  }
0x22e: {  	v35 =	vmul.f32 $5.000000000e-01, v24;
	v25 =	vmax.f32 v26, $1.000000000e-30;
	v26 =	vand.u32 $0x7FFFFFFF, v23;
	v37 =	vld.idx.msk [tilespmem:v32+s4+$0x0], $0xffff  }
0x22f: {  	v18 =	vadd.s32 $0xC0CAFB0D, v25;
	v28 =	vsub.f32 v28, v33;
	v33 =	vmul.f32 $5.000000000e-01, v23;
	v32 =	vld.idx.msk [tilespmem:v32+s5+$0x0], $0xffff  }
0x230: {  	v39 =	vand.u32 $0x7FFFFFFF, v19;
	v40 =	vmul.f32 $5.000000000e-01, v19;
	v38 =	vand.u32 $0xFF800000, v18;
	v41 =	vld.idx.msk [tilespmem:v31+s4+$0x0], $0xffff  }
0x231: {  	v25 =	vsub.s32 v25, v38;
	v38 =	vand.u32 $0x7FFFFFFF, v28;
	v42 =	vmul.f32 $5.000000000e-01, v28;
	v31 =	vld.idx.msk [tilespmem:v31+s5+$0x0], $0xffff  }
0x232: {  	v43 =	vadd.f32 $-1.000000000e+00, v25;
	vm0 =	vlt.f32 v38, $1.000000000e+00;
	v25 =	vadd.f32 $-5.000000000e-01, v38;
	v38 =	vld.idx.msk [tilespmem:v29+s4+$0x0], $0xffff  }
0x233: {  	v19 =	vmul.f32 v40, v19;
	v40 =	vadd.f32 $-5.000000000e-01, v39;
	v28 =	vmul.f32 v42, v28;
	v29 =	vld.idx.msk [tilespmem:v29+s5+$0x0], $0xffff  }
0x234: {  	vm1 =	vlt.f32 v39, $1.000000000e+00;
	v39 =	vadd.f32 $-5.000000000e-01, v26;
	v42 =	vadd.f32 $2.000000000e+00, v43;
	v44 =	vld.idx.msk [tilespmem:v30+s4+$0x0], $0xffff  }
0x235: {  	v23 =	vmul.f32 v33, v23;
	v19 =	vsel vm1, v19, v40;
	v25 =	vsel vm0, v28, v25;
	v30 =	vld.idx.msk [tilespmem:v30+s5+$0x0], $0xffff  }
0x236: {  	vm0 =	vlt.f32 v26, $1.000000000e+00;
	v19 =	vadd.f32 v19, v25;
	v25 =	vld.idx.msk [tilespmem:v27+s4+$0x0], $0xffff;
	(erf) = vrcp.f32 v42  }
0x237: {  	v26 =	vmul.f32 v35, v24;
	v28 =	vadd.f32 $-5.000000000e-01, v22;
	v23 =	vsel vm0, v23, v39;
	v33 =	vld.idx.msk [tilespmem:v27+s5+$0x0], $0xffff  }
0x238: {  	v24 =	vor.u32 s12, v5;
	vm0 =	vlt.f32 v22, $1.000000000e+00;
	v19 =	vadd.f32 v23, v19  }
0x239: {  	v26 =	vsel vm0, v26, v28;
	v23 =	vor.u32 s12, v4;
	v27 =	vsub.f32 v36, v21  }
0x23a: {  	s10 =	sadd.s32 $0x70, s10;
	v22 =	vor.u32 s12, v3;
	v28 =	vsub.f32 v34, v20;
	v19 =	vadd.f32 v26, v19  }
0x23b: {  	v21 =	vadd.s32 s10, v11;
	v26 =	vsub.f32 v41, v31;
	v31 =	vsub.f32 v37, v32  }
0x23c: {  	v20 =	vadd.s32 s10, v10;
	v38 =	vsub.f32 v38, v29;
	v39 =	vsub.f32 v44, v30  }
0x23d: {  	v30 =	vmul.f32 $5.000000000e-01, v27;
	v40 =	vsub.f32 v25, v33;
	v25 =	vand.u32 $0x7FFFFFFF, v27  }
0x23e: {  	v36 =	vand.u32 $0x7FFFFFFF, v28;
	v32 =	vmul.f32 $5.000000000e-01, v28;
	v37 =	vand.u32 $0x7FFFFFFF, v31  }
0x23f: {  	v41 =	vand.u32 $0x7FFFFFFF, v26;
	v44 =	vmul.f32 $5.000000000e-01, v26;
	v35 =	vmul.f32 $5.000000000e-01, v31;
	v29 =	vpop (erf)  }
0x240: {  	v42 =	vand.u32 $0x7FFFFFFF, v38;
	v34 =	vmul.f32 v29, v43;
	v43 =	vmul.f32 $5.000000000e-01, v38  }
0x241: {  	v45 =	vand.u32 $0x7FFFFFFF, v39;
	v46 =	vmul.f32 $5.000000000e-01, v39;
	v47 =	vand.u32 $0x7FFFFFFF, v40  }
0x242: {  	v48 =	vmul.f32 $5.000000000e-01, v40;
	v29 =	vadd.f32 $-5.000000000e-01, v25;
	v33 =	vmul.f32 v34, v34  }
0x243: {  	vm1 =	vlt.f32 v36, $1.000000000e+00;
	v36 =	vadd.f32 $-5.000000000e-01, v36;
	vm0 =	vlt.f32 v37, $1.000000000e+00  }
0x244: {  	v50 =	vadd.f32 $-5.000000000e-01, v42;
	v37 =	vadd.f32 $-5.000000000e-01, v37;
	v49 =	vmul.f32 $1.111111120e-01, v33  }
0x245: {  	vm2 =	vlt.f32 v41, $1.000000000e+00;
	v51 =	vadd.f32 $-5.000000000e-01, v45;
	v52 =	vadd.f32 $-5.000000000e-01, v47  }
.Ltmp3:
0x246: {  	v39 =	vmul.f32 v46, v39;
	v40 =	vmul.f32 v48, v40;
	v49 =	vadd.f32 $1.428571490e-01, v49;
	(pc) =	sbr.rel @p0 .LBB2_8-.Ltmp3, $4  }
0x247: {  	vm3 =	vlt.f32 v45, $1.000000000e+00;
	vm4 =	vlt.f32 v47, $1.000000000e+00;
	v43 =	vmul.f32 v43, v38  }
0x248: {  	v38 =	vsel vm3, v39, v51;
	v39 =	vsel vm4, v40, v52;
	v45 =	vmul.f32 v49, v33  }
0x249: {  	vm3 =	vlt.f32 v42, $1.000000000e+00;
	v39 =	vadd.f32 v39, v38;
	v38 =	vadd.f32 $-5.000000000e-01, v41  }
0x24a: {  	s13 =	sshra.s32 s11, $0x2;
	s12 =	sadd.s32 $0x40, s12;
	v41 =	vmul.f32 v44, v26;
	v42 =	vsel vm3, v43, v50;
	v40 =	vadd.f32 $2.000000030e-01, v45  }
0x24b: {  	_ =	sdelay $0x1  }
0x24c: {  	v26 =	vld [tilespmem:s13+$0xD000];
	_ =	sdelay $0x1  }
0x24d: {  	v43 =	vor.u32 s11, v0;
	v31 =	vmul.f32 v35, v31;
	v35 =	vld.idx.msk [tilespmem:v24+s2+$0x0], $0xffff  }
0x24e: {  	v39 =	vadd.f32 v42, v39;
	v34 =	vadd.f32 v34, v34;
	v24 =	vld.idx.msk [tilespmem:v24+s3+$0x0], $0xffff;
	v28 =	vmul.f32 v32, v28  }
0x24f: {  	v42 =	vld [tilespmem:s9+$0xD800];
	v27 =	vmul.f32 v30, v27;
	v18 =	vshra.s32 v18, $0x17;
	v52 =	vadd.s32 s10, v9  }
0x250: {  	v49 =	vld.idx.msk [tilespmem:v23+s2+$0x0], $0xffff;
	vm12 =	vlt.f32 v25, $1.000000000e+00;
	v58 =	vadd.s32 s10, v8;
	v44 =	vadd.s32 v43, v26  }
0x251: {  	v51 =	vld.idx.msk [tilespmem:v23+s3+$0x0], $0xffff;
	vm13 =	vgt.s32 v16, $0x0;
	v40 =	vmul.f32 v40, v33;
	v38 =	vsel vm2, v41, v38  }
0x252: {  	v53 =	vld.idx.msk [tilespmem:v22+s2+$0x0], $0xffff;
	v18 =	vcvt.s32.f32 v18;
	v16 =	vsel vm13, $0x3F800000, v1;
	v63 =	vadd.f32 v38, v39  }
0x253: {  	v57 =	vld.idx.msk [tilespmem:v22+s3+$0x0], $0xffff;
	v46 =	vmul.f32 v33, v34;
	v31 =	vsel vm0, v31, v37;
	v28 =	vsel vm1, v28, v36  }
0x254: {  	v56 =	vsel vm12, v27, v29;
	v36 =	vld.idx.msk [tilespmem:v21+s4+$0x0], $0xffff;
	v19 =	vmul.f32 v19, v16;
	v45 =	vadd.f32 $3.333333430e-01, v40  }
0x255: {  	v17 =	vadd.f32 v16, v17;
	v55 =	vmul.f32 $6.931471820e-01, v18;
	v48 =	vadd.f32 v31, v63;
	v47 =	vld.idx.msk [tilespmem:v44+s20+$0x0], $0xffff  }
0x256: {  	v39 =	vld.idx.msk [tilespmem:v21+s5+$0x0], $0xffff;
	v63 =	vadd.s32 s10, v7;
	v13 =	vadd.f32 v19, v13;
	v50 =	vmul.f32 v45, v46  }
0x257: {  	vm14 =	vgt.s32 v42, $0x0;
	v24 =	vsub.f32 v35, v24;
	v23 =	vsub.f32 v49, v51;
	v31 =	vld.idx.msk [tilespmem:v52+s4+$0x0], $0xffff  }
0x258: {  	v22 =	vsub.f32 v53, v57;
	v51 =	vld.idx.msk [tilespmem:v52+s5+$0x0], $0xffff;
	v52 =	vadd.s32 s10, v6;
	vm12 =	vgt.s32 v26, $0x0  }
0x259: {  	v59 =	vld.idx.msk [tilespmem:v43+s2+$0x0], $0xffff;
	v28 =	vadd.f32 v28, v48;
	v38 =	vsel vm14, $0x3F800000, v1;
	v48 =	vadd.s32 s10, v2  }
0x25a: {  	v61 =	vld.idx.msk [tilespmem:v43+s3+$0x0], $0xffff;
	v54 =	vadd.f32 v50, v34;
	v21 =	vadd.f32 v38, v16;
	v60 =	vmax.f32 v47, $1.000000000e-30  }
0x25b: {  	v53 =	vand.u32 $0x7FFFFFFF, v23;
	v45 =	vand.u32 $0x7FFFFFFF, v22;
	v34 =	vadd.s32 $0xC0CAFB0D, v60  }
0x25c: {  	v27 =	vld.idx.msk [tilespmem:v58+s5+$0x0], $0xffff;
	v18 =	vadd.f32 v56, v28;
	vm4 =	vlt.f32 v45, $1.000000000e+00;
	v62 =	vand.u32 $0xFF800000, v34  }
0x25d: {  	v38 =	vld.idx.msk [tilespmem:v20+s4+$0x0], $0xffff;
	vm5 =	vlt.f32 v53, $1.000000000e+00;
	v30 =	vadd.f32 v54, v55;
	v29 =	vsub.s32 v60, v62  }
0x25e: {  	v20 =	vld.idx.msk [tilespmem:v20+s5+$0x0], $0xffff;
	v55 =	vmul.f32 $5.000000000e-01, v22;
	v14 =	vadd.f32 v21, v14;
	v29 =	vadd.f32 $-1.000000000e+00, v29  }
0x25f: {  	v54 =	vld.idx.msk [tilespmem:v58+s4+$0x0], $0xffff;
	v58 =	vmul.f32 $5.000000000e-01, v23;
	v50 =	vsub.f32 v59, v61;
	v59 =	vadd.f32 $-5.000000000e-01, v45  }
0x260: {  	v45 =	vand.u32 $0x7FFFFFFF, v24;
	v28 =	vsub.f32 v31, v51;
	v49 =	vadd.f32 $2.000000000e+00, v29  }
0x261: {  	v16 =	vmul.f32 v18, v16;
	v30 =	vsub.f32 $0.0e+00, v30;
	v22 =	vmul.f32 v55, v22  }
0x262: {  	v23 =	vmul.f32 v58, v23;
	vm6 =	vlt.f32 v45, $1.000000000e+00;
	(erf) = vrcp.f32 v49  }
0x263: {  	v56 =	vand.u32 $0x7FFFFFFF, v50;
	v57 =	vmul.f32 $5.000000000e-01, v50;
	v20 =	vsub.f32 v38, v20  }
0x264: {  	v55 =	vmul.f32 $5.000000000e-01, v28;
	v30 =	vmul.f32 v30, v21;
	v46 =	vadd.f32 $-5.000000000e-01, v56  }
0x265: {  	v37 =	vld.idx.msk [tilespmem:v63+s5+$0x0], $0xffff;
	vm15 =	vlt.f32 v56, $1.000000000e+00;
	v22 =	vsel vm4, v22, v59;
	v25 =	vmul.f32 v57, v50  }
0x266: {  	v27 =	vsub.f32 v54, v27;
	v38 =	vand.u32 $0x7FFFFFFF, v20;
	v47 =	vld.idx.msk [tilespmem:v63+s4+$0x0], $0xffff;
	v63 =	vmul.f32 $5.000000000e-01, v24  }
0x267: {  	v44 =	vld.idx.msk [tilespmem:v52+s4+$0x0], $0xffff;
	v15 =	vadd.f32 v30, v15;
	vm14 =	vlt.f32 v38, $1.000000000e+00;
	v25 =	vsel vm15, v25, v46  }
0x268: {  	v46 =	vld.idx.msk [tilespmem:v52+s5+$0x0], $0xffff;
	v52 =	vand.u32 $0x7FFFFFFF, v28;
	v41 =	vand.u32 $0x7FFFFFFF, v27;
	v28 =	vmul.f32 v55, v28  }
0x269: {  	v55 =	vsel vm12, $0x3F800000, v1;
	v22 =	vadd.f32 v22, v25;
	v24 =	vmul.f32 v63, v24  }
0x26a: {  	v61 =	vld.idx.msk [tilespmem:v48+s4+$0x0], $0xffff;
	vm7 =	vlt.f32 v52, $1.000000000e+00;
	v63 =	vadd.f32 $-5.000000000e-01, v38;
	v34 =	vshra.s32 v34, $0x17  }
0x26b: {  	vm11 =	vlt.f32 v41, $1.000000000e+00;
	v17 =	vadd.f32 v55, v17;
	v60 =	vadd.f32 $-5.000000000e-01, v53;
	v62 =	vld.idx.msk [tilespmem:v48+s5+$0x0], $0xffff;
	v49 =	vpop (erf)  }
0x26c: {  	v48 =	vadd.f32 $-5.000000000e-01, v45;
	v53 =	vmul.f32 $5.000000000e-01, v27;
	v29 =	vmul.f32 v49, v29  }
0x26d: {  	v34 =	vcvt.s32.f32 v34;
	v23 =	vsel vm5, v23, v60;
	v51 =	vsub.f32 v47, v37  }
0x26e: {  	v24 =	vsel vm6, v24, v48;
	v27 =	vmul.f32 v53, v27;
	v33 =	vmul.f32 v29, v29  }
0x26f: {  	v22 =	vadd.f32 v23, v22;
	v25 =	vsub.f32 v44, v46;
	v56 =	vand.u32 $0x7FFFFFFF, v51  }
0x270: {  	v57 =	vmul.f32 $5.000000000e-01, v51;
	v50 =	vsub.f32 v61, v62;
	v54 =	vmul.f32 $1.111111120e-01, v33  }
0x271: {  	v59 =	vmul.f32 $5.000000000e-01, v25;
	v60 =	vand.u32 $0x7FFFFFFF, v25;
	v48 =	vadd.f32 $-5.000000000e-01, v56  }
0x272: {  	vm10 =	vlt.f32 v56, $1.000000000e+00;
	v43 =	vmul.f32 $5.000000000e-01, v50;
	v40 =	vadd.f32 $1.428571490e-01, v54  }
0x273: {  	v62 =	vadd.f32 $-5.000000000e-01, v60;
	v58 =	vand.u32 $0x7FFFFFFF, v50;
	v25 =	vmul.f32 v59, v25  }
0x274: {  	v61 =	vadd.f32 $-5.000000000e-01, v58;
	v31 =	vmul.f32 v43, v50;
	v40 =	vmul.f32 v40, v33  }
0x275: {  	vm9 =	vlt.f32 v60, $1.000000000e+00;
	v32 =	vmul.f32 v57, v51;
	vm8 =	vlt.f32 v58, $1.000000000e+00  }
0x276: {  	v25 =	vsel vm9, v25, v62;
	v31 =	vsel vm8, v31, v61;
	v40 =	vadd.f32 $2.000000030e-01, v40  }
0x277: {  	v23 =	vsub.f32 v36, v39;
	v32 =	vsel vm10, v32, v48;
	v25 =	vadd.f32 v25, v31  }
0x278: {  	v50 =	vadd.f32 $-5.000000000e-01, v41;
	v29 =	vadd.f32 v29, v29;
	v40 =	vmul.f32 v40, v33  }
0x279: {  	v37 =	vmul.f32 $5.000000000e-01, v20;
	v36 =	vadd.f32 $-5.000000000e-01, v52;
	v25 =	vadd.f32 v32, v25  }
0x27a: {  	v27 =	vsel vm11, v27, v50;
	v33 =	vmul.f32 v33, v29;
	v49 =	vadd.f32 $3.333333430e-01, v40  }
0x27b: {  	v20 =	vmul.f32 v37, v20;
	v30 =	vand.u32 $0x7FFFFFFF, v23;
	v51 =	vld [tilespmem:s13+$0xD800];
	v25 =	vadd.f32 v27, v25  }
0x27c: {  	v35 =	vmul.f32 $5.000000000e-01, v23;
	v53 =	vsel vm7, v28, v36;
	v31 =	vmul.f32 v49, v33  }
0x27d: {  	v52 =	vmul.f32 $6.931471820e-01, v34;
	v57 =	vadd.f32 $-5.000000000e-01, v30;
	v25 =	vadd.f32 v53, v25  }
0x27e: {  	v20 =	vsel vm14, v20, v63;
	v23 =	vmul.f32 v35, v23;
	v29 =	vadd.f32 v31, v29  }
0x27f: {  	vm15 =	vlt.f32 v30, $1.000000000e+00;
	v59 =	vadd.f32 v24, v22;
	v20 =	vadd.f32 v20, v25  }
0x280: {  	v60 =	vsel vm15, v23, v57;
	vm13 =	vgt.s32 v51, $0x0;
	v54 =	vadd.f32 v29, v52  }
0x281: {  	v62 =	vmul.f32 v59, v55;
	v56 =	vsel vm13, $0x3F800000, v1;
	v61 =	vadd.f32 v60, v20  }
0x282: {  	v28 =	vadd.f32 v56, v55;
	v26 =	vsub.f32 $0.0e+00, v54  }
0x283: {  	v12 =	vadd.f32 v16, v12;
	v13 =	vadd.f32 v62, v13;
	v63 =	vmul.f32 v61, v55  }
0x284: {  	[tilespmem:$0xE020] =	vst v17;
	v14 =	vadd.f32 v28, v14;
	v58 =	vmul.f32 v26, v28  }
0x285: {  	[tilespmem:$0xE030] =	vst v13;
	v12 =	vadd.f32 v63, v12  }
0x286: {  	s8 =	sadd.s32 $0x1, s8;
	[tilespmem:$0xE010] =	vst v14;
	v15 =	vadd.f32 v58, v15  }
0x287: {  	p0 =	sne.s32 s8, s0;
	[tilespmem:$0xE040] =	vst v12  }
.Ltmp4:
0x288: {  	s13 =	simm.s32 $0xE000;
	[tilespmem:$0xE000] =	vst v15;
	(pc) =	sbr.rel @p0 .LBB2_1-.Ltmp4, $4  }
0x289: {  	[hbm4b:s28+s20] =	stream.linear.scatter [tilespmem:s13], [sflag:$0x1], $0x50, $0x38;
	[tilespmem:$0xE080] =	vst v63  }
0x28a: {  	_ =	swait.ge [sflag:s1], $0x50  }
0x28b: {  	[sflag:s1] =	ssyncset.done $0x0  }
0x28c: {  	[sflag:s1] =	ssyncadd.s32 $0xFFFFFFB0  }
0x28d: {  	_ =	sfence.sel $0x180000  }
0x28e: {  	[bflag:$0x0] =	sbarrier.arrive $0xFFFF  }
0x28f: {  	_ =	strace $0x90000047  }
0x290: {  	s0 =	stileid.u32;
	[bflag:$0x2] =	sbarrier.arrive $0xFFFF  }
0x291: {  	p0 =	sne.s32 s0, $0x0;
	s0 =	rddreg [dreg:$0x1]  }
0x292: {  	s0 =	sadd.s32 @!p0 $0x100000, s0  }
0x293: {  	[sflag:s0] =	ssyncadd.tile.s32 @!p0 $0x1;
	_ =	shalt  }
.Lfunc_end2:
_tile_overlayer_lowered:
.L_overlay_start_2:
0x294: {  	(tag) =	ssettag $0x2  }
0x295: {  	s0 =	rddreg [dreg:$0x0];
	s2 =	stileid.u32  }
0x296: {  	s1 =	rddreg [dreg:$0x1];
	p0 =	sne.s32 s2, $0x0  }
0x297: {  	s3 =	rddreg [dreg:$0x2];
	[bflag:$0x3] =	sbarrier.arrive $0xFFFF;
	s2 =	simm.s32 @!p0 $0x1C01  }
0x298: {  	[timem:s3], [sflag:s2] =	dma.local @!p0 [hbm:s0], s1  }
0x299: {  	s0 =	simm.s32 @!p0 $0x1  }
0x29a: {  	_ =	swait.ge @!p0 [sflag:s0], s1  }
0x29b: {  	s1 =	ssub.s32 @!p0 $0x0, s1;
	[sflag:s0] =	ssyncset.done @!p0 $0x0  }
0x29c: {  	[sflag:s0] =	ssyncadd.s32 @!p0 s1  }
0x29d: {  	[bflag:$0x3] =	sbarrier.arrive $0xFFFF  }
0x29e: {  	_ =	shalt  }

</sc_bundles>
